<compile_context>
chip_gen: v7x
topology: tpu7x:2x2x1
jax: 0.10.2.dev20260603
libtpu: 0.0.44.dev20260713+nightly
codegen_flags: <defaults>
</compile_context>

<pallas_src>
import functools
import math

import jax
import jax.numpy as jnp
from jax import lax
from jax.experimental import pallas as pl
from jax.experimental.pallas import tpu as pltpu
from jax.experimental.pallas import tpu_sc as plsc

NF = 100000
K = 200
H = 64
B = 1024
NW = 32
RPW = B // NW
NVR = NF // 16
HBITS = 12
HSIZE = 1 << HBITS
HSHIFT = 31 - HBITS
CAP = 512
CAPV = CAP // 16

BBLK = 32


def _sc_topk_build():
    mesh = plsc.VectorSubcoreMesh(core_axis_name="c", subcore_axis_name="s")

    @functools.partial(
        pl.kernel,
        mesh=mesh,
        compiler_params=pltpu.CompilerParams(needs_layout_passes=False),
        out_type=[
            jax.ShapeDtypeStruct((B, K), jnp.float32),
            jax.ShapeDtypeStruct((B, K, 128), jnp.float32),
        ],
        scratch_types=[
            pltpu.VMEM((NF,), jnp.float32),
            pltpu.VMEM((HSIZE,), jnp.int32),
            pltpu.VMEM((CAP,), jnp.int32),
            pltpu.VMEM((CAP,), jnp.int32),
            pltpu.VMEM((CAP,), jnp.int32),
            pltpu.VMEM((CAP,), jnp.int32),
            pltpu.VMEM((K,), jnp.float32),
            pltpu.VMEM((104,), jnp.int32),
            pltpu.VMEM((96,), jnp.int32),
            pltpu.VMEM((104, 128), jnp.float32),
            pltpu.SemaphoreType.DMA,
            pltpu.SemaphoreType.DMA,
        ],
    )
    def topk(x_hbm, emb_hbm, val_hbm, tok_hbm,
             xbuf, hist, ck, cs, ci, rk, ov, oia, oib, rows, sem, sem2):
        cid = lax.axis_index("c")
        sid = lax.axis_index("s")
        wid = sid * 2 + cid
        iota = lax.iota(jnp.int32, 16)
        zeros16 = jnp.zeros((16,), jnp.int32)
        ones16 = jnp.ones((16,), jnp.int32)
        def do_row(j, _):
            row = wid * RPW + j

            @plsc.parallel_loop(0, HSIZE // 16, unroll=8)
            def _(t):
                hist[pl.ds(t * 16, 16)] = zeros16

            pltpu.make_async_copy(x_hbm.at[row], xbuf, sem2).wait()

            @plsc.parallel_loop(0, NVR, unroll=8)
            def _(t):
                v = xbuf[pl.ds(t * 16, 16)]
                kb = (lax.bitcast_convert_type(v, jnp.int32)
                      & jnp.int32(0x7FFFFFFF))
                bkt = lax.shift_right_logical(kb, HSHIFT)
                plsc.addupdate_scatter(hist, [bkt], ones16)

            def gcond(c):
                g, acc, accp = c
                return (acc < K) & (g >= 0)

            def gbody(c):
                g, acc, accp = c
                sv = hist[pl.ds(g * 128, 16)]
                for u in range(1, 8):
                    sv = sv + hist[pl.ds(g * 128 + u * 16, 16)]
                return g - 1, acc + jnp.sum(sv), acc

            gf, _, accp = lax.while_loop(
                gcond, gbody,
                (jnp.int32(HSIZE // 128 - 1), jnp.int32(0), jnp.int32(0)))
            gc = gf + 1

            def tcond(c):
                jj, acc, T, ngt = c
                return (acc < K) & (jj >= gc * 8)

            def tbody(c):
                jj, acc, T, ngt = c
                h = hist[pl.ds(jj * 16, 16)]
                r = lax.rev(h, (0,))
                cum = plsc.cumsum(r)
                tot = jnp.sum(h)
                crossing = (acc + tot) >= K
                mk = (acc + cum) >= K
                p = plsc.all_reduce_ffs(mk)[0]
                csel = jnp.sum(jnp.where(iota == p, cum, 0))
                rsel = jnp.sum(jnp.where(iota == p, r, 0))
                t_new = jj * 16 + (15 - p)
                ngt_new = acc + csel - rsel
                T = jnp.where(crossing, t_new, T)
                ngt = jnp.where(crossing, ngt_new, ngt)
                return jj - 1, acc + tot, T, ngt

            _, _, T, ngt = lax.while_loop(
                tcond, tbody,
                (gc * 8 + 7, accp, jnp.int32(0), jnp.int32(0)))

            @plsc.parallel_loop(0, NVR, unroll=4, carry=jnp.int32(0))
            def off(t, off):
                v = xbuf[pl.ds(t * 16, 16)]
                sk = lax.bitcast_convert_type(v, jnp.int32)
                kb = sk & jnp.int32(0x7FFFFFFF)
                msk = lax.shift_right_logical(kb, HSHIFT) >= T
                n = plsc.all_reduce_population_count(msk)[0]
                o = jnp.minimum(off, CAP - 16)
                plsc.store_compressed(ck.at[pl.ds(o, 16)], sk, mask=msk)
                plsc.store_compressed(ci.at[pl.ds(o, 16)], t * 16 + iota,
                                      mask=msk)
                return off + n

            m = jnp.minimum(off, jnp.int32(CAP))

            @pl.when(j < RPW - 1)
            def _():
                pltpu.async_copy(x_hbm.at[row + 1], xbuf, sem2)

            nv = (m + 15) // 16

            @plsc.parallel_loop(0, CAP // 16, unroll=8)
            def _(t):
                cs[pl.ds(t * 16, 16)] = (ck[pl.ds(t * 16, 16)]
                                         & jnp.int32(0x7FFFFFFF))
            cs[pl.ds(jnp.minimum(m, CAP - 16), 16)] = zeros16 - 1

            def outer(jv, _):
                A = cs[pl.ds(jv * 16, 16)]
                rank_vec = zeros16
                for l0 in range(0, 16, 8):
                    kks = [A[l0 + d] for d in range(8)]
                    poss = [jv * 16 + l0 + d for d in range(8)]

                    def inner(jb, cnts):
                        Bv = cs[pl.ds(jb * 16, 16)]
                        posB = jb * 16 + iota
                        out = []
                        for d in range(8):
                            gt = Bv > kks[d]
                            eq = (Bv == kks[d]) & (posB < poss[d])
                            out.append(cnts[d] + gt.astype(jnp.int32)
                                       + eq.astype(jnp.int32))
                        return tuple(out)

                    cnts = lax.fori_loop(0, nv, inner,
                                         (zeros16,) * 8)
                    for d in range(8):
                        rank_vec = jnp.where(iota == l0 + d,
                                             jnp.sum(cnts[d]), rank_vec)
                rk[pl.ds(jv * 16, 16)] = rank_vec
                return 0
            lax.fori_loop(0, nv, outer, 0)

            def scat(jv, _):
                rv = rk[pl.ds(jv * 16, 16)]
                keys = cs[pl.ds(jv * 16, 16)]
                svals = lax.bitcast_convert_type(ck[pl.ds(jv * 16, 16)],
                                                 jnp.float32)
                idxs = ci[pl.ds(jv * 16, 16)]
                posv = jv * 16 + iota
                mm = (rv < K) & (posv < m)
                fid = jnp.where(keys == 0, 0, idxs + 1)
                plsc.store_scatter(ov, [rv], svals, mask=mm)
                ma = mm & (rv < 104)
                mb = mm & (rv >= 104)
                plsc.store_scatter(oia, [rv], fid, mask=ma)
                plsc.store_scatter(oib, [rv - 104], fid, mask=mb)
                return 0
            lax.fori_loop(0, nv, scat, 0)

            pltpu.sync_copy(ov, val_hbm.at[row])
            pltpu.async_copy(emb_hbm.at[oia], rows, sem).wait()
            pltpu.sync_copy(rows, tok_hbm.at[row, pl.ds(0, 104)])
            pltpu.async_copy(emb_hbm.at[oib], rows.at[pl.ds(0, 96)], sem).wait()
            pltpu.sync_copy(rows.at[pl.ds(0, 96)], tok_hbm.at[row, pl.ds(104, 96)])
            return 0

        pltpu.async_copy(x_hbm.at[wid * RPW], xbuf, sem2)
        lax.fori_loop(0, RPW, do_row, 0)

    return topk


_sc_topk = _sc_topk_build()


def _dense_body(vals_ref, tok_ref, w1_ref, b1_ref, w2_ref, b2_ref, g_ref, bt_ref,
                out_ref, am_ref):
    v = vals_ref[...]
    tok = tok_ref[...][:, :, :H]
    w1 = w1_ref[...]
    b1 = b1_ref[...]
    w2 = w2_ref[...]
    b2 = b2_ref[...]
    g = g_ref[...]
    bt = bt_ref[...]

    h = v[:, :, None] * w1[0][None, None, :] + b1[0][None, None, :]
    h = 0.5 * h * (1.0 + jax.lax.erf(h * (1.0 / math.sqrt(2.0))))
    ve = jax.lax.dot_general(h, w2, (((2,), (1,)), ((), ())),
                             preferred_element_type=jnp.float32)
    z = tok + ve + b2[0][None, None, :]
    mean = jnp.mean(z, axis=-1, keepdims=True)
    zc = z - mean
    var = jnp.mean(zc * zc, axis=-1, keepdims=True)
    normed = zc * jax.lax.rsqrt(var + 1e-5) * g[0][None, None, :] + bt[0][None, None, :]

    active = (v != 0.0)
    am = active.astype(jnp.int32)
    empty = jnp.sum(am, axis=1) == 0
    pos0 = jax.lax.broadcasted_iota(jnp.int32, (BBLK, K, 1), 1) == 0
    kill = empty[:, None, None] & pos0
    out_ref[...] = jnp.where(kill, 0.0, normed)
    am_ref[...] = jnp.where(empty[:, None] & (pos0[:, :, 0]), 1, am)


def _dense_stage(vals, tok, W1c, b1, W2, b2, gamma, beta):
    grid = (B // BBLK,)
    out, am = pl.pallas_call(
        _dense_body,
        grid=grid,
        in_specs=[
            pl.BlockSpec((BBLK, K), lambda i: (i, 0)),
            pl.BlockSpec((BBLK, K, 128), lambda i: (i, 0, 0)),
            pl.BlockSpec((1, H), lambda i: (0, 0)),
            pl.BlockSpec((1, H), lambda i: (0, 0)),
            pl.BlockSpec((H, H), lambda i: (0, 0)),
            pl.BlockSpec((1, H), lambda i: (0, 0)),
            pl.BlockSpec((1, H), lambda i: (0, 0)),
            pl.BlockSpec((1, H), lambda i: (0, 0)),
        ],
        out_specs=[
            pl.BlockSpec((BBLK, K, H), lambda i: (i, 0, 0)),
            pl.BlockSpec((BBLK, K), lambda i: (i, 0)),
        ],
        out_shape=[
            jax.ShapeDtypeStruct((B, K, H), jnp.float32),
            jax.ShapeDtypeStruct((B, K), jnp.int32),
        ],
    )(vals, tok, W1c, b1, W2, b2, gamma, beta)
    return out, am


def kernel(x, emb, W1, b1, W2, b2, gamma, beta):
    embp = jnp.pad(emb, ((0, 0), (0, 128 - H)))
    vals, tok = _sc_topk(x, embp)
    out, am = _dense_stage(
        vals, tok,
        W1.reshape(1, H), b1.reshape(1, H), W2, b2.reshape(1, H),
        gamma.reshape(1, H), beta.reshape(1, H))
    return out, am.astype(jnp.int64)

# --- scband reference (transcript-rebuilt; emitter-appended) ---
"""Pipeline reference for scband-feature-tokenizer-9818295239297 (READ-ONLY COPY).

The authoritative reference and input builder live on the scoring server;
editing this copy changes nothing except your own understanding.
"""

import jax, jax.numpy as jnp
import numpy as np

NUM_FEATURES = 100000
HIDDEN = 64
MAX_TOKENS = 200
BATCH = 1024


def setup_inputs(seed: int = 0) -> dict:
    key = jax.random.key(seed)
    ks = jax.random.split(key, 6)
    x = jax.random.normal(ks[0], (BATCH, NUM_FEATURES), dtype=jnp.float32)
    emb = jax.random.normal(ks[1], (NUM_FEATURES + 1, HIDDEN), dtype=jnp.float32) * 0.02
    emb = emb.at[0].set(0.0)  # padding_idx=0
    W1 = jax.random.normal(ks[2], (HIDDEN, 1), dtype=jnp.float32) * 0.5
    b1 = jnp.zeros((HIDDEN,), dtype=jnp.float32)
    W2 = jax.random.normal(ks[3], (HIDDEN, HIDDEN), dtype=jnp.float32) * 0.125
    b2 = jnp.zeros((HIDDEN,), dtype=jnp.float32)
    gamma = jnp.ones((HIDDEN,), dtype=jnp.float32)
    beta = jnp.zeros((HIDDEN,), dtype=jnp.float32)
    return {"x": x, "emb": emb, "W1": W1, "b1": b1, "W2": W2, "b2": b2, "gamma": gamma, "beta": beta}


def reference(x, emb, W1, b1, W2, b2, gamma, beta):
    batch_size, num_features = x.shape
    k = min(MAX_TOKENS, num_features)
    scores = jnp.abs(x)
    top_values, top_indices = jax.lax.top_k(scores, k)
    original_values = jnp.take_along_axis(x, top_indices, axis=1)
    feature_ids = top_indices + 1
    active_mask = top_values > 0
    feature_ids = jnp.where(active_mask, feature_ids, 0)
    original_values = jnp.where(active_mask, original_values, 0.0)
    token_embeds = jnp.take(emb, feature_ids, axis=0)
    h = original_values[..., None] @ W1.T + b1
    h = jax.nn.gelu(h, approximate=False)
    value_embeds = h @ W2.T + b2
    z = token_embeds + value_embeds
    mean = jnp.mean(z, axis=-1, keepdims=True)
    var = jnp.mean((z - mean) ** 2, axis=-1, keepdims=True)
    inputs_embeds = (z - mean) / jnp.sqrt(var + 1e-5) * gamma + beta
    attention_mask = active_mask.astype(jnp.int64)
    empty_rows = attention_mask.sum(axis=1) == 0
    pos0 = (jnp.arange(k) == 0)
    inputs_embeds = jnp.where(empty_rows[:, None, None] & pos0[None, :, None], 0.0, inputs_embeds)
    attention_mask = attention_mask.at[:, 0].set(jnp.where(empty_rows, 1, attention_mask[:, 0]))
    return (inputs_embeds, attention_mask)

if __name__ == "__main__":
    import jax
    _d = setup_inputs()
    print(jax.jit(kernel)(*tuple(_d.values())))

</pallas_src>

<mosaic_0001>
#map = affine_map<(d0, d1) -> (0, 0)>
#map1 = affine_map<(d0, d1) -> (0, 0, 0)>
module attributes {stable_mosaic.version = 14 : i64} {
  func.func @topk(%arg0: i32, %arg1: i32, %arg2: memref<1024x100000xf32, #tpu.memory_space<hbm>>, %arg3: memref<100001x128xf32, #tpu.memory_space<hbm>>, %arg4: memref<1024x200xf32, #tpu.memory_space<hbm>>, %arg5: memref<1024x200x128xf32, #tpu.memory_space<hbm>>, %arg6: memref<100000xf32, #tpu.memory_space<vmem>>, %arg7: memref<4096xi32, #tpu.memory_space<vmem>>, %arg8: memref<512xi32, #tpu.memory_space<vmem>>, %arg9: memref<512xi32, #tpu.memory_space<vmem>>, %arg10: memref<512xi32, #tpu.memory_space<vmem>>, %arg11: memref<512xi32, #tpu.memory_space<vmem>>, %arg12: memref<200xf32, #tpu.memory_space<vmem>>, %arg13: memref<104xi32, #tpu.memory_space<vmem>>, %arg14: memref<96xi32, #tpu.memory_space<vmem>>, %arg15: memref<104x128xf32, #tpu.memory_space<vmem>>, %arg16: memref<!tpu.dma_semaphore, #tpu.memory_space<semaphore_mem>>, %arg17: memref<!tpu.dma_semaphore, #tpu.memory_space<semaphore_mem>>) attributes {dimension_semantics = [#tpu.dimension_semantics<core_parallel>, #tpu.dimension_semantics<subcore_parallel>], iteration_bounds = array<i64: 2, 16>, scalar_prefetch = 0 : i64, scratch_operands = 12 : i64, tpu.core_type = #tpu.core_type<sc_vector_subcore>, window_params = [{transform_indices = #map}, {transform_indices = #map}, {transform_indices = #map}, {transform_indices = #map1}]} {
    %mul3A = arith.constant 2 : i32
    %mul3A_0 = arith.muli %arg1, %mul3A : i32
    %add3A = arith.addi %mul3A_0, %arg0 : i32
    %iota3A = tpu.iota {dimensions = array<i32: 0>} : vector<16xi32>
    %broadcast_in_dim3A = arith.constant 0 : i32
    %broadcast_in_dim3A_1 = vector.broadcast %broadcast_in_dim3A : i32 to vector<16xi32>
    %broadcast_in_dim3A_2 = arith.constant 1 : i32
    %broadcast_in_dim3A_3 = vector.broadcast %broadcast_in_dim3A_2 : i32 to vector<16xi32>
    %mul3A_4 = arith.constant 32 : i32
    %mul3A_5 = arith.muli %add3A, %mul3A_4 : i32
    %dma_start3A = arith.constant 0 : i32
    %dma_start3A_6 = tpu.memref_slice %arg2[%mul3A_5, %dma_start3A] : memref<1024x100000xf32, #tpu.memory_space<hbm>> -> memref<1x100000xf32, #tpu.memory_space<hbm>>
    %dma_start3A_7 = tpu.memref_squeeze %dma_start3A_6 : memref<1x100000xf32, #tpu.memory_space<hbm>> -> memref<100000xf32, #tpu.memory_space<hbm>>
    %dma_start3A_8 = arith.constant 0 : i32
    %dma_start3A_9 = tpu.memref_slice %arg2[%mul3A_5, %dma_start3A_8] : memref<1024x100000xf32, #tpu.memory_space<hbm>> -> memref<1x100000xf32, #tpu.memory_space<hbm>>
    %dma_start3A_10 = tpu.memref_squeeze %dma_start3A_9 : memref<1x100000xf32, #tpu.memory_space<hbm>> -> memref<100000xf32, #tpu.memory_space<hbm>>
    tpu.enqueue_dma source(%dma_start3A_10 : memref<100000xf32, #tpu.memory_space<hbm>>) target(%arg6 : memref<100000xf32, #tpu.memory_space<vmem>>) target_semaphore(%arg17 : memref<!tpu.dma_semaphore, #tpu.memory_space<semaphore_mem>>)
    %scan3A = arith.constant 0 : i32
    %scan3A_11 = arith.constant 0 : i32
    %scan3A_12 = arith.constant 32 : i32
    %scan3A_13 = arith.addi %scan3A_11, %scan3A_12 : i32
    %scan3A_14 = arith.constant 1 : i32
    %scan3A_15 = scf.for %scan3A_17 = %scan3A_11 to %scan3A_13 step %scan3A_14 iter_args(%scan3A_18 = %scan3A) -> (i32)  : i32 {
      %mul3A_19 = arith.constant 32 : i32
      %mul3A_20 = arith.muli %add3A, %mul3A_19 : i32
      %add3A_21 = arith.addi %mul3A_20, %scan3A_17 : i32
      %parallel_loop3A = arith.constant 0 : i32
      %parallel_loop3A_22 = arith.constant 256 : i32
      %parallel_loop3A_23 = arith.constant 1 : i32
      scf.for %parallel_loop3A_122 = %parallel_loop3A to %parallel_loop3A_22 step %parallel_loop3A_23  : i32 {
        %parallel_loop3A_123 = arith.constant 16 : i32
        %parallel_loop3A_124 = arith.muli %parallel_loop3A_122, %parallel_loop3A_123 : i32
        %parallel_loop3A_125 = arith.index_cast %parallel_loop3A_124 : i32 to index
        %parallel_loop3A_126 = tpu.vector_load %arg7[%parallel_loop3A_125] {strides = array<i32>} : memref<4096xi32, #tpu.memory_space<vmem>>, vector<16xi32>,
        tpu.vector_store %arg7[%parallel_loop3A_125], %broadcast_in_dim3A_1 {strides = array<i32>} : memref<4096xi32, #tpu.memory_space<vmem>>, vector<16xi32>,
      } {sc.loop_unroll_factor = 8 : i64, sc.parallel_access}
      %dma_wait3A = arith.constant 0 : i32
      %dma_wait3A_24 = tpu.memref_slice %arg2[%add3A_21, %dma_wait3A] : memref<1024x100000xf32, #tpu.memory_space<hbm>> -> memref<1x100000xf32, #tpu.memory_space<hbm>>
      %dma_wait3A_25 = tpu.memref_squeeze %dma_wait3A_24 : memref<1x100000xf32, #tpu.memory_space<hbm>> -> memref<100000xf32, #tpu.memory_space<hbm>>
      %dma_wait3A_26 = arith.constant 0 : i32
      %dma_wait3A_27 = tpu.memref_slice %arg2[%add3A_21, %dma_wait3A_26] : memref<1024x100000xf32, #tpu.memory_space<hbm>> -> memref<1x100000xf32, #tpu.memory_space<hbm>>
      %dma_wait3A_28 = tpu.memref_squeeze %dma_wait3A_27 : memref<1x100000xf32, #tpu.memory_space<hbm>> -> memref<100000xf32, #tpu.memory_space<hbm>>
      tpu.wait_dma2 semaphore(%arg17 : memref<!tpu.dma_semaphore, #tpu.memory_space<semaphore_mem>>) src(%dma_wait3A_28 : memref<100000xf32, #tpu.memory_space<hbm>>) dst(%arg6 : memref<100000xf32, #tpu.memory_space<vmem>>)
      %parallel_loop3A_29 = arith.constant 0 : i32
      %parallel_loop3A_30 = arith.constant 6250 : i32
      %parallel_loop3A_31 = arith.constant 1 : i32
      scf.for %parallel_loop3A_122 = %parallel_loop3A_29 to %parallel_loop3A_30 step %parallel_loop3A_31  : i32 {
        %parallel_loop3A_123 = arith.constant 16 : i32
        %parallel_loop3A_124 = arith.muli %parallel_loop3A_122, %parallel_loop3A_123 : i32
        %parallel_loop3A_125 = arith.index_cast %parallel_loop3A_124 : i32 to index
        %parallel_loop3A_126 = tpu.vector_load %arg6[%parallel_loop3A_125] {strides = array<i32>} : memref<100000xf32, #tpu.memory_space<vmem>>, vector<16xf32>,
        %parallel_loop3A_127 = tpu.bitcast %parallel_loop3A_126 : vector<16xf32> -> vector<16xi32>
        %parallel_loop3A_128 = arith.constant 2147483647 : i32
        %parallel_loop3A_129 = vector.broadcast %parallel_loop3A_128 : i32 to vector<16xi32>
        %parallel_loop3A_130 = arith.andi %parallel_loop3A_127, %parallel_loop3A_129 : vector<16xi32>
        %parallel_loop3A_131 = arith.constant 19 : i32
        %parallel_loop3A_132 = vector.broadcast %parallel_loop3A_131 : i32 to vector<16xi32>
        %parallel_loop3A_133 = arith.shrui %parallel_loop3A_130, %parallel_loop3A_132 : vector<16xi32>
        tpu.vector_store_idx %arg7[%parallel_loop3A_133], %broadcast_in_dim3A_3 {add = true} : memref<4096xi32, #tpu.memory_space<vmem>>[vector<16xi32>], vector<16xi32>,
      } {sc.loop_unroll_factor = 8 : i64, sc.parallel_access}
      %while3A = arith.constant 31 : i32
      %while3A_32 = arith.constant 0 : i32
      %while3A_33 = arith.constant 0 : i32
      %while3A_34:3 = scf.while (%while3A_122 = %while3A, %while3A_123 = %while3A_32, %while3A_124 = %while3A_33) : (i32, i32, i32) -> (i32, i32, i32) {
        %lt3A_125 = arith.constant 200 : i32
        %lt3A_126 = arith.cmpi slt, %while3A_123, %lt3A_125 : i32
        %ge3A = arith.constant 0 : i32
        %ge3A_127 = arith.cmpi sge, %while3A_122, %ge3A : i32
        %and3A_128 = arith.andi %lt3A_126, %ge3A_127 : i1
        scf.condition(%and3A_128) %while3A_122, %while3A_123, %while3A_124 : i32, i32, i32
      } do {
      ^bb0(%while3A_122: i32, %while3A_123: i32, %while3A_124: i32):
        %mul3A_125 = arith.constant 128 : i32
        %mul3A_126 = arith.muli %while3A_122, %mul3A_125 : i32
        %get3A = arith.index_cast %mul3A_126 : i32 to index
        %get3A_127 = tpu.vector_load %arg7[%get3A] {strides = array<i32>} : memref<4096xi32, #tpu.memory_space<vmem>>, vector<16xi32>,
        %mul3A_128 = arith.constant 128 : i32
        %mul3A_129 = arith.muli %while3A_122, %mul3A_128 : i32
        %add3A_130 = arith.constant 16 : i32
        %add3A_131 = arith.addi %mul3A_129, %add3A_130 : i32
        %get3A_132 = arith.index_cast %add3A_131 : i32 to index
        %get3A_133 = tpu.vector_load %arg7[%get3A_132] {strides = array<i32>} : memref<4096xi32, #tpu.memory_space<vmem>>, vector<16xi32>,
        %add3A_134 = arith.addi %get3A_127, %get3A_133 : vector<16xi32>
        %mul3A_135 = arith.constant 128 : i32
        %mul3A_136 = arith.muli %while3A_122, %mul3A_135 : i32
        %add3A_137 = arith.constant 32 : i32
        %add3A_138 = arith.addi %mul3A_136, %add3A_137 : i32
        %get3A_139 = arith.index_cast %add3A_138 : i32 to index
        %get3A_140 = tpu.vector_load %arg7[%get3A_139] {strides = array<i32>} : memref<4096xi32, #tpu.memory_space<vmem>>, vector<16xi32>,
        %add3A_141 = arith.addi %add3A_134, %get3A_140 : vector<16xi32>
        %mul3A_142 = arith.constant 128 : i32
        %mul3A_143 = arith.muli %while3A_122, %mul3A_142 : i32
        %add3A_144 = arith.constant 48 : i32
        %add3A_145 = arith.addi %mul3A_143, %add3A_144 : i32
        %get3A_146 = arith.index_cast %add3A_145 : i32 to index
        %get3A_147 = tpu.vector_load %arg7[%get3A_146] {strides = array<i32>} : memref<4096xi32, #tpu.memory_space<vmem>>, vector<16xi32>,
        %add3A_148 = arith.addi %add3A_141, %get3A_147 : vector<16xi32>
        %mul3A_149 = arith.constant 128 : i32
        %mul3A_150 = arith.muli %while3A_122, %mul3A_149 : i32
        %add3A_151 = arith.constant 64 : i32
        %add3A_152 = arith.addi %mul3A_150, %add3A_151 : i32
        %get3A_153 = arith.index_cast %add3A_152 : i32 to index
        %get3A_154 = tpu.vector_load %arg7[%get3A_153] {strides = array<i32>} : memref<4096xi32, #tpu.memory_space<vmem>>, vector<16xi32>,
        %add3A_155 = arith.addi %add3A_148, %get3A_154 : vector<16xi32>
        %mul3A_156 = arith.constant 128 : i32
        %mul3A_157 = arith.muli %while3A_122, %mul3A_156 : i32
        %add3A_158 = arith.constant 80 : i32
        %add3A_159 = arith.addi %mul3A_157, %add3A_158 : i32
        %get3A_160 = arith.index_cast %add3A_159 : i32 to index
        %get3A_161 = tpu.vector_load %arg7[%get3A_160] {strides = array<i32>} : memref<4096xi32, #tpu.memory_space<vmem>>, vector<16xi32>,
        %add3A_162 = arith.addi %add3A_155, %get3A_161 : vector<16xi32>
        %mul3A_163 = arith.constant 128 : i32
        %mul3A_164 = arith.muli %while3A_122, %mul3A_163 : i32
        %add3A_165 = arith.constant 96 : i32
        %add3A_166 = arith.addi %mul3A_164, %add3A_165 : i32
        %get3A_167 = arith.index_cast %add3A_166 : i32 to index
        %get3A_168 = tpu.vector_load %arg7[%get3A_167] {strides = array<i32>} : memref<4096xi32, #tpu.memory_space<vmem>>, vector<16xi32>,
        %add3A_169 = arith.addi %add3A_162, %get3A_168 : vector<16xi32>
        %mul3A_170 = arith.constant 128 : i32
        %mul3A_171 = arith.muli %while3A_122, %mul3A_170 : i32
        %add3A_172 = arith.constant 112 : i32
        %add3A_173 = arith.addi %mul3A_171, %add3A_172 : i32
        %get3A_174 = arith.index_cast %add3A_173 : i32 to index
        %get3A_175 = tpu.vector_load %arg7[%get3A_174] {strides = array<i32>} : memref<4096xi32, #tpu.memory_space<vmem>>, vector<16xi32>,
        %add3A_176 = arith.addi %add3A_169, %get3A_175 : vector<16xi32>
        %sub3A_177 = arith.constant 1 : i32
        %sub3A_178 = arith.subi %while3A_122, %sub3A_177 : i32
        %reduce_sum3A = arith.constant true
        %reduce_sum3A_179 = vector.broadcast %reduce_sum3A : i1 to vector<16xi1>
        %reduce_sum3A_180 = tpu.scan <sum>, %add3A_176 masked %reduce_sum3A_179 : vector<16xi32>, vector<16xi1> -> vector<16xi32>
        %reduce_sum3A_181 = vector.extract %reduce_sum3A_180[15] : i32 from vector<16xi32>
        %add3A_182 = arith.addi %while3A_123, %reduce_sum3A_181 : i32
        scf.yield %sub3A_178, %add3A_182, %while3A_123 : i32, i32, i32
      }
      %add3A_35 = arith.constant 1 : i32
      %add3A_36 = arith.addi %while3A_34#0, %add3A_35 : i32
      %mul3A_37 = arith.constant 8 : i32
      %mul3A_38 = arith.muli %add3A_36, %mul3A_37 : i32
      %add3A_39 = arith.constant 7 : i32
      %add3A_40 = arith.addi %mul3A_38, %add3A_39 : i32
      %while3A_41 = arith.constant 0 : i32
      %while3A_42 = arith.constant 0 : i32
      %while3A_43:4 = scf.while (%while3A_122 = %add3A_40, %while3A_123 = %while3A_34#2, %while3A_124 = %while3A_41, %while3A_125 = %while3A_42) : (i32, i32, i32, i32) -> (i32, i32, i32, i32) {
        %lt3A_126 = arith.constant 200 : i32
        %lt3A_127 = arith.cmpi slt, %while3A_123, %lt3A_126 : i32
        %mul3A_128 = arith.constant 8 : i32
        %mul3A_129 = arith.muli %add3A_36, %mul3A_128 : i32
        %ge3A = arith.cmpi sge, %while3A_122, %mul3A_129 : i32
        %and3A_130 = arith.andi %lt3A_127, %ge3A : i1
        scf.condition(%and3A_130) %while3A_122, %while3A_123, %while3A_124, %while3A_125 : i32, i32, i32, i32
      } do {
      ^bb0(%while3A_122: i32, %while3A_123: i32, %while3A_124: i32, %while3A_125: i32):
        %mul3A_126 = arith.constant 16 : i32
        %mul3A_127 = arith.muli %while3A_122, %mul3A_126 : i32
        %get3A = arith.index_cast %mul3A_127 : i32 to index
        %get3A_128 = tpu.vector_load %arg7[%get3A] {strides = array<i32>} : memref<4096xi32, #tpu.memory_space<vmem>>, vector<16xi32>,
        %rev3A = arith.constant 15 : i32
        %rev3A_129 = vector.broadcast %rev3A : i32 to vector<16xi32>
        %rev3A_130 = tpu.iota {dimensions = array<i32: 0>} : vector<16xi32>
        %rev3A_131 = arith.subi %rev3A_129, %rev3A_130 : vector<16xi32>
        %rev3A_132 = tpu.dynamic_gather %get3A_128[%rev3A_131] in [0] : vector<16xi32>, vector<16xi32> -> vector<16xi32>
        %broadcast_in_dim3A_133 = arith.constant true
        %broadcast_in_dim3A_134 = vector.broadcast %broadcast_in_dim3A_133 : i1 to vector<16xi1>
        %masked_cumsum3A = tpu.scan <sum>, %rev3A_132 masked %broadcast_in_dim3A_134 : vector<16xi32>, vector<16xi1> -> vector<16xi32>
        %reduce_sum3A = arith.constant true
        %reduce_sum3A_135 = vector.broadcast %reduce_sum3A : i1 to vector<16xi1>
        %reduce_sum3A_136 = tpu.scan <sum>, %get3A_128 masked %reduce_sum3A_135 : vector<16xi32>, vector<16xi1> -> vector<16xi32>
        %reduce_sum3A_137 = vector.extract %reduce_sum3A_136[15] : i32 from vector<16xi32>
        %add3A_138 = arith.addi %while3A_123, %reduce_sum3A_137 : i32
        %ge3A = arith.constant 200 : i32
        %ge3A_139 = arith.cmpi sge, %add3A_138, %ge3A : i32
        %add3A_140 = vector.broadcast %while3A_123 : i32 to vector<16xi32>
        %add3A_141 = arith.addi %add3A_140, %masked_cumsum3A : vector<16xi32>
        %ge3A_142 = arith.constant 200 : i32
        %ge3A_143 = vector.broadcast %ge3A_142 : i32 to vector<16xi32>
        %ge3A_144 = arith.cmpi sge, %add3A_141, %ge3A_143 : vector<16xi32>
        %all_reduce_ffs3A = tpu.all_reduce %ge3A_144 {dim = 0 : i64, kind = #tpu.reduction_kind<find_first_set>} : vector<16xi1> -> vector<16xi32>
        %slice3A = vector.extract_strided_slice %all_reduce_ffs3A {offsets = [0], sizes = [1], strides = [1]} : vector<16xi32> to vector<1xi32>
        %squeeze3A = vector.extract %slice3A[0] : i32 from vector<1xi32>
        %eq3A = vector.broadcast %squeeze3A : i32 to vector<16xi32>
        %eq3A_145 = arith.cmpi eq, %iota3A, %eq3A : vector<16xi32>
        %jit3A_146 = arith.constant 0 : i32
        %broadcast_in_dim3A_147 = vector.broadcast %jit3A_146 : i32 to vector<16xi32>
        %select_n3A_148 = arith.select %eq3A_145, %masked_cumsum3A, %broadcast_in_dim3A_147 : vector<16xi1>, vector<16xi32>
        %reduce_sum3A_149 = arith.constant true
        %reduce_sum3A_150 = vector.broadcast %reduce_sum3A_149 : i1 to vector<16xi1>
        %reduce_sum3A_151 = tpu.scan <sum>, %select_n3A_148 masked %reduce_sum3A_150 : vector<16xi32>, vector<16xi1> -> vector<16xi32>
        %reduce_sum3A_152 = vector.extract %reduce_sum3A_151[15] : i32 from vector<16xi32>
        %eq3A_153 = vector.broadcast %squeeze3A : i32 to vector<16xi32>
        %eq3A_154 = arith.cmpi eq, %iota3A, %eq3A_153 : vector<16xi32>
        %jit3A_155 = arith.constant 0 : i32
        %broadcast_in_dim3A_156 = vector.broadcast %jit3A_155 : i32 to vector<16xi32>
        %select_n3A_157 = arith.select %eq3A_154, %rev3A_132, %broadcast_in_dim3A_156 : vector<16xi1>, vector<16xi32>
        %reduce_sum3A_158 = arith.constant true
        %reduce_sum3A_159 = vector.broadcast %reduce_sum3A_158 : i1 to vector<16xi1>
        %reduce_sum3A_160 = tpu.scan <sum>, %select_n3A_157 masked %reduce_sum3A_159 : vector<16xi32>, vector<16xi1> -> vector<16xi32>
        %reduce_sum3A_161 = vector.extract %reduce_sum3A_160[15] : i32 from vector<16xi32>
        %mul3A_162 = arith.constant 16 : i32
        %mul3A_163 = arith.muli %while3A_122, %mul3A_162 : i32
        %sub3A_164 = arith.constant 15 : i32
        %sub3A_165 = arith.subi %sub3A_164, %squeeze3A : i32
        %add3A_166 = arith.addi %mul3A_163, %sub3A_165 : i32
        %add3A_167 = arith.addi %while3A_123, %reduce_sum3A_152 : i32
        %sub3A_168 = arith.subi %add3A_167, %reduce_sum3A_161 : i32
        %select_n3A_169 = arith.select %ge3A_139, %add3A_166, %while3A_124 : i32
        %select_n3A_170 = arith.select %ge3A_139, %sub3A_168, %while3A_125 : i32
        %sub3A_171 = arith.constant 1 : i32
        %sub3A_172 = arith.subi %while3A_122, %sub3A_171 : i32
        %add3A_173 = arith.addi %while3A_123, %reduce_sum3A_137 : i32
        scf.yield %sub3A_172, %add3A_173, %select_n3A_169, %select_n3A_170 : i32, i32, i32, i32
      }
      %parallel_loop3A_44 = arith.constant 0 : i32
      %parallel_loop3A_45 = arith.constant 6250 : i32
      %parallel_loop3A_46 = arith.constant 1 : i32
      %parallel_loop3A_47 = arith.constant 0 : i32
      %parallel_loop3A_48 = scf.for %parallel_loop3A_122 = %parallel_loop3A_44 to %parallel_loop3A_45 step %parallel_loop3A_46 iter_args(%parallel_loop3A_123 = %parallel_loop3A_47) -> (i32)  : i32 {
        %parallel_loop3A_124 = arith.constant 16 : i32
        %parallel_loop3A_125 = arith.muli %parallel_loop3A_122, %parallel_loop3A_124 : i32
        %parallel_loop3A_126 = arith.index_cast %parallel_loop3A_125 : i32 to index
        %parallel_loop3A_127 = tpu.vector_load %arg6[%parallel_loop3A_126] {strides = array<i32>} : memref<100000xf32, #tpu.memory_space<vmem>>, vector<16xf32>,
        %parallel_loop3A_128 = tpu.bitcast %parallel_loop3A_127 : vector<16xf32> -> vector<16xi32>
        %parallel_loop3A_129 = arith.constant 2147483647 : i32
        %parallel_loop3A_130 = vector.broadcast %parallel_loop3A_129 : i32 to vector<16xi32>
        %parallel_loop3A_131 = arith.andi %parallel_loop3A_128, %parallel_loop3A_130 : vector<16xi32>
        %parallel_loop3A_132 = arith.constant 19 : i32
        %parallel_loop3A_133 = vector.broadcast %parallel_loop3A_132 : i32 to vector<16xi32>
        %parallel_loop3A_134 = arith.shrui %parallel_loop3A_131, %parallel_loop3A_133 : vector<16xi32>
        %parallel_loop3A_135 = vector.broadcast %while3A_43#2 : i32 to vector<16xi32>
        %parallel_loop3A_136 = arith.cmpi sge, %parallel_loop3A_134, %parallel_loop3A_135 : vector<16xi32>
        %parallel_loop3A_137 = tpu.all_reduce %parallel_loop3A_136 {dim = 0 : i64, kind = #tpu.reduction_kind<sum>} : vector<16xi1> -> vector<16xi32>
        %parallel_loop3A_138 = vector.extract_strided_slice %parallel_loop3A_137 {offsets = [0], sizes = [1], strides = [1]} : vector<16xi32> to vector<1xi32>
        %parallel_loop3A_139 = vector.extract %parallel_loop3A_138[0] : i32 from vector<1xi32>
        %parallel_loop3A_140 = arith.constant 496 : i32
        %parallel_loop3A_141 = arith.minsi %parallel_loop3A_123, %parallel_loop3A_140 : i32
        %parallel_loop3A_142 = arith.index_cast %parallel_loop3A_141 : i32 to index
        %parallel_loop3A_143 = tpu.vector_load %arg8[%parallel_loop3A_142] masked %parallel_loop3A_136 {strides = array<i32>} : memref<512xi32, #tpu.memory_space<vmem>>, vector<16xi32>, vector<16xi1>
        tpu.vector_store %arg8[%parallel_loop3A_142], %parallel_loop3A_128 masked %parallel_loop3A_136 {strides = array<i32>} : memref<512xi32, #tpu.memory_space<vmem>>, vector<16xi32>, vector<16xi1>
        %parallel_loop3A_144 = arith.constant 16 : i32
        %parallel_loop3A_145 = arith.muli %parallel_loop3A_122, %parallel_loop3A_144 : i32
        %parallel_loop3A_146 = vector.broadcast %parallel_loop3A_145 : i32 to vector<16xi32>
        %parallel_loop3A_147 = arith.addi %parallel_loop3A_146, %iota3A : vector<16xi32>
        %parallel_loop3A_148 = arith.index_cast %parallel_loop3A_141 : i32 to index
        %parallel_loop3A_149 = tpu.vector_load %arg10[%parallel_loop3A_148] masked %parallel_loop3A_136 {strides = array<i32>} : memref<512xi32, #tpu.memory_space<vmem>>, vector<16xi32>, vector<16xi1>
        tpu.vector_store %arg10[%parallel_loop3A_148], %parallel_loop3A_147 masked %parallel_loop3A_136 {strides = array<i32>} : memref<512xi32, #tpu.memory_space<vmem>>, vector<16xi32>, vector<16xi1>
        %parallel_loop3A_150 = arith.addi %parallel_loop3A_123, %parallel_loop3A_139 : i32
        scf.yield %parallel_loop3A_150 : i32
      } {sc.loop_unroll_factor = 4 : i64, sc.parallel_access}
      %min3A = arith.constant 512 : i32
      %min3A_49 = arith.minsi %parallel_loop3A_48, %min3A : i32
      %lt3A = arith.constant 31 : i32
      %lt3A_50 = arith.cmpi slt, %scan3A_17, %lt3A : i32
      %convert_element_type3A = arith.extui %lt3A_50 : i1 to i32
      %cond3A = arith.constant 0 : i32
      %cond3A_51 = arith.cmpi ne, %convert_element_type3A, %cond3A : i32
      scf.if %cond3A_51 {
        %add3A_122 = arith.constant 1 : i32
        %add3A_123 = arith.addi %add3A_21, %add3A_122 : i32
        %dma_start3A_124 = arith.constant 0 : i32
        %dma_start3A_125 = tpu.memref_slice %arg2[%add3A_123, %dma_start3A_124] : memref<1024x100000xf32, #tpu.memory_space<hbm>> -> memref<1x100000xf32, #tpu.memory_space<hbm>>
        %dma_start3A_126 = tpu.memref_squeeze %dma_start3A_125 : memref<1x100000xf32, #tpu.memory_space<hbm>> -> memref<100000xf32, #tpu.memory_space<hbm>>
        %dma_start3A_127 = arith.constant 0 : i32
        %dma_start3A_128 = tpu.memref_slice %arg2[%add3A_123, %dma_start3A_127] : memref<1024x100000xf32, #tpu.memory_space<hbm>> -> memref<1x100000xf32, #tpu.memory_space<hbm>>
        %dma_start3A_129 = tpu.memref_squeeze %dma_start3A_128 : memref<1x100000xf32, #tpu.memory_space<hbm>> -> memref<100000xf32, #tpu.memory_space<hbm>>
        tpu.enqueue_dma source(%dma_start3A_129 : memref<100000xf32, #tpu.memory_space<hbm>>) target(%arg6 : memref<100000xf32, #tpu.memory_space<vmem>>) target_semaphore(%arg17 : memref<!tpu.dma_semaphore, #tpu.memory_space<semaphore_mem>>)
      } else {
      }
      %add3A_52 = arith.constant 15 : i32
      %add3A_53 = arith.addi %min3A_49, %add3A_52 : i32
      %jit3A = arith.constant 16 : i32
      %div3A = arith.divsi %add3A_53, %jit3A : i32
      %sign3A = arith.constant 0 : i32
      %sign3A_54 = arith.cmpi sgt, %add3A_53, %sign3A : i32
      %sign3A_55 = arith.extui %sign3A_54 : i1 to i32
      %sign3A_56 = arith.constant 0 : i32
      %sign3A_57 = arith.cmpi slt, %add3A_53, %sign3A_56 : i32
      %sign3A_58 = arith.extui %sign3A_57 : i1 to i32
      %sign3A_59 = arith.subi %sign3A_55, %sign3A_58 : i32
      %sign3A_60 = arith.constant 0 : i32
      %sign3A_61 = arith.cmpi sgt, %jit3A, %sign3A_60 : i32
      %sign3A_62 = arith.extui %sign3A_61 : i1 to i32
      %sign3A_63 = arith.constant 0 : i32
      %sign3A_64 = arith.cmpi slt, %jit3A, %sign3A_63 : i32
      %sign3A_65 = arith.extui %sign3A_64 : i1 to i32
      %sign3A_66 = arith.subi %sign3A_62, %sign3A_65 : i32
      %ne3A = arith.cmpi ne, %sign3A_59, %sign3A_66 : i32
      %rem3A = arith.remsi %add3A_53, %jit3A : i32
      %ne3A_67 = arith.constant 0 : i32
      %ne3A_68 = arith.cmpi ne, %rem3A, %ne3A_67 : i32
      %and3A = arith.andi %ne3A, %ne3A_68 : i1
      %sub3A = arith.constant 1 : i32
      %sub3A_69 = arith.subi %div3A, %sub3A : i32
      %select_n3A = arith.select %and3A, %sub3A_69, %div3A : i32
      %parallel_loop3A_70 = arith.constant 0 : i32
      %parallel_loop3A_71 = arith.constant 32 : i32
      %parallel_loop3A_72 = arith.constant 1 : i32
      scf.for %parallel_loop3A_122 = %parallel_loop3A_70 to %parallel_loop3A_71 step %parallel_loop3A_72  : i32 {
        %parallel_loop3A_123 = arith.constant 16 : i32
        %parallel_loop3A_124 = arith.muli %parallel_loop3A_122, %parallel_loop3A_123 : i32
        %parallel_loop3A_125 = arith.index_cast %parallel_loop3A_124 : i32 to index
        %parallel_loop3A_126 = tpu.vector_load %arg8[%parallel_loop3A_125] {strides = array<i32>} : memref<512xi32, #tpu.memory_space<vmem>>, vector<16xi32>,
        %parallel_loop3A_127 = arith.constant 2147483647 : i32
        %parallel_loop3A_128 = vector.broadcast %parallel_loop3A_127 : i32 to vector<16xi32>
        %parallel_loop3A_129 = arith.andi %parallel_loop3A_126, %parallel_loop3A_128 : vector<16xi32>
        %parallel_loop3A_130 = arith.constant 16 : i32
        %parallel_loop3A_131 = arith.muli %parallel_loop3A_122, %parallel_loop3A_130 : i32
        %parallel_loop3A_132 = arith.index_cast %parallel_loop3A_131 : i32 to index
        %parallel_loop3A_133 = tpu.vector_load %arg9[%parallel_loop3A_132] {strides = array<i32>} : memref<512xi32, #tpu.memory_space<vmem>>, vector<16xi32>,
        tpu.vector_store %arg9[%parallel_loop3A_132], %parallel_loop3A_129 {strides = array<i32>} : memref<512xi32, #tpu.memory_space<vmem>>, vector<16xi32>,
      } {sc.loop_unroll_factor = 8 : i64, sc.parallel_access}
      %sub3A_73 = arith.constant 1 : i32
      %sub3A_74 = vector.broadcast %sub3A_73 : i32 to vector<16xi32>
      %sub3A_75 = arith.subi %broadcast_in_dim3A_1, %sub3A_74 : vector<16xi32>
      %min3A_76 = arith.constant 496 : i32
      %min3A_77 = arith.minsi %min3A_49, %min3A_76 : i32
      %swap3A = arith.index_cast %min3A_77 : i32 to index
      %swap3A_78 = tpu.vector_load %arg9[%swap3A] {strides = array<i32>} : memref<512xi32, #tpu.memory_space<vmem>>, vector<16xi32>,
      tpu.vector_store %arg9[%swap3A], %sub3A_75 {strides = array<i32>} : memref<512xi32, #tpu.memory_space<vmem>>, vector<16xi32>,
      %while3A_79 = arith.constant 0 : i32
      %while3A_80 = arith.constant 0 : i32
      %while3A_81 = arith.subi %select_n3A, %while3A_79 : i32
      %while3A_82 = arith.addi %while3A_79, %while3A_81 : i32
      %while3A_83 = arith.constant 1 : i32
      %while3A_84 = arith.divsi %while3A_81, %while3A_83 : i32
      %while3A_85 = arith.muli %while3A_84, %while3A_83 : i32
      %while3A_86 = arith.addi %while3A_79, %while3A_85 : i32
      %while3A_87 = arith.constant 1 : i32
      %while3A_88 = scf.for %while3A_122 = %while3A_79 to %while3A_86 step %while3A_87 iter_args(%while3A_123 = %while3A_80) -> (i32)  : i32 {
        %mul3A_124 = arith.constant 16 : i32
        %mul3A_125 = arith.muli %while3A_122, %mul3A_124 : i32
        %get3A = arith.index_cast %mul3A_125 : i32 to index
        %get3A_126 = tpu.vector_load %arg9[%get3A] {strides = array<i32>} : memref<512xi32, #tpu.memory_space<vmem>>, vector<16xi32>,
        %slice3A = vector.extract_strided_slice %get3A_126 {offsets = [0], sizes = [1], strides = [1]} : vector<16xi32> to vector<1xi32>
        %squeeze3A = vector.extract %slice3A[0] : i32 from vector<1xi32>
        %slice3A_127 = vector.extract_strided_slice %get3A_126 {offsets = [1], sizes = [1], strides = [1]} : vector<16xi32> to vector<1xi32>
        %squeeze3A_128 = vector.extract %slice3A_127[0] : i32 from vector<1xi32>
        %slice3A_129 = vector.extract_strided_slice %get3A_126 {offsets = [2], sizes = [1], strides = [1]} : vector<16xi32> to vector<1xi32>
        %squeeze3A_130 = vector.extract %slice3A_129[0] : i32 from vector<1xi32>
        %slice3A_131 = vector.extract_strided_slice %get3A_126 {offsets = [3], sizes = [1], strides = [1]} : vector<16xi32> to vector<1xi32>
        %squeeze3A_132 = vector.extract %slice3A_131[0] : i32 from vector<1xi32>
        %slice3A_133 = vector.extract_strided_slice %get3A_126 {offsets = [4], sizes = [1], strides = [1]} : vector<16xi32> to vector<1xi32>
        %squeeze3A_134 = vector.extract %slice3A_133[0] : i32 from vector<1xi32>
        %slice3A_135 = vector.extract_strided_slice %get3A_126 {offsets = [5], sizes = [1], strides = [1]} : vector<16xi32> to vector<1xi32>
        %squeeze3A_136 = vector.extract %slice3A_135[0] : i32 from vector<1xi32>
        %slice3A_137 = vector.extract_strided_slice %get3A_126 {offsets = [6], sizes = [1], strides = [1]} : vector<16xi32> to vector<1xi32>
        %squeeze3A_138 = vector.extract %slice3A_137[0] : i32 from vector<1xi32>
        %slice3A_139 = vector.extract_strided_slice %get3A_126 {offsets = [7], sizes = [1], strides = [1]} : vector<16xi32> to vector<1xi32>
        %squeeze3A_140 = vector.extract %slice3A_139[0] : i32 from vector<1xi32>
        %mul3A_141 = arith.constant 16 : i32
        %mul3A_142 = arith.muli %while3A_122, %mul3A_141 : i32
        %add3A_143 = arith.constant 0 : i32
        %add3A_144 = arith.addi %mul3A_142, %add3A_143 : i32
        %add3A_145 = arith.constant 0 : i32
        %add3A_146 = arith.addi %add3A_144, %add3A_145 : i32
        %mul3A_147 = arith.constant 16 : i32
        %mul3A_148 = arith.muli %while3A_122, %mul3A_147 : i32
        %add3A_149 = arith.constant 0 : i32
        %add3A_150 = arith.addi %mul3A_148, %add3A_149 : i32
        %add3A_151 = arith.constant 1 : i32
        %add3A_152 = arith.addi %add3A_150, %add3A_151 : i32
        %mul3A_153 = arith.constant 16 : i32
        %mul3A_154 = arith.muli %while3A_122, %mul3A_153 : i32
        %add3A_155 = arith.constant 0 : i32
        %add3A_156 = arith.addi %mul3A_154, %add3A_155 : i32
        %add3A_157 = arith.constant 2 : i32
        %add3A_158 = arith.addi %add3A_156, %add3A_157 : i32
        %mul3A_159 = arith.constant 16 : i32
        %mul3A_160 = arith.muli %while3A_122, %mul3A_159 : i32
        %add3A_161 = arith.constant 0 : i32
        %add3A_162 = arith.addi %mul3A_160, %add3A_161 : i32
        %add3A_163 = arith.constant 3 : i32
        %add3A_164 = arith.addi %add3A_162, %add3A_163 : i32
        %mul3A_165 = arith.constant 16 : i32
        %mul3A_166 = arith.muli %while3A_122, %mul3A_165 : i32
        %add3A_167 = arith.constant 0 : i32
        %add3A_168 = arith.addi %mul3A_166, %add3A_167 : i32
        %add3A_169 = arith.constant 4 : i32
        %add3A_170 = arith.addi %add3A_168, %add3A_169 : i32
        %mul3A_171 = arith.constant 16 : i32
        %mul3A_172 = arith.muli %while3A_122, %mul3A_171 : i32
        %add3A_173 = arith.constant 0 : i32
        %add3A_174 = arith.addi %mul3A_172, %add3A_173 : i32
        %add3A_175 = arith.constant 5 : i32
        %add3A_176 = arith.addi %add3A_174, %add3A_175 : i32
        %mul3A_177 = arith.constant 16 : i32
        %mul3A_178 = arith.muli %while3A_122, %mul3A_177 : i32
        %add3A_179 = arith.constant 0 : i32
        %add3A_180 = arith.addi %mul3A_178, %add3A_179 : i32
        %add3A_181 = arith.constant 6 : i32
        %add3A_182 = arith.addi %add3A_180, %add3A_181 : i32
        %mul3A_183 = arith.constant 16 : i32
        %mul3A_184 = arith.muli %while3A_122, %mul3A_183 : i32
        %add3A_185 = arith.constant 0 : i32
        %add3A_186 = arith.addi %mul3A_184, %add3A_185 : i32
        %add3A_187 = arith.constant 7 : i32
        %add3A_188 = arith.addi %add3A_186, %add3A_187 : i32
        %while3A_189 = arith.constant 0 : i32
        %while3A_190 = arith.subi %select_n3A, %while3A_189 : i32
        %while3A_191 = arith.addi %while3A_189, %while3A_190 : i32
        %while3A_192 = arith.constant 1 : i32
        %while3A_193 = arith.divsi %while3A_190, %while3A_192 : i32
        %while3A_194 = arith.muli %while3A_193, %while3A_192 : i32
        %while3A_195 = arith.addi %while3A_189, %while3A_194 : i32
        %while3A_196 = arith.constant 1 : i32
        %while3A_197:8 = scf.for %while3A_422 = %while3A_189 to %while3A_195 step %while3A_196 iter_args(%while3A_423 = %broadcast_in_dim3A_1, %while3A_424 = %broadcast_in_dim3A_1, %while3A_425 = %broadcast_in_dim3A_1, %while3A_426 = %broadcast_in_dim3A_1, %while3A_427 = %broadcast_in_dim3A_1, %while3A_428 = %broadcast_in_dim3A_1, %while3A_429 = %broadcast_in_dim3A_1, %while3A_430 = %broadcast_in_dim3A_1) -> (vector<16xi32>, vector<16xi32>, vector<16xi32>, vector<16xi32>, vector<16xi32>, vector<16xi32>, vector<16xi32>, vector<16xi32>)  : i32 {
          %mul3A_431 = arith.constant 16 : i32
          %mul3A_432 = arith.muli %while3A_422, %mul3A_431 : i32
          %get3A_433 = arith.index_cast %mul3A_432 : i32 to index
          %get3A_434 = tpu.vector_load %arg9[%get3A_433] {strides = array<i32>} : memref<512xi32, #tpu.memory_space<vmem>>, vector<16xi32>,
          %mul3A_435 = arith.constant 16 : i32
          %mul3A_436 = arith.muli %while3A_422, %mul3A_435 : i32
          %add3A_437 = vector.broadcast %mul3A_436 : i32 to vector<16xi32>
          %add3A_438 = arith.addi %add3A_437, %iota3A : vector<16xi32>
          %gt3A = vector.broadcast %squeeze3A : i32 to vector<16xi32>
          %gt3A_439 = arith.cmpi sgt, %get3A_434, %gt3A : vector<16xi32>
          %eq3A_440 = vector.broadcast %squeeze3A : i32 to vector<16xi32>
          %eq3A_441 = arith.cmpi eq, %get3A_434, %eq3A_440 : vector<16xi32>
          %lt3A_442 = vector.broadcast %add3A_146 : i32 to vector<16xi32>
          %lt3A_443 = arith.cmpi slt, %add3A_438, %lt3A_442 : vector<16xi32>
          %and3A_444 = arith.andi %eq3A_441, %lt3A_443 : vector<16xi1>
          %convert_element_type3A_445 = arith.extui %gt3A_439 : vector<16xi1> to vector<16xi32>
          %add3A_446 = arith.addi %while3A_423, %convert_element_type3A_445 : vector<16xi32>
          %convert_element_type3A_447 = arith.extui %and3A_444 : vector<16xi1> to vector<16xi32>
          %add3A_448 = arith.addi %add3A_446, %convert_element_type3A_447 : vector<16xi32>
          %gt3A_449 = vector.broadcast %squeeze3A_128 : i32 to vector<16xi32>
          %gt3A_450 = arith.cmpi sgt, %get3A_434, %gt3A_449 : vector<16xi32>
          %eq3A_451 = vector.broadcast %squeeze3A_128 : i32 to vector<16xi32>
          %eq3A_452 = arith.cmpi eq, %get3A_434, %eq3A_451 : vector<16xi32>
          %lt3A_453 = vector.broadcast %add3A_152 : i32 to vector<16xi32>
          %lt3A_454 = arith.cmpi slt, %add3A_438, %lt3A_453 : vector<16xi32>
          %and3A_455 = arith.andi %eq3A_452, %lt3A_454 : vector<16xi1>
          %convert_element_type3A_456 = arith.extui %gt3A_450 : vector<16xi1> to vector<16xi32>
          %add3A_457 = arith.addi %while3A_424, %convert_element_type3A_456 : vector<16xi32>
          %convert_element_type3A_458 = arith.extui %and3A_455 : vector<16xi1> to vector<16xi32>
          %add3A_459 = arith.addi %add3A_457, %convert_element_type3A_458 : vector<16xi32>
          %gt3A_460 = vector.broadcast %squeeze3A_130 : i32 to vector<16xi32>
          %gt3A_461 = arith.cmpi sgt, %get3A_434, %gt3A_460 : vector<16xi32>
          %eq3A_462 = vector.broadcast %squeeze3A_130 : i32 to vector<16xi32>
          %eq3A_463 = arith.cmpi eq, %get3A_434, %eq3A_462 : vector<16xi32>
          %lt3A_464 = vector.broadcast %add3A_158 : i32 to vector<16xi32>
          %lt3A_465 = arith.cmpi slt, %add3A_438, %lt3A_464 : vector<16xi32>
          %and3A_466 = arith.andi %eq3A_463, %lt3A_465 : vector<16xi1>
          %convert_element_type3A_467 = arith.extui %gt3A_461 : vector<16xi1> to vector<16xi32>
          %add3A_468 = arith.addi %while3A_425, %convert_element_type3A_467 : vector<16xi32>
          %convert_element_type3A_469 = arith.extui %and3A_466 : vector<16xi1> to vector<16xi32>
          %add3A_470 = arith.addi %add3A_468, %convert_element_type3A_469 : vector<16xi32>
          %gt3A_471 = vector.broadcast %squeeze3A_132 : i32 to vector<16xi32>
          %gt3A_472 = arith.cmpi sgt, %get3A_434, %gt3A_471 : vector<16xi32>
          %eq3A_473 = vector.broadcast %squeeze3A_132 : i32 to vector<16xi32>
          %eq3A_474 = arith.cmpi eq, %get3A_434, %eq3A_473 : vector<16xi32>
          %lt3A_475 = vector.broadcast %add3A_164 : i32 to vector<16xi32>
          %lt3A_476 = arith.cmpi slt, %add3A_438, %lt3A_475 : vector<16xi32>
          %and3A_477 = arith.andi %eq3A_474, %lt3A_476 : vector<16xi1>
          %convert_element_type3A_478 = arith.extui %gt3A_472 : vector<16xi1> to vector<16xi32>
          %add3A_479 = arith.addi %while3A_426, %convert_element_type3A_478 : vector<16xi32>
          %convert_element_type3A_480 = arith.extui %and3A_477 : vector<16xi1> to vector<16xi32>
          %add3A_481 = arith.addi %add3A_479, %convert_element_type3A_480 : vector<16xi32>
          %gt3A_482 = vector.broadcast %squeeze3A_134 : i32 to vector<16xi32>
          %gt3A_483 = arith.cmpi sgt, %get3A_434, %gt3A_482 : vector<16xi32>
          %eq3A_484 = vector.broadcast %squeeze3A_134 : i32 to vector<16xi32>
          %eq3A_485 = arith.cmpi eq, %get3A_434, %eq3A_484 : vector<16xi32>
          %lt3A_486 = vector.broadcast %add3A_170 : i32 to vector<16xi32>
          %lt3A_487 = arith.cmpi slt, %add3A_438, %lt3A_486 : vector<16xi32>
          %and3A_488 = arith.andi %eq3A_485, %lt3A_487 : vector<16xi1>
          %convert_element_type3A_489 = arith.extui %gt3A_483 : vector<16xi1> to vector<16xi32>
          %add3A_490 = arith.addi %while3A_427, %convert_element_type3A_489 : vector<16xi32>
          %convert_element_type3A_491 = arith.extui %and3A_488 : vector<16xi1> to vector<16xi32>
          %add3A_492 = arith.addi %add3A_490, %convert_element_type3A_491 : vector<16xi32>
          %gt3A_493 = vector.broadcast %squeeze3A_136 : i32 to vector<16xi32>
          %gt3A_494 = arith.cmpi sgt, %get3A_434, %gt3A_493 : vector<16xi32>
          %eq3A_495 = vector.broadcast %squeeze3A_136 : i32 to vector<16xi32>
          %eq3A_496 = arith.cmpi eq, %get3A_434, %eq3A_495 : vector<16xi32>
          %lt3A_497 = vector.broadcast %add3A_176 : i32 to vector<16xi32>
          %lt3A_498 = arith.cmpi slt, %add3A_438, %lt3A_497 : vector<16xi32>
          %and3A_499 = arith.andi %eq3A_496, %lt3A_498 : vector<16xi1>
          %convert_element_type3A_500 = arith.extui %gt3A_494 : vector<16xi1> to vector<16xi32>
          %add3A_501 = arith.addi %while3A_428, %convert_element_type3A_500 : vector<16xi32>
          %convert_element_type3A_502 = arith.extui %and3A_499 : vector<16xi1> to vector<16xi32>
          %add3A_503 = arith.addi %add3A_501, %convert_element_type3A_502 : vector<16xi32>
          %gt3A_504 = vector.broadcast %squeeze3A_138 : i32 to vector<16xi32>
          %gt3A_505 = arith.cmpi sgt, %get3A_434, %gt3A_504 : vector<16xi32>
          %eq3A_506 = vector.broadcast %squeeze3A_138 : i32 to vector<16xi32>
          %eq3A_507 = arith.cmpi eq, %get3A_434, %eq3A_506 : vector<16xi32>
          %lt3A_508 = vector.broadcast %add3A_182 : i32 to vector<16xi32>
          %lt3A_509 = arith.cmpi slt, %add3A_438, %lt3A_508 : vector<16xi32>
          %and3A_510 = arith.andi %eq3A_507, %lt3A_509 : vector<16xi1>
          %convert_element_type3A_511 = arith.extui %gt3A_505 : vector<16xi1> to vector<16xi32>
          %add3A_512 = arith.addi %while3A_429, %convert_element_type3A_511 : vector<16xi32>
          %convert_element_type3A_513 = arith.extui %and3A_510 : vector<16xi1> to vector<16xi32>
          %add3A_514 = arith.addi %add3A_512, %convert_element_type3A_513 : vector<16xi32>
          %gt3A_515 = vector.broadcast %squeeze3A_140 : i32 to vector<16xi32>
          %gt3A_516 = arith.cmpi sgt, %get3A_434, %gt3A_515 : vector<16xi32>
          %eq3A_517 = vector.broadcast %squeeze3A_140 : i32 to vector<16xi32>
          %eq3A_518 = arith.cmpi eq, %get3A_434, %eq3A_517 : vector<16xi32>
          %lt3A_519 = vector.broadcast %add3A_188 : i32 to vector<16xi32>
          %lt3A_520 = arith.cmpi slt, %add3A_438, %lt3A_519 : vector<16xi32>
          %and3A_521 = arith.andi %eq3A_518, %lt3A_520 : vector<16xi1>
          %convert_element_type3A_522 = arith.extui %gt3A_516 : vector<16xi1> to vector<16xi32>
          %add3A_523 = arith.addi %while3A_430, %convert_element_type3A_522 : vector<16xi32>
          %convert_element_type3A_524 = arith.extui %and3A_521 : vector<16xi1> to vector<16xi32>
          %add3A_525 = arith.addi %add3A_523, %convert_element_type3A_524 : vector<16xi32>
          scf.yield %add3A_448, %add3A_459, %add3A_470, %add3A_481, %add3A_492, %add3A_503, %add3A_514, %add3A_525 : vector<16xi32>, vector<16xi32>, vector<16xi32>, vector<16xi32>, vector<16xi32>, vector<16xi32>, vector<16xi32>, vector<16xi32>
        }
        %while3A_198 = arith.constant 1 : i32
        %while3A_199:8 = scf.for %while3A_422 = %while3A_195 to %while3A_191 step %while3A_198 iter_args(%while3A_423 = %while3A_197#0, %while3A_424 = %while3A_197#1, %while3A_425 = %while3A_197#2, %while3A_426 = %while3A_197#3, %while3A_427 = %while3A_197#4, %while3A_428 = %while3A_197#5, %while3A_429 = %while3A_197#6, %while3A_430 = %while3A_197#7) -> (vector<16xi32>, vector<16xi32>, vector<16xi32>, vector<16xi32>, vector<16xi32>, vector<16xi32>, vector<16xi32>, vector<16xi32>)  : i32 {
          %mul3A_431 = arith.constant 16 : i32
          %mul3A_432 = arith.muli %while3A_422, %mul3A_431 : i32
          %get3A_433 = arith.index_cast %mul3A_432 : i32 to index
          %get3A_434 = tpu.vector_load %arg9[%get3A_433] {strides = array<i32>} : memref<512xi32, #tpu.memory_space<vmem>>, vector<16xi32>,
          %mul3A_435 = arith.constant 16 : i32
          %mul3A_436 = arith.muli %while3A_422, %mul3A_435 : i32
          %add3A_437 = vector.broadcast %mul3A_436 : i32 to vector<16xi32>
          %add3A_438 = arith.addi %add3A_437, %iota3A : vector<16xi32>
          %gt3A = vector.broadcast %squeeze3A : i32 to vector<16xi32>
          %gt3A_439 = arith.cmpi sgt, %get3A_434, %gt3A : vector<16xi32>
          %eq3A_440 = vector.broadcast %squeeze3A : i32 to vector<16xi32>
          %eq3A_441 = arith.cmpi eq, %get3A_434, %eq3A_440 : vector<16xi32>
          %lt3A_442 = vector.broadcast %add3A_146 : i32 to vector<16xi32>
          %lt3A_443 = arith.cmpi slt, %add3A_438, %lt3A_442 : vector<16xi32>
          %and3A_444 = arith.andi %eq3A_441, %lt3A_443 : vector<16xi1>
          %convert_element_type3A_445 = arith.extui %gt3A_439 : vector<16xi1> to vector<16xi32>
          %add3A_446 = arith.addi %while3A_423, %convert_element_type3A_445 : vector<16xi32>
          %convert_element_type3A_447 = arith.extui %and3A_444 : vector<16xi1> to vector<16xi32>
          %add3A_448 = arith.addi %add3A_446, %convert_element_type3A_447 : vector<16xi32>
          %gt3A_449 = vector.broadcast %squeeze3A_128 : i32 to vector<16xi32>
          %gt3A_450 = arith.cmpi sgt, %get3A_434, %gt3A_449 : vector<16xi32>
          %eq3A_451 = vector.broadcast %squeeze3A_128 : i32 to vector<16xi32>
          %eq3A_452 = arith.cmpi eq, %get3A_434, %eq3A_451 : vector<16xi32>
          %lt3A_453 = vector.broadcast %add3A_152 : i32 to vector<16xi32>
          %lt3A_454 = arith.cmpi slt, %add3A_438, %lt3A_453 : vector<16xi32>
          %and3A_455 = arith.andi %eq3A_452, %lt3A_454 : vector<16xi1>
          %convert_element_type3A_456 = arith.extui %gt3A_450 : vector<16xi1> to vector<16xi32>
          %add3A_457 = arith.addi %while3A_424, %convert_element_type3A_456 : vector<16xi32>
          %convert_element_type3A_458 = arith.extui %and3A_455 : vector<16xi1> to vector<16xi32>
          %add3A_459 = arith.addi %add3A_457, %convert_element_type3A_458 : vector<16xi32>
          %gt3A_460 = vector.broadcast %squeeze3A_130 : i32 to vector<16xi32>
          %gt3A_461 = arith.cmpi sgt, %get3A_434, %gt3A_460 : vector<16xi32>
          %eq3A_462 = vector.broadcast %squeeze3A_130 : i32 to vector<16xi32>
          %eq3A_463 = arith.cmpi eq, %get3A_434, %eq3A_462 : vector<16xi32>
          %lt3A_464 = vector.broadcast %add3A_158 : i32 to vector<16xi32>
          %lt3A_465 = arith.cmpi slt, %add3A_438, %lt3A_464 : vector<16xi32>
          %and3A_466 = arith.andi %eq3A_463, %lt3A_465 : vector<16xi1>
          %convert_element_type3A_467 = arith.extui %gt3A_461 : vector<16xi1> to vector<16xi32>
          %add3A_468 = arith.addi %while3A_425, %convert_element_type3A_467 : vector<16xi32>
          %convert_element_type3A_469 = arith.extui %and3A_466 : vector<16xi1> to vector<16xi32>
          %add3A_470 = arith.addi %add3A_468, %convert_element_type3A_469 : vector<16xi32>
          %gt3A_471 = vector.broadcast %squeeze3A_132 : i32 to vector<16xi32>
          %gt3A_472 = arith.cmpi sgt, %get3A_434, %gt3A_471 : vector<16xi32>
          %eq3A_473 = vector.broadcast %squeeze3A_132 : i32 to vector<16xi32>
          %eq3A_474 = arith.cmpi eq, %get3A_434, %eq3A_473 : vector<16xi32>
          %lt3A_475 = vector.broadcast %add3A_164 : i32 to vector<16xi32>
          %lt3A_476 = arith.cmpi slt, %add3A_438, %lt3A_475 : vector<16xi32>
          %and3A_477 = arith.andi %eq3A_474, %lt3A_476 : vector<16xi1>
          %convert_element_type3A_478 = arith.extui %gt3A_472 : vector<16xi1> to vector<16xi32>
          %add3A_479 = arith.addi %while3A_426, %convert_element_type3A_478 : vector<16xi32>
          %convert_element_type3A_480 = arith.extui %and3A_477 : vector<16xi1> to vector<16xi32>
          %add3A_481 = arith.addi %add3A_479, %convert_element_type3A_480 : vector<16xi32>
          %gt3A_482 = vector.broadcast %squeeze3A_134 : i32 to vector<16xi32>
          %gt3A_483 = arith.cmpi sgt, %get3A_434, %gt3A_482 : vector<16xi32>
          %eq3A_484 = vector.broadcast %squeeze3A_134 : i32 to vector<16xi32>
          %eq3A_485 = arith.cmpi eq, %get3A_434, %eq3A_484 : vector<16xi32>
          %lt3A_486 = vector.broadcast %add3A_170 : i32 to vector<16xi32>
          %lt3A_487 = arith.cmpi slt, %add3A_438, %lt3A_486 : vector<16xi32>
          %and3A_488 = arith.andi %eq3A_485, %lt3A_487 : vector<16xi1>
          %convert_element_type3A_489 = arith.extui %gt3A_483 : vector<16xi1> to vector<16xi32>
          %add3A_490 = arith.addi %while3A_427, %convert_element_type3A_489 : vector<16xi32>
          %convert_element_type3A_491 = arith.extui %and3A_488 : vector<16xi1> to vector<16xi32>
          %add3A_492 = arith.addi %add3A_490, %convert_element_type3A_491 : vector<16xi32>
          %gt3A_493 = vector.broadcast %squeeze3A_136 : i32 to vector<16xi32>
          %gt3A_494 = arith.cmpi sgt, %get3A_434, %gt3A_493 : vector<16xi32>
          %eq3A_495 = vector.broadcast %squeeze3A_136 : i32 to vector<16xi32>
          %eq3A_496 = arith.cmpi eq, %get3A_434, %eq3A_495 : vector<16xi32>
          %lt3A_497 = vector.broadcast %add3A_176 : i32 to vector<16xi32>
          %lt3A_498 = arith.cmpi slt, %add3A_438, %lt3A_497 : vector<16xi32>
          %and3A_499 = arith.andi %eq3A_496, %lt3A_498 : vector<16xi1>
          %convert_element_type3A_500 = arith.extui %gt3A_494 : vector<16xi1> to vector<16xi32>
          %add3A_501 = arith.addi %while3A_428, %convert_element_type3A_500 : vector<16xi32>
          %convert_element_type3A_502 = arith.extui %and3A_499 : vector<16xi1> to vector<16xi32>
          %add3A_503 = arith.addi %add3A_501, %convert_element_type3A_502 : vector<16xi32>
          %gt3A_504 = vector.broadcast %squeeze3A_138 : i32 to vector<16xi32>
          %gt3A_505 = arith.cmpi sgt, %get3A_434, %gt3A_504 : vector<16xi32>
          %eq3A_506 = vector.broadcast %squeeze3A_138 : i32 to vector<16xi32>
          %eq3A_507 = arith.cmpi eq, %get3A_434, %eq3A_506 : vector<16xi32>
          %lt3A_508 = vector.broadcast %add3A_182 : i32 to vector<16xi32>
          %lt3A_509 = arith.cmpi slt, %add3A_438, %lt3A_508 : vector<16xi32>
          %and3A_510 = arith.andi %eq3A_507, %lt3A_509 : vector<16xi1>
          %convert_element_type3A_511 = arith.extui %gt3A_505 : vector<16xi1> to vector<16xi32>
          %add3A_512 = arith.addi %while3A_429, %convert_element_type3A_511 : vector<16xi32>
          %convert_element_type3A_513 = arith.extui %and3A_510 : vector<16xi1> to vector<16xi32>
          %add3A_514 = arith.addi %add3A_512, %convert_element_type3A_513 : vector<16xi32>
          %gt3A_515 = vector.broadcast %squeeze3A_140 : i32 to vector<16xi32>
          %gt3A_516 = arith.cmpi sgt, %get3A_434, %gt3A_515 : vector<16xi32>
          %eq3A_517 = vector.broadcast %squeeze3A_140 : i32 to vector<16xi32>
          %eq3A_518 = arith.cmpi eq, %get3A_434, %eq3A_517 : vector<16xi32>
          %lt3A_519 = vector.broadcast %add3A_188 : i32 to vector<16xi32>
          %lt3A_520 = arith.cmpi slt, %add3A_438, %lt3A_519 : vector<16xi32>
          %and3A_521 = arith.andi %eq3A_518, %lt3A_520 : vector<16xi1>
          %convert_element_type3A_522 = arith.extui %gt3A_516 : vector<16xi1> to vector<16xi32>
          %add3A_523 = arith.addi %while3A_430, %convert_element_type3A_522 : vector<16xi32>
          %convert_element_type3A_524 = arith.extui %and3A_521 : vector<16xi1> to vector<16xi32>
          %add3A_525 = arith.addi %add3A_523, %convert_element_type3A_524 : vector<16xi32>
          scf.yield %add3A_448, %add3A_459, %add3A_470, %add3A_481, %add3A_492, %add3A_503, %add3A_514, %add3A_525 : vector<16xi32>, vector<16xi32>, vector<16xi32>, vector<16xi32>, vector<16xi32>, vector<16xi32>, vector<16xi32>, vector<16xi32>
        }
        %eq3A = arith.constant 0 : i32
        %eq3A_200 = vector.broadcast %eq3A : i32 to vector<16xi32>
        %eq3A_201 = arith.cmpi eq, %iota3A, %eq3A_200 : vector<16xi32>
        %reduce_sum3A = arith.constant true
        %reduce_sum3A_202 = vector.broadcast %reduce_sum3A : i1 to vector<16xi1>
        %reduce_sum3A_203 = tpu.scan <sum>, %while3A_199#0 masked %reduce_sum3A_202 : vector<16xi32>, vector<16xi1> -> vector<16xi32>
        %reduce_sum3A_204 = vector.extract %reduce_sum3A_203[15] : i32 from vector<16xi32>
        %broadcast_in_dim3A_205 = vector.broadcast %reduce_sum3A_204 : i32 to vector<16xi32>
        %select_n3A_206 = arith.select %eq3A_201, %broadcast_in_dim3A_205, %broadcast_in_dim3A_1 : vector<16xi1>, vector<16xi32>
        %eq3A_207 = arith.constant 1 : i32
        %eq3A_208 = vector.broadcast %eq3A_207 : i32 to vector<16xi32>
        %eq3A_209 = arith.cmpi eq, %iota3A, %eq3A_208 : vector<16xi32>
        %reduce_sum3A_210 = arith.constant true
        %reduce_sum3A_211 = vector.broadcast %reduce_sum3A_210 : i1 to vector<16xi1>
        %reduce_sum3A_212 = tpu.scan <sum>, %while3A_199#1 masked %reduce_sum3A_211 : vector<16xi32>, vector<16xi1> -> vector<16xi32>
        %reduce_sum3A_213 = vector.extract %reduce_sum3A_212[15] : i32 from vector<16xi32>
        %broadcast_in_dim3A_214 = vector.broadcast %reduce_sum3A_213 : i32 to vector<16xi32>
        %select_n3A_215 = arith.select %eq3A_209, %broadcast_in_dim3A_214, %select_n3A_206 : vector<16xi1>, vector<16xi32>
        %eq3A_216 = arith.constant 2 : i32
        %eq3A_217 = vector.broadcast %eq3A_216 : i32 to vector<16xi32>
        %eq3A_218 = arith.cmpi eq, %iota3A, %eq3A_217 : vector<16xi32>
        %reduce_sum3A_219 = arith.constant true
        %reduce_sum3A_220 = vector.broadcast %reduce_sum3A_219 : i1 to vector<16xi1>
        %reduce_sum3A_221 = tpu.scan <sum>, %while3A_199#2 masked %reduce_sum3A_220 : vector<16xi32>, vector<16xi1> -> vector<16xi32>
        %reduce_sum3A_222 = vector.extract %reduce_sum3A_221[15] : i32 from vector<16xi32>
        %broadcast_in_dim3A_223 = vector.broadcast %reduce_sum3A_222 : i32 to vector<16xi32>
        %select_n3A_224 = arith.select %eq3A_218, %broadcast_in_dim3A_223, %select_n3A_215 : vector<16xi1>, vector<16xi32>
        %eq3A_225 = arith.constant 3 : i32
        %eq3A_226 = vector.broadcast %eq3A_225 : i32 to vector<16xi32>
        %eq3A_227 = arith.cmpi eq, %iota3A, %eq3A_226 : vector<16xi32>
        %reduce_sum3A_228 = arith.constant true
        %reduce_sum3A_229 = vector.broadcast %reduce_sum3A_228 : i1 to vector<16xi1>
        %reduce_sum3A_230 = tpu.scan <sum>, %while3A_199#3 masked %reduce_sum3A_229 : vector<16xi32>, vector<16xi1> -> vector<16xi32>
        %reduce_sum3A_231 = vector.extract %reduce_sum3A_230[15] : i32 from vector<16xi32>
        %broadcast_in_dim3A_232 = vector.broadcast %reduce_sum3A_231 : i32 to vector<16xi32>
        %select_n3A_233 = arith.select %eq3A_227, %broadcast_in_dim3A_232, %select_n3A_224 : vector<16xi1>, vector<16xi32>
        %eq3A_234 = arith.constant 4 : i32
        %eq3A_235 = vector.broadcast %eq3A_234 : i32 to vector<16xi32>
        %eq3A_236 = arith.cmpi eq, %iota3A, %eq3A_235 : vector<16xi32>
        %reduce_sum3A_237 = arith.constant true
        %reduce_sum3A_238 = vector.broadcast %reduce_sum3A_237 : i1 to vector<16xi1>
        %reduce_sum3A_239 = tpu.scan <sum>, %while3A_199#4 masked %reduce_sum3A_238 : vector<16xi32>, vector<16xi1> -> vector<16xi32>
        %reduce_sum3A_240 = vector.extract %reduce_sum3A_239[15] : i32 from vector<16xi32>
        %broadcast_in_dim3A_241 = vector.broadcast %reduce_sum3A_240 : i32 to vector<16xi32>
        %select_n3A_242 = arith.select %eq3A_236, %broadcast_in_dim3A_241, %select_n3A_233 : vector<16xi1>, vector<16xi32>
        %eq3A_243 = arith.constant 5 : i32
        %eq3A_244 = vector.broadcast %eq3A_243 : i32 to vector<16xi32>
        %eq3A_245 = arith.cmpi eq, %iota3A, %eq3A_244 : vector<16xi32>
        %reduce_sum3A_246 = arith.constant true
        %reduce_sum3A_247 = vector.broadcast %reduce_sum3A_246 : i1 to vector<16xi1>
        %reduce_sum3A_248 = tpu.scan <sum>, %while3A_199#5 masked %reduce_sum3A_247 : vector<16xi32>, vector<16xi1> -> vector<16xi32>
        %reduce_sum3A_249 = vector.extract %reduce_sum3A_248[15] : i32 from vector<16xi32>
        %broadcast_in_dim3A_250 = vector.broadcast %reduce_sum3A_249 : i32 to vector<16xi32>
        %select_n3A_251 = arith.select %eq3A_245, %broadcast_in_dim3A_250, %select_n3A_242 : vector<16xi1>, vector<16xi32>
        %eq3A_252 = arith.constant 6 : i32
        %eq3A_253 = vector.broadcast %eq3A_252 : i32 to vector<16xi32>
        %eq3A_254 = arith.cmpi eq, %iota3A, %eq3A_253 : vector<16xi32>
        %reduce_sum3A_255 = arith.constant true
        %reduce_sum3A_256 = vector.broadcast %reduce_sum3A_255 : i1 to vector<16xi1>
        %reduce_sum3A_257 = tpu.scan <sum>, %while3A_199#6 masked %reduce_sum3A_256 : vector<16xi32>, vector<16xi1> -> vector<16xi32>
        %reduce_sum3A_258 = vector.extract %reduce_sum3A_257[15] : i32 from vector<16xi32>
        %broadcast_in_dim3A_259 = vector.broadcast %reduce_sum3A_258 : i32 to vector<16xi32>
        %select_n3A_260 = arith.select %eq3A_254, %broadcast_in_dim3A_259, %select_n3A_251 : vector<16xi1>, vector<16xi32>
        %eq3A_261 = arith.constant 7 : i32
        %eq3A_262 = vector.broadcast %eq3A_261 : i32 to vector<16xi32>
        %eq3A_263 = arith.cmpi eq, %iota3A, %eq3A_262 : vector<16xi32>
        %reduce_sum3A_264 = arith.constant true
        %reduce_sum3A_265 = vector.broadcast %reduce_sum3A_264 : i1 to vector<16xi1>
        %reduce_sum3A_266 = tpu.scan <sum>, %while3A_199#7 masked %reduce_sum3A_265 : vector<16xi32>, vector<16xi1> -> vector<16xi32>
        %reduce_sum3A_267 = vector.extract %reduce_sum3A_266[15] : i32 from vector<16xi32>
        %broadcast_in_dim3A_268 = vector.broadcast %reduce_sum3A_267 : i32 to vector<16xi32>
        %select_n3A_269 = arith.select %eq3A_263, %broadcast_in_dim3A_268, %select_n3A_260 : vector<16xi1>, vector<16xi32>
        %slice3A_270 = vector.extract_strided_slice %get3A_126 {offsets = [8], sizes = [1], strides = [1]} : vector<16xi32> to vector<1xi32>
        %squeeze3A_271 = vector.extract %slice3A_270[0] : i32 from vector<1xi32>
        %slice3A_272 = vector.extract_strided_slice %get3A_126 {offsets = [9], sizes = [1], strides = [1]} : vector<16xi32> to vector<1xi32>
        %squeeze3A_273 = vector.extract %slice3A_272[0] : i32 from vector<1xi32>
        %slice3A_274 = vector.extract_strided_slice %get3A_126 {offsets = [10], sizes = [1], strides = [1]} : vector<16xi32> to vector<1xi32>
        %squeeze3A_275 = vector.extract %slice3A_274[0] : i32 from vector<1xi32>
        %slice3A_276 = vector.extract_strided_slice %get3A_126 {offsets = [11], sizes = [1], strides = [1]} : vector<16xi32> to vector<1xi32>
        %squeeze3A_277 = vector.extract %slice3A_276[0] : i32 from vector<1xi32>
        %slice3A_278 = vector.extract_strided_slice %get3A_126 {offsets = [12], sizes = [1], strides = [1]} : vector<16xi32> to vector<1xi32>
        %squeeze3A_279 = vector.extract %slice3A_278[0] : i32 from vector<1xi32>
        %slice3A_280 = vector.extract_strided_slice %get3A_126 {offsets = [13], sizes = [1], strides = [1]} : vector<16xi32> to vector<1xi32>
        %squeeze3A_281 = vector.extract %slice3A_280[0] : i32 from vector<1xi32>
        %slice3A_282 = vector.extract_strided_slice %get3A_126 {offsets = [14], sizes = [1], strides = [1]} : vector<16xi32> to vector<1xi32>
        %squeeze3A_283 = vector.extract %slice3A_282[0] : i32 from vector<1xi32>
        %slice3A_284 = vector.extract_strided_slice %get3A_126 {offsets = [15], sizes = [1], strides = [1]} : vector<16xi32> to vector<1xi32>
        %squeeze3A_285 = vector.extract %slice3A_284[0] : i32 from vector<1xi32>
        %mul3A_286 = arith.constant 16 : i32
        %mul3A_287 = arith.muli %while3A_122, %mul3A_286 : i32
        %add3A_288 = arith.constant 8 : i32
        %add3A_289 = arith.addi %mul3A_287, %add3A_288 : i32
        %add3A_290 = arith.constant 0 : i32
        %add3A_291 = arith.addi %add3A_289, %add3A_290 : i32
        %mul3A_292 = arith.constant 16 : i32
        %mul3A_293 = arith.muli %while3A_122, %mul3A_292 : i32
        %add3A_294 = arith.constant 8 : i32
        %add3A_295 = arith.addi %mul3A_293, %add3A_294 : i32
        %add3A_296 = arith.constant 1 : i32
        %add3A_297 = arith.addi %add3A_295, %add3A_296 : i32
        %mul3A_298 = arith.constant 16 : i32
        %mul3A_299 = arith.muli %while3A_122, %mul3A_298 : i32
        %add3A_300 = arith.constant 8 : i32
        %add3A_301 = arith.addi %mul3A_299, %add3A_300 : i32
        %add3A_302 = arith.constant 2 : i32
        %add3A_303 = arith.addi %add3A_301, %add3A_302 : i32
        %mul3A_304 = arith.constant 16 : i32
        %mul3A_305 = arith.muli %while3A_122, %mul3A_304 : i32
        %add3A_306 = arith.constant 8 : i32
        %add3A_307 = arith.addi %mul3A_305, %add3A_306 : i32
        %add3A_308 = arith.constant 3 : i32
        %add3A_309 = arith.addi %add3A_307, %add3A_308 : i32
        %mul3A_310 = arith.constant 16 : i32
        %mul3A_311 = arith.muli %while3A_122, %mul3A_310 : i32
        %add3A_312 = arith.constant 8 : i32
        %add3A_313 = arith.addi %mul3A_311, %add3A_312 : i32
        %add3A_314 = arith.constant 4 : i32
        %add3A_315 = arith.addi %add3A_313, %add3A_314 : i32
        %mul3A_316 = arith.constant 16 : i32
        %mul3A_317 = arith.muli %while3A_122, %mul3A_316 : i32
        %add3A_318 = arith.constant 8 : i32
        %add3A_319 = arith.addi %mul3A_317, %add3A_318 : i32
        %add3A_320 = arith.constant 5 : i32
        %add3A_321 = arith.addi %add3A_319, %add3A_320 : i32
        %mul3A_322 = arith.constant 16 : i32
        %mul3A_323 = arith.muli %while3A_122, %mul3A_322 : i32
        %add3A_324 = arith.constant 8 : i32
        %add3A_325 = arith.addi %mul3A_323, %add3A_324 : i32
        %add3A_326 = arith.constant 6 : i32
        %add3A_327 = arith.addi %add3A_325, %add3A_326 : i32
        %mul3A_328 = arith.constant 16 : i32
        %mul3A_329 = arith.muli %while3A_122, %mul3A_328 : i32
        %add3A_330 = arith.constant 8 : i32
        %add3A_331 = arith.addi %mul3A_329, %add3A_330 : i32
        %add3A_332 = arith.constant 7 : i32
        %add3A_333 = arith.addi %add3A_331, %add3A_332 : i32
        %while3A_334 = arith.constant 0 : i32
        %while3A_335 = arith.subi %select_n3A, %while3A_334 : i32
        %while3A_336 = arith.addi %while3A_334, %while3A_335 : i32
        %while3A_337 = arith.constant 1 : i32
        %while3A_338 = arith.divsi %while3A_335, %while3A_337 : i32
        %while3A_339 = arith.muli %while3A_338, %while3A_337 : i32
        %while3A_340 = arith.addi %while3A_334, %while3A_339 : i32
        %while3A_341 = arith.constant 1 : i32
        %while3A_342:8 = scf.for %while3A_422 = %while3A_334 to %while3A_340 step %while3A_341 iter_args(%while3A_423 = %broadcast_in_dim3A_1, %while3A_424 = %broadcast_in_dim3A_1, %while3A_425 = %broadcast_in_dim3A_1, %while3A_426 = %broadcast_in_dim3A_1, %while3A_427 = %broadcast_in_dim3A_1, %while3A_428 = %broadcast_in_dim3A_1, %while3A_429 = %broadcast_in_dim3A_1, %while3A_430 = %broadcast_in_dim3A_1) -> (vector<16xi32>, vector<16xi32>, vector<16xi32>, vector<16xi32>, vector<16xi32>, vector<16xi32>, vector<16xi32>, vector<16xi32>)  : i32 {
          %mul3A_431 = arith.constant 16 : i32
          %mul3A_432 = arith.muli %while3A_422, %mul3A_431 : i32
          %get3A_433 = arith.index_cast %mul3A_432 : i32 to index
          %get3A_434 = tpu.vector_load %arg9[%get3A_433] {strides = array<i32>} : memref<512xi32, #tpu.memory_space<vmem>>, vector<16xi32>,
          %mul3A_435 = arith.constant 16 : i32
          %mul3A_436 = arith.muli %while3A_422, %mul3A_435 : i32
          %add3A_437 = vector.broadcast %mul3A_436 : i32 to vector<16xi32>
          %add3A_438 = arith.addi %add3A_437, %iota3A : vector<16xi32>
          %gt3A = vector.broadcast %squeeze3A_271 : i32 to vector<16xi32>
          %gt3A_439 = arith.cmpi sgt, %get3A_434, %gt3A : vector<16xi32>
          %eq3A_440 = vector.broadcast %squeeze3A_271 : i32 to vector<16xi32>
          %eq3A_441 = arith.cmpi eq, %get3A_434, %eq3A_440 : vector<16xi32>
          %lt3A_442 = vector.broadcast %add3A_291 : i32 to vector<16xi32>
          %lt3A_443 = arith.cmpi slt, %add3A_438, %lt3A_442 : vector<16xi32>
          %and3A_444 = arith.andi %eq3A_441, %lt3A_443 : vector<16xi1>
          %convert_element_type3A_445 = arith.extui %gt3A_439 : vector<16xi1> to vector<16xi32>
          %add3A_446 = arith.addi %while3A_423, %convert_element_type3A_445 : vector<16xi32>
          %convert_element_type3A_447 = arith.extui %and3A_444 : vector<16xi1> to vector<16xi32>
          %add3A_448 = arith.addi %add3A_446, %convert_element_type3A_447 : vector<16xi32>
          %gt3A_449 = vector.broadcast %squeeze3A_273 : i32 to vector<16xi32>
          %gt3A_450 = arith.cmpi sgt, %get3A_434, %gt3A_449 : vector<16xi32>
          %eq3A_451 = vector.broadcast %squeeze3A_273 : i32 to vector<16xi32>
          %eq3A_452 = arith.cmpi eq, %get3A_434, %eq3A_451 : vector<16xi32>
          %lt3A_453 = vector.broadcast %add3A_297 : i32 to vector<16xi32>
          %lt3A_454 = arith.cmpi slt, %add3A_438, %lt3A_453 : vector<16xi32>
          %and3A_455 = arith.andi %eq3A_452, %lt3A_454 : vector<16xi1>
          %convert_element_type3A_456 = arith.extui %gt3A_450 : vector<16xi1> to vector<16xi32>
          %add3A_457 = arith.addi %while3A_424, %convert_element_type3A_456 : vector<16xi32>
          %convert_element_type3A_458 = arith.extui %and3A_455 : vector<16xi1> to vector<16xi32>
          %add3A_459 = arith.addi %add3A_457, %convert_element_type3A_458 : vector<16xi32>
          %gt3A_460 = vector.broadcast %squeeze3A_275 : i32 to vector<16xi32>
          %gt3A_461 = arith.cmpi sgt, %get3A_434, %gt3A_460 : vector<16xi32>
          %eq3A_462 = vector.broadcast %squeeze3A_275 : i32 to vector<16xi32>
          %eq3A_463 = arith.cmpi eq, %get3A_434, %eq3A_462 : vector<16xi32>
          %lt3A_464 = vector.broadcast %add3A_303 : i32 to vector<16xi32>
          %lt3A_465 = arith.cmpi slt, %add3A_438, %lt3A_464 : vector<16xi32>
          %and3A_466 = arith.andi %eq3A_463, %lt3A_465 : vector<16xi1>
          %convert_element_type3A_467 = arith.extui %gt3A_461 : vector<16xi1> to vector<16xi32>
          %add3A_468 = arith.addi %while3A_425, %convert_element_type3A_467 : vector<16xi32>
          %convert_element_type3A_469 = arith.extui %and3A_466 : vector<16xi1> to vector<16xi32>
          %add3A_470 = arith.addi %add3A_468, %convert_element_type3A_469 : vector<16xi32>
          %gt3A_471 = vector.broadcast %squeeze3A_277 : i32 to vector<16xi32>
          %gt3A_472 = arith.cmpi sgt, %get3A_434, %gt3A_471 : vector<16xi32>
          %eq3A_473 = vector.broadcast %squeeze3A_277 : i32 to vector<16xi32>
          %eq3A_474 = arith.cmpi eq, %get3A_434, %eq3A_473 : vector<16xi32>
          %lt3A_475 = vector.broadcast %add3A_309 : i32 to vector<16xi32>
          %lt3A_476 = arith.cmpi slt, %add3A_438, %lt3A_475 : vector<16xi32>
          %and3A_477 = arith.andi %eq3A_474, %lt3A_476 : vector<16xi1>
          %convert_element_type3A_478 = arith.extui %gt3A_472 : vector<16xi1> to vector<16xi32>
          %add3A_479 = arith.addi %while3A_426, %convert_element_type3A_478 : vector<16xi32>
          %convert_element_type3A_480 = arith.extui %and3A_477 : vector<16xi1> to vector<16xi32>
          %add3A_481 = arith.addi %add3A_479, %convert_element_type3A_480 : vector<16xi32>
          %gt3A_482 = vector.broadcast %squeeze3A_279 : i32 to vector<16xi32>
          %gt3A_483 = arith.cmpi sgt, %get3A_434, %gt3A_482 : vector<16xi32>
          %eq3A_484 = vector.broadcast %squeeze3A_279 : i32 to vector<16xi32>
          %eq3A_485 = arith.cmpi eq, %get3A_434, %eq3A_484 : vector<16xi32>
          %lt3A_486 = vector.broadcast %add3A_315 : i32 to vector<16xi32>
          %lt3A_487 = arith.cmpi slt, %add3A_438, %lt3A_486 : vector<16xi32>
          %and3A_488 = arith.andi %eq3A_485, %lt3A_487 : vector<16xi1>
          %convert_element_type3A_489 = arith.extui %gt3A_483 : vector<16xi1> to vector<16xi32>
          %add3A_490 = arith.addi %while3A_427, %convert_element_type3A_489 : vector<16xi32>
          %convert_element_type3A_491 = arith.extui %and3A_488 : vector<16xi1> to vector<16xi32>
          %add3A_492 = arith.addi %add3A_490, %convert_element_type3A_491 : vector<16xi32>
          %gt3A_493 = vector.broadcast %squeeze3A_281 : i32 to vector<16xi32>
          %gt3A_494 = arith.cmpi sgt, %get3A_434, %gt3A_493 : vector<16xi32>
          %eq3A_495 = vector.broadcast %squeeze3A_281 : i32 to vector<16xi32>
          %eq3A_496 = arith.cmpi eq, %get3A_434, %eq3A_495 : vector<16xi32>
          %lt3A_497 = vector.broadcast %add3A_321 : i32 to vector<16xi32>
          %lt3A_498 = arith.cmpi slt, %add3A_438, %lt3A_497 : vector<16xi32>
          %and3A_499 = arith.andi %eq3A_496, %lt3A_498 : vector<16xi1>
          %convert_element_type3A_500 = arith.extui %gt3A_494 : vector<16xi1> to vector<16xi32>
          %add3A_501 = arith.addi %while3A_428, %convert_element_type3A_500 : vector<16xi32>
          %convert_element_type3A_502 = arith.extui %and3A_499 : vector<16xi1> to vector<16xi32>
          %add3A_503 = arith.addi %add3A_501, %convert_element_type3A_502 : vector<16xi32>
          %gt3A_504 = vector.broadcast %squeeze3A_283 : i32 to vector<16xi32>
          %gt3A_505 = arith.cmpi sgt, %get3A_434, %gt3A_504 : vector<16xi32>
          %eq3A_506 = vector.broadcast %squeeze3A_283 : i32 to vector<16xi32>
          %eq3A_507 = arith.cmpi eq, %get3A_434, %eq3A_506 : vector<16xi32>
          %lt3A_508 = vector.broadcast %add3A_327 : i32 to vector<16xi32>
          %lt3A_509 = arith.cmpi slt, %add3A_438, %lt3A_508 : vector<16xi32>
          %and3A_510 = arith.andi %eq3A_507, %lt3A_509 : vector<16xi1>
          %convert_element_type3A_511 = arith.extui %gt3A_505 : vector<16xi1> to vector<16xi32>
          %add3A_512 = arith.addi %while3A_429, %convert_element_type3A_511 : vector<16xi32>
          %convert_element_type3A_513 = arith.extui %and3A_510 : vector<16xi1> to vector<16xi32>
          %add3A_514 = arith.addi %add3A_512, %convert_element_type3A_513 : vector<16xi32>
          %gt3A_515 = vector.broadcast %squeeze3A_285 : i32 to vector<16xi32>
          %gt3A_516 = arith.cmpi sgt, %get3A_434, %gt3A_515 : vector<16xi32>
          %eq3A_517 = vector.broadcast %squeeze3A_285 : i32 to vector<16xi32>
          %eq3A_518 = arith.cmpi eq, %get3A_434, %eq3A_517 : vector<16xi32>
          %lt3A_519 = vector.broadcast %add3A_333 : i32 to vector<16xi32>
          %lt3A_520 = arith.cmpi slt, %add3A_438, %lt3A_519 : vector<16xi32>
          %and3A_521 = arith.andi %eq3A_518, %lt3A_520 : vector<16xi1>
          %convert_element_type3A_522 = arith.extui %gt3A_516 : vector<16xi1> to vector<16xi32>
          %add3A_523 = arith.addi %while3A_430, %convert_element_type3A_522 : vector<16xi32>
          %convert_element_type3A_524 = arith.extui %and3A_521 : vector<16xi1> to vector<16xi32>
          %add3A_525 = arith.addi %add3A_523, %convert_element_type3A_524 : vector<16xi32>
          scf.yield %add3A_448, %add3A_459, %add3A_470, %add3A_481, %add3A_492, %add3A_503, %add3A_514, %add3A_525 : vector<16xi32>, vector<16xi32>, vector<16xi32>, vector<16xi32>, vector<16xi32>, vector<16xi32>, vector<16xi32>, vector<16xi32>
        }
        %while3A_343 = arith.constant 1 : i32
        %while3A_344:8 = scf.for %while3A_422 = %while3A_340 to %while3A_336 step %while3A_343 iter_args(%while3A_423 = %while3A_342#0, %while3A_424 = %while3A_342#1, %while3A_425 = %while3A_342#2, %while3A_426 = %while3A_342#3, %while3A_427 = %while3A_342#4, %while3A_428 = %while3A_342#5, %while3A_429 = %while3A_342#6, %while3A_430 = %while3A_342#7) -> (vector<16xi32>, vector<16xi32>, vector<16xi32>, vector<16xi32>, vector<16xi32>, vector<16xi32>, vector<16xi32>, vector<16xi32>)  : i32 {
          %mul3A_431 = arith.constant 16 : i32
          %mul3A_432 = arith.muli %while3A_422, %mul3A_431 : i32
          %get3A_433 = arith.index_cast %mul3A_432 : i32 to index
          %get3A_434 = tpu.vector_load %arg9[%get3A_433] {strides = array<i32>} : memref<512xi32, #tpu.memory_space<vmem>>, vector<16xi32>,
          %mul3A_435 = arith.constant 16 : i32
          %mul3A_436 = arith.muli %while3A_422, %mul3A_435 : i32
          %add3A_437 = vector.broadcast %mul3A_436 : i32 to vector<16xi32>
          %add3A_438 = arith.addi %add3A_437, %iota3A : vector<16xi32>
          %gt3A = vector.broadcast %squeeze3A_271 : i32 to vector<16xi32>
          %gt3A_439 = arith.cmpi sgt, %get3A_434, %gt3A : vector<16xi32>
          %eq3A_440 = vector.broadcast %squeeze3A_271 : i32 to vector<16xi32>
          %eq3A_441 = arith.cmpi eq, %get3A_434, %eq3A_440 : vector<16xi32>
          %lt3A_442 = vector.broadcast %add3A_291 : i32 to vector<16xi32>
          %lt3A_443 = arith.cmpi slt, %add3A_438, %lt3A_442 : vector<16xi32>
          %and3A_444 = arith.andi %eq3A_441, %lt3A_443 : vector<16xi1>
          %convert_element_type3A_445 = arith.extui %gt3A_439 : vector<16xi1> to vector<16xi32>
          %add3A_446 = arith.addi %while3A_423, %convert_element_type3A_445 : vector<16xi32>
          %convert_element_type3A_447 = arith.extui %and3A_444 : vector<16xi1> to vector<16xi32>
          %add3A_448 = arith.addi %add3A_446, %convert_element_type3A_447 : vector<16xi32>
          %gt3A_449 = vector.broadcast %squeeze3A_273 : i32 to vector<16xi32>
          %gt3A_450 = arith.cmpi sgt, %get3A_434, %gt3A_449 : vector<16xi32>
          %eq3A_451 = vector.broadcast %squeeze3A_273 : i32 to vector<16xi32>
          %eq3A_452 = arith.cmpi eq, %get3A_434, %eq3A_451 : vector<16xi32>
          %lt3A_453 = vector.broadcast %add3A_297 : i32 to vector<16xi32>
          %lt3A_454 = arith.cmpi slt, %add3A_438, %lt3A_453 : vector<16xi32>
          %and3A_455 = arith.andi %eq3A_452, %lt3A_454 : vector<16xi1>
          %convert_element_type3A_456 = arith.extui %gt3A_450 : vector<16xi1> to vector<16xi32>
          %add3A_457 = arith.addi %while3A_424, %convert_element_type3A_456 : vector<16xi32>
          %convert_element_type3A_458 = arith.extui %and3A_455 : vector<16xi1> to vector<16xi32>
          %add3A_459 = arith.addi %add3A_457, %convert_element_type3A_458 : vector<16xi32>
          %gt3A_460 = vector.broadcast %squeeze3A_275 : i32 to vector<16xi32>
          %gt3A_461 = arith.cmpi sgt, %get3A_434, %gt3A_460 : vector<16xi32>
          %eq3A_462 = vector.broadcast %squeeze3A_275 : i32 to vector<16xi32>
          %eq3A_463 = arith.cmpi eq, %get3A_434, %eq3A_462 : vector<16xi32>
          %lt3A_464 = vector.broadcast %add3A_303 : i32 to vector<16xi32>
          %lt3A_465 = arith.cmpi slt, %add3A_438, %lt3A_464 : vector<16xi32>
          %and3A_466 = arith.andi %eq3A_463, %lt3A_465 : vector<16xi1>
          %convert_element_type3A_467 = arith.extui %gt3A_461 : vector<16xi1> to vector<16xi32>
          %add3A_468 = arith.addi %while3A_425, %convert_element_type3A_467 : vector<16xi32>
          %convert_element_type3A_469 = arith.extui %and3A_466 : vector<16xi1> to vector<16xi32>
          %add3A_470 = arith.addi %add3A_468, %convert_element_type3A_469 : vector<16xi32>
          %gt3A_471 = vector.broadcast %squeeze3A_277 : i32 to vector<16xi32>
          %gt3A_472 = arith.cmpi sgt, %get3A_434, %gt3A_471 : vector<16xi32>
          %eq3A_473 = vector.broadcast %squeeze3A_277 : i32 to vector<16xi32>
          %eq3A_474 = arith.cmpi eq, %get3A_434, %eq3A_473 : vector<16xi32>
          %lt3A_475 = vector.broadcast %add3A_309 : i32 to vector<16xi32>
          %lt3A_476 = arith.cmpi slt, %add3A_438, %lt3A_475 : vector<16xi32>
          %and3A_477 = arith.andi %eq3A_474, %lt3A_476 : vector<16xi1>
          %convert_element_type3A_478 = arith.extui %gt3A_472 : vector<16xi1> to vector<16xi32>
          %add3A_479 = arith.addi %while3A_426, %convert_element_type3A_478 : vector<16xi32>
          %convert_element_type3A_480 = arith.extui %and3A_477 : vector<16xi1> to vector<16xi32>
          %add3A_481 = arith.addi %add3A_479, %convert_element_type3A_480 : vector<16xi32>
          %gt3A_482 = vector.broadcast %squeeze3A_279 : i32 to vector<16xi32>
          %gt3A_483 = arith.cmpi sgt, %get3A_434, %gt3A_482 : vector<16xi32>
          %eq3A_484 = vector.broadcast %squeeze3A_279 : i32 to vector<16xi32>
          %eq3A_485 = arith.cmpi eq, %get3A_434, %eq3A_484 : vector<16xi32>
          %lt3A_486 = vector.broadcast %add3A_315 : i32 to vector<16xi32>
          %lt3A_487 = arith.cmpi slt, %add3A_438, %lt3A_486 : vector<16xi32>
          %and3A_488 = arith.andi %eq3A_485, %lt3A_487 : vector<16xi1>
          %convert_element_type3A_489 = arith.extui %gt3A_483 : vector<16xi1> to vector<16xi32>
          %add3A_490 = arith.addi %while3A_427, %convert_element_type3A_489 : vector<16xi32>
          %convert_element_type3A_491 = arith.extui %and3A_488 : vector<16xi1> to vector<16xi32>
          %add3A_492 = arith.addi %add3A_490, %convert_element_type3A_491 : vector<16xi32>
          %gt3A_493 = vector.broadcast %squeeze3A_281 : i32 to vector<16xi32>
          %gt3A_494 = arith.cmpi sgt, %get3A_434, %gt3A_493 : vector<16xi32>
          %eq3A_495 = vector.broadcast %squeeze3A_281 : i32 to vector<16xi32>
          %eq3A_496 = arith.cmpi eq, %get3A_434, %eq3A_495 : vector<16xi32>
          %lt3A_497 = vector.broadcast %add3A_321 : i32 to vector<16xi32>
          %lt3A_498 = arith.cmpi slt, %add3A_438, %lt3A_497 : vector<16xi32>
          %and3A_499 = arith.andi %eq3A_496, %lt3A_498 : vector<16xi1>
          %convert_element_type3A_500 = arith.extui %gt3A_494 : vector<16xi1> to vector<16xi32>
          %add3A_501 = arith.addi %while3A_428, %convert_element_type3A_500 : vector<16xi32>
          %convert_element_type3A_502 = arith.extui %and3A_499 : vector<16xi1> to vector<16xi32>
          %add3A_503 = arith.addi %add3A_501, %convert_element_type3A_502 : vector<16xi32>
          %gt3A_504 = vector.broadcast %squeeze3A_283 : i32 to vector<16xi32>
          %gt3A_505 = arith.cmpi sgt, %get3A_434, %gt3A_504 : vector<16xi32>
          %eq3A_506 = vector.broadcast %squeeze3A_283 : i32 to vector<16xi32>
          %eq3A_507 = arith.cmpi eq, %get3A_434, %eq3A_506 : vector<16xi32>
          %lt3A_508 = vector.broadcast %add3A_327 : i32 to vector<16xi32>
          %lt3A_509 = arith.cmpi slt, %add3A_438, %lt3A_508 : vector<16xi32>
          %and3A_510 = arith.andi %eq3A_507, %lt3A_509 : vector<16xi1>
          %convert_element_type3A_511 = arith.extui %gt3A_505 : vector<16xi1> to vector<16xi32>
          %add3A_512 = arith.addi %while3A_429, %convert_element_type3A_511 : vector<16xi32>
          %convert_element_type3A_513 = arith.extui %and3A_510 : vector<16xi1> to vector<16xi32>
          %add3A_514 = arith.addi %add3A_512, %convert_element_type3A_513 : vector<16xi32>
          %gt3A_515 = vector.broadcast %squeeze3A_285 : i32 to vector<16xi32>
          %gt3A_516 = arith.cmpi sgt, %get3A_434, %gt3A_515 : vector<16xi32>
          %eq3A_517 = vector.broadcast %squeeze3A_285 : i32 to vector<16xi32>
          %eq3A_518 = arith.cmpi eq, %get3A_434, %eq3A_517 : vector<16xi32>
          %lt3A_519 = vector.broadcast %add3A_333 : i32 to vector<16xi32>
          %lt3A_520 = arith.cmpi slt, %add3A_438, %lt3A_519 : vector<16xi32>
          %and3A_521 = arith.andi %eq3A_518, %lt3A_520 : vector<16xi1>
          %convert_element_type3A_522 = arith.extui %gt3A_516 : vector<16xi1> to vector<16xi32>
          %add3A_523 = arith.addi %while3A_430, %convert_element_type3A_522 : vector<16xi32>
          %convert_element_type3A_524 = arith.extui %and3A_521 : vector<16xi1> to vector<16xi32>
          %add3A_525 = arith.addi %add3A_523, %convert_element_type3A_524 : vector<16xi32>
          scf.yield %add3A_448, %add3A_459, %add3A_470, %add3A_481, %add3A_492, %add3A_503, %add3A_514, %add3A_525 : vector<16xi32>, vector<16xi32>, vector<16xi32>, vector<16xi32>, vector<16xi32>, vector<16xi32>, vector<16xi32>, vector<16xi32>
        }
        %eq3A_345 = arith.constant 8 : i32
        %eq3A_346 = vector.broadcast %eq3A_345 : i32 to vector<16xi32>
        %eq3A_347 = arith.cmpi eq, %iota3A, %eq3A_346 : vector<16xi32>
        %reduce_sum3A_348 = arith.constant true
        %reduce_sum3A_349 = vector.broadcast %reduce_sum3A_348 : i1 to vector<16xi1>
        %reduce_sum3A_350 = tpu.scan <sum>, %while3A_344#0 masked %reduce_sum3A_349 : vector<16xi32>, vector<16xi1> -> vector<16xi32>
        %reduce_sum3A_351 = vector.extract %reduce_sum3A_350[15] : i32 from vector<16xi32>
        %broadcast_in_dim3A_352 = vector.broadcast %reduce_sum3A_351 : i32 to vector<16xi32>
        %select_n3A_353 = arith.select %eq3A_347, %broadcast_in_dim3A_352, %select_n3A_269 : vector<16xi1>, vector<16xi32>
        %eq3A_354 = arith.constant 9 : i32
        %eq3A_355 = vector.broadcast %eq3A_354 : i32 to vector<16xi32>
        %eq3A_356 = arith.cmpi eq, %iota3A, %eq3A_355 : vector<16xi32>
        %reduce_sum3A_357 = arith.constant true
        %reduce_sum3A_358 = vector.broadcast %reduce_sum3A_357 : i1 to vector<16xi1>
        %reduce_sum3A_359 = tpu.scan <sum>, %while3A_344#1 masked %reduce_sum3A_358 : vector<16xi32>, vector<16xi1> -> vector<16xi32>
        %reduce_sum3A_360 = vector.extract %reduce_sum3A_359[15] : i32 from vector<16xi32>
        %broadcast_in_dim3A_361 = vector.broadcast %reduce_sum3A_360 : i32 to vector<16xi32>
        %select_n3A_362 = arith.select %eq3A_356, %broadcast_in_dim3A_361, %select_n3A_353 : vector<16xi1>, vector<16xi32>
        %eq3A_363 = arith.constant 10 : i32
        %eq3A_364 = vector.broadcast %eq3A_363 : i32 to vector<16xi32>
        %eq3A_365 = arith.cmpi eq, %iota3A, %eq3A_364 : vector<16xi32>
        %reduce_sum3A_366 = arith.constant true
        %reduce_sum3A_367 = vector.broadcast %reduce_sum3A_366 : i1 to vector<16xi1>
        %reduce_sum3A_368 = tpu.scan <sum>, %while3A_344#2 masked %reduce_sum3A_367 : vector<16xi32>, vector<16xi1> -> vector<16xi32>
        %reduce_sum3A_369 = vector.extract %reduce_sum3A_368[15] : i32 from vector<16xi32>
        %broadcast_in_dim3A_370 = vector.broadcast %reduce_sum3A_369 : i32 to vector<16xi32>
        %select_n3A_371 = arith.select %eq3A_365, %broadcast_in_dim3A_370, %select_n3A_362 : vector<16xi1>, vector<16xi32>
        %eq3A_372 = arith.constant 11 : i32
        %eq3A_373 = vector.broadcast %eq3A_372 : i32 to vector<16xi32>
        %eq3A_374 = arith.cmpi eq, %iota3A, %eq3A_373 : vector<16xi32>
        %reduce_sum3A_375 = arith.constant true
        %reduce_sum3A_376 = vector.broadcast %reduce_sum3A_375 : i1 to vector<16xi1>
        %reduce_sum3A_377 = tpu.scan <sum>, %while3A_344#3 masked %reduce_sum3A_376 : vector<16xi32>, vector<16xi1> -> vector<16xi32>
        %reduce_sum3A_378 = vector.extract %reduce_sum3A_377[15] : i32 from vector<16xi32>
        %broadcast_in_dim3A_379 = vector.broadcast %reduce_sum3A_378 : i32 to vector<16xi32>
        %select_n3A_380 = arith.select %eq3A_374, %broadcast_in_dim3A_379, %select_n3A_371 : vector<16xi1>, vector<16xi32>
        %eq3A_381 = arith.constant 12 : i32
        %eq3A_382 = vector.broadcast %eq3A_381 : i32 to vector<16xi32>
        %eq3A_383 = arith.cmpi eq, %iota3A, %eq3A_382 : vector<16xi32>
        %reduce_sum3A_384 = arith.constant true
        %reduce_sum3A_385 = vector.broadcast %reduce_sum3A_384 : i1 to vector<16xi1>
        %reduce_sum3A_386 = tpu.scan <sum>, %while3A_344#4 masked %reduce_sum3A_385 : vector<16xi32>, vector<16xi1> -> vector<16xi32>
        %reduce_sum3A_387 = vector.extract %reduce_sum3A_386[15] : i32 from vector<16xi32>
        %broadcast_in_dim3A_388 = vector.broadcast %reduce_sum3A_387 : i32 to vector<16xi32>
        %select_n3A_389 = arith.select %eq3A_383, %broadcast_in_dim3A_388, %select_n3A_380 : vector<16xi1>, vector<16xi32>
        %eq3A_390 = arith.constant 13 : i32
        %eq3A_391 = vector.broadcast %eq3A_390 : i32 to vector<16xi32>
        %eq3A_392 = arith.cmpi eq, %iota3A, %eq3A_391 : vector<16xi32>
        %reduce_sum3A_393 = arith.constant true
        %reduce_sum3A_394 = vector.broadcast %reduce_sum3A_393 : i1 to vector<16xi1>
        %reduce_sum3A_395 = tpu.scan <sum>, %while3A_344#5 masked %reduce_sum3A_394 : vector<16xi32>, vector<16xi1> -> vector<16xi32>
        %reduce_sum3A_396 = vector.extract %reduce_sum3A_395[15] : i32 from vector<16xi32>
        %broadcast_in_dim3A_397 = vector.broadcast %reduce_sum3A_396 : i32 to vector<16xi32>
        %select_n3A_398 = arith.select %eq3A_392, %broadcast_in_dim3A_397, %select_n3A_389 : vector<16xi1>, vector<16xi32>
        %eq3A_399 = arith.constant 14 : i32
        %eq3A_400 = vector.broadcast %eq3A_399 : i32 to vector<16xi32>
        %eq3A_401 = arith.cmpi eq, %iota3A, %eq3A_400 : vector<16xi32>
        %reduce_sum3A_402 = arith.constant true
        %reduce_sum3A_403 = vector.broadcast %reduce_sum3A_402 : i1 to vector<16xi1>
        %reduce_sum3A_404 = tpu.scan <sum>, %while3A_344#6 masked %reduce_sum3A_403 : vector<16xi32>, vector<16xi1> -> vector<16xi32>
        %reduce_sum3A_405 = vector.extract %reduce_sum3A_404[15] : i32 from vector<16xi32>
        %broadcast_in_dim3A_406 = vector.broadcast %reduce_sum3A_405 : i32 to vector<16xi32>
        %select_n3A_407 = arith.select %eq3A_401, %broadcast_in_dim3A_406, %select_n3A_398 : vector<16xi1>, vector<16xi32>
        %eq3A_408 = arith.constant 15 : i32
        %eq3A_409 = vector.broadcast %eq3A_408 : i32 to vector<16xi32>
        %eq3A_410 = arith.cmpi eq, %iota3A, %eq3A_409 : vector<16xi32>
        %reduce_sum3A_411 = arith.constant true
        %reduce_sum3A_412 = vector.broadcast %reduce_sum3A_411 : i1 to vector<16xi1>
        %reduce_sum3A_413 = tpu.scan <sum>, %while3A_344#7 masked %reduce_sum3A_412 : vector<16xi32>, vector<16xi1> -> vector<16xi32>
        %reduce_sum3A_414 = vector.extract %reduce_sum3A_413[15] : i32 from vector<16xi32>
        %broadcast_in_dim3A_415 = vector.broadcast %reduce_sum3A_414 : i32 to vector<16xi32>
        %select_n3A_416 = arith.select %eq3A_410, %broadcast_in_dim3A_415, %select_n3A_407 : vector<16xi1>, vector<16xi32>
        %mul3A_417 = arith.constant 16 : i32
        %mul3A_418 = arith.muli %while3A_122, %mul3A_417 : i32
        %swap3A_419 = arith.index_cast %mul3A_418 : i32 to index
        %swap3A_420 = tpu.vector_load %arg11[%swap3A_419] {strides = array<i32>} : memref<512xi32, #tpu.memory_space<vmem>>, vector<16xi32>,
        tpu.vector_store %arg11[%swap3A_419], %select_n3A_416 {strides = array<i32>} : memref<512xi32, #tpu.memory_space<vmem>>, vector<16xi32>,
        %while3A_421 = arith.constant 0 : i32
        scf.yield %while3A_421 : i32
      }
      %while3A_89 = arith.constant 1 : i32
      %while3A_90 = scf.for %while3A_122 = %while3A_86 to %while3A_82 step %while3A_89 iter_args(%while3A_123 = %while3A_88) -> (i32)  : i32 {
        %mul3A_124 = arith.constant 16 : i32
        %mul3A_125 = arith.muli %while3A_122, %mul3A_124 : i32
        %get3A = arith.index_cast %mul3A_125 : i32 to index
        %get3A_126 = tpu.vector_load %arg9[%get3A] {strides = array<i32>} : memref<512xi32, #tpu.memory_space<vmem>>, vector<16xi32>,
        %slice3A = vector.extract_strided_slice %get3A_126 {offsets = [0], sizes = [1], strides = [1]} : vector<16xi32> to vector<1xi32>
        %squeeze3A = vector.extract %slice3A[0] : i32 from vector<1xi32>
        %slice3A_127 = vector.extract_strided_slice %get3A_126 {offsets = [1], sizes = [1], strides = [1]} : vector<16xi32> to vector<1xi32>
        %squeeze3A_128 = vector.extract %slice3A_127[0] : i32 from vector<1xi32>
        %slice3A_129 = vector.extract_strided_slice %get3A_126 {offsets = [2], sizes = [1], strides = [1]} : vector<16xi32> to vector<1xi32>
        %squeeze3A_130 = vector.extract %slice3A_129[0] : i32 from vector<1xi32>
        %slice3A_131 = vector.extract_strided_slice %get3A_126 {offsets = [3], sizes = [1], strides = [1]} : vector<16xi32> to vector<1xi32>
        %squeeze3A_132 = vector.extract %slice3A_131[0] : i32 from vector<1xi32>
        %slice3A_133 = vector.extract_strided_slice %get3A_126 {offsets = [4], sizes = [1], strides = [1]} : vector<16xi32> to vector<1xi32>
        %squeeze3A_134 = vector.extract %slice3A_133[0] : i32 from vector<1xi32>
        %slice3A_135 = vector.extract_strided_slice %get3A_126 {offsets = [5], sizes = [1], strides = [1]} : vector<16xi32> to vector<1xi32>
        %squeeze3A_136 = vector.extract %slice3A_135[0] : i32 from vector<1xi32>
        %slice3A_137 = vector.extract_strided_slice %get3A_126 {offsets = [6], sizes = [1], strides = [1]} : vector<16xi32> to vector<1xi32>
        %squeeze3A_138 = vector.extract %slice3A_137[0] : i32 from vector<1xi32>
        %slice3A_139 = vector.extract_strided_slice %get3A_126 {offsets = [7], sizes = [1], strides = [1]} : vector<16xi32> to vector<1xi32>
        %squeeze3A_140 = vector.extract %slice3A_139[0] : i32 from vector<1xi32>
        %mul3A_141 = arith.constant 16 : i32
        %mul3A_142 = arith.muli %while3A_122, %mul3A_141 : i32
        %add3A_143 = arith.constant 0 : i32
        %add3A_144 = arith.addi %mul3A_142, %add3A_143 : i32
        %add3A_145 = arith.constant 0 : i32
        %add3A_146 = arith.addi %add3A_144, %add3A_145 : i32
        %mul3A_147 = arith.constant 16 : i32
        %mul3A_148 = arith.muli %while3A_122, %mul3A_147 : i32
        %add3A_149 = arith.constant 0 : i32
        %add3A_150 = arith.addi %mul3A_148, %add3A_149 : i32
        %add3A_151 = arith.constant 1 : i32
        %add3A_152 = arith.addi %add3A_150, %add3A_151 : i32
        %mul3A_153 = arith.constant 16 : i32
        %mul3A_154 = arith.muli %while3A_122, %mul3A_153 : i32
        %add3A_155 = arith.constant 0 : i32
        %add3A_156 = arith.addi %mul3A_154, %add3A_155 : i32
        %add3A_157 = arith.constant 2 : i32
        %add3A_158 = arith.addi %add3A_156, %add3A_157 : i32
        %mul3A_159 = arith.constant 16 : i32
        %mul3A_160 = arith.muli %while3A_122, %mul3A_159 : i32
        %add3A_161 = arith.constant 0 : i32
        %add3A_162 = arith.addi %mul3A_160, %add3A_161 : i32
        %add3A_163 = arith.constant 3 : i32
        %add3A_164 = arith.addi %add3A_162, %add3A_163 : i32
        %mul3A_165 = arith.constant 16 : i32
        %mul3A_166 = arith.muli %while3A_122, %mul3A_165 : i32
        %add3A_167 = arith.constant 0 : i32
        %add3A_168 = arith.addi %mul3A_166, %add3A_167 : i32
        %add3A_169 = arith.constant 4 : i32
        %add3A_170 = arith.addi %add3A_168, %add3A_169 : i32
        %mul3A_171 = arith.constant 16 : i32
        %mul3A_172 = arith.muli %while3A_122, %mul3A_171 : i32
        %add3A_173 = arith.constant 0 : i32
        %add3A_174 = arith.addi %mul3A_172, %add3A_173 : i32
        %add3A_175 = arith.constant 5 : i32
        %add3A_176 = arith.addi %add3A_174, %add3A_175 : i32
        %mul3A_177 = arith.constant 16 : i32
        %mul3A_178 = arith.muli %while3A_122, %mul3A_177 : i32
        %add3A_179 = arith.constant 0 : i32
        %add3A_180 = arith.addi %mul3A_178, %add3A_179 : i32
        %add3A_181 = arith.constant 6 : i32
        %add3A_182 = arith.addi %add3A_180, %add3A_181 : i32
        %mul3A_183 = arith.constant 16 : i32
        %mul3A_184 = arith.muli %while3A_122, %mul3A_183 : i32
        %add3A_185 = arith.constant 0 : i32
        %add3A_186 = arith.addi %mul3A_184, %add3A_185 : i32
        %add3A_187 = arith.constant 7 : i32
        %add3A_188 = arith.addi %add3A_186, %add3A_187 : i32
        %while3A_189 = arith.constant 0 : i32
        %while3A_190 = arith.subi %select_n3A, %while3A_189 : i32
        %while3A_191 = arith.addi %while3A_189, %while3A_190 : i32
        %while3A_192 = arith.constant 1 : i32
        %while3A_193 = arith.divsi %while3A_190, %while3A_192 : i32
        %while3A_194 = arith.muli %while3A_193, %while3A_192 : i32
        %while3A_195 = arith.addi %while3A_189, %while3A_194 : i32
        %while3A_196 = arith.constant 1 : i32
        %while3A_197:8 = scf.for %while3A_422 = %while3A_189 to %while3A_195 step %while3A_196 iter_args(%while3A_423 = %broadcast_in_dim3A_1, %while3A_424 = %broadcast_in_dim3A_1, %while3A_425 = %broadcast_in_dim3A_1, %while3A_426 = %broadcast_in_dim3A_1, %while3A_427 = %broadcast_in_dim3A_1, %while3A_428 = %broadcast_in_dim3A_1, %while3A_429 = %broadcast_in_dim3A_1, %while3A_430 = %broadcast_in_dim3A_1) -> (vector<16xi32>, vector<16xi32>, vector<16xi32>, vector<16xi32>, vector<16xi32>, vector<16xi32>, vector<16xi32>, vector<16xi32>)  : i32 {
          %mul3A_431 = arith.constant 16 : i32
          %mul3A_432 = arith.muli %while3A_422, %mul3A_431 : i32
          %get3A_433 = arith.index_cast %mul3A_432 : i32 to index
          %get3A_434 = tpu.vector_load %arg9[%get3A_433] {strides = array<i32>} : memref<512xi32, #tpu.memory_space<vmem>>, vector<16xi32>,
          %mul3A_435 = arith.constant 16 : i32
          %mul3A_436 = arith.muli %while3A_422, %mul3A_435 : i32
          %add3A_437 = vector.broadcast %mul3A_436 : i32 to vector<16xi32>
          %add3A_438 = arith.addi %add3A_437, %iota3A : vector<16xi32>
          %gt3A = vector.broadcast %squeeze3A : i32 to vector<16xi32>
          %gt3A_439 = arith.cmpi sgt, %get3A_434, %gt3A : vector<16xi32>
          %eq3A_440 = vector.broadcast %squeeze3A : i32 to vector<16xi32>
          %eq3A_441 = arith.cmpi eq, %get3A_434, %eq3A_440 : vector<16xi32>
          %lt3A_442 = vector.broadcast %add3A_146 : i32 to vector<16xi32>
          %lt3A_443 = arith.cmpi slt, %add3A_438, %lt3A_442 : vector<16xi32>
          %and3A_444 = arith.andi %eq3A_441, %lt3A_443 : vector<16xi1>
          %convert_element_type3A_445 = arith.extui %gt3A_439 : vector<16xi1> to vector<16xi32>
          %add3A_446 = arith.addi %while3A_423, %convert_element_type3A_445 : vector<16xi32>
          %convert_element_type3A_447 = arith.extui %and3A_444 : vector<16xi1> to vector<16xi32>
          %add3A_448 = arith.addi %add3A_446, %convert_element_type3A_447 : vector<16xi32>
          %gt3A_449 = vector.broadcast %squeeze3A_128 : i32 to vector<16xi32>
          %gt3A_450 = arith.cmpi sgt, %get3A_434, %gt3A_449 : vector<16xi32>
          %eq3A_451 = vector.broadcast %squeeze3A_128 : i32 to vector<16xi32>
          %eq3A_452 = arith.cmpi eq, %get3A_434, %eq3A_451 : vector<16xi32>
          %lt3A_453 = vector.broadcast %add3A_152 : i32 to vector<16xi32>
          %lt3A_454 = arith.cmpi slt, %add3A_438, %lt3A_453 : vector<16xi32>
          %and3A_455 = arith.andi %eq3A_452, %lt3A_454 : vector<16xi1>
          %convert_element_type3A_456 = arith.extui %gt3A_450 : vector<16xi1> to vector<16xi32>
          %add3A_457 = arith.addi %while3A_424, %convert_element_type3A_456 : vector<16xi32>
          %convert_element_type3A_458 = arith.extui %and3A_455 : vector<16xi1> to vector<16xi32>
          %add3A_459 = arith.addi %add3A_457, %convert_element_type3A_458 : vector<16xi32>
          %gt3A_460 = vector.broadcast %squeeze3A_130 : i32 to vector<16xi32>
          %gt3A_461 = arith.cmpi sgt, %get3A_434, %gt3A_460 : vector<16xi32>
          %eq3A_462 = vector.broadcast %squeeze3A_130 : i32 to vector<16xi32>
          %eq3A_463 = arith.cmpi eq, %get3A_434, %eq3A_462 : vector<16xi32>
          %lt3A_464 = vector.broadcast %add3A_158 : i32 to vector<16xi32>
          %lt3A_465 = arith.cmpi slt, %add3A_438, %lt3A_464 : vector<16xi32>
          %and3A_466 = arith.andi %eq3A_463, %lt3A_465 : vector<16xi1>
          %convert_element_type3A_467 = arith.extui %gt3A_461 : vector<16xi1> to vector<16xi32>
          %add3A_468 = arith.addi %while3A_425, %convert_element_type3A_467 : vector<16xi32>
          %convert_element_type3A_469 = arith.extui %and3A_466 : vector<16xi1> to vector<16xi32>
          %add3A_470 = arith.addi %add3A_468, %convert_element_type3A_469 : vector<16xi32>
          %gt3A_471 = vector.broadcast %squeeze3A_132 : i32 to vector<16xi32>
          %gt3A_472 = arith.cmpi sgt, %get3A_434, %gt3A_471 : vector<16xi32>
          %eq3A_473 = vector.broadcast %squeeze3A_132 : i32 to vector<16xi32>
          %eq3A_474 = arith.cmpi eq, %get3A_434, %eq3A_473 : vector<16xi32>
          %lt3A_475 = vector.broadcast %add3A_164 : i32 to vector<16xi32>
          %lt3A_476 = arith.cmpi slt, %add3A_438, %lt3A_475 : vector<16xi32>
          %and3A_477 = arith.andi %eq3A_474, %lt3A_476 : vector<16xi1>
          %convert_element_type3A_478 = arith.extui %gt3A_472 : vector<16xi1> to vector<16xi32>
          %add3A_479 = arith.addi %while3A_426, %convert_element_type3A_478 : vector<16xi32>
          %convert_element_type3A_480 = arith.extui %and3A_477 : vector<16xi1> to vector<16xi32>
          %add3A_481 = arith.addi %add3A_479, %convert_element_type3A_480 : vector<16xi32>
          %gt3A_482 = vector.broadcast %squeeze3A_134 : i32 to vector<16xi32>
          %gt3A_483 = arith.cmpi sgt, %get3A_434, %gt3A_482 : vector<16xi32>
          %eq3A_484 = vector.broadcast %squeeze3A_134 : i32 to vector<16xi32>
          %eq3A_485 = arith.cmpi eq, %get3A_434, %eq3A_484 : vector<16xi32>
          %lt3A_486 = vector.broadcast %add3A_170 : i32 to vector<16xi32>
          %lt3A_487 = arith.cmpi slt, %add3A_438, %lt3A_486 : vector<16xi32>
          %and3A_488 = arith.andi %eq3A_485, %lt3A_487 : vector<16xi1>
          %convert_element_type3A_489 = arith.extui %gt3A_483 : vector<16xi1> to vector<16xi32>
          %add3A_490 = arith.addi %while3A_427, %convert_element_type3A_489 : vector<16xi32>
          %convert_element_type3A_491 = arith.extui %and3A_488 : vector<16xi1> to vector<16xi32>
          %add3A_492 = arith.addi %add3A_490, %convert_element_type3A_491 : vector<16xi32>
          %gt3A_493 = vector.broadcast %squeeze3A_136 : i32 to vector<16xi32>
          %gt3A_494 = arith.cmpi sgt, %get3A_434, %gt3A_493 : vector<16xi32>
          %eq3A_495 = vector.broadcast %squeeze3A_136 : i32 to vector<16xi32>
          %eq3A_496 = arith.cmpi eq, %get3A_434, %eq3A_495 : vector<16xi32>
          %lt3A_497 = vector.broadcast %add3A_176 : i32 to vector<16xi32>
          %lt3A_498 = arith.cmpi slt, %add3A_438, %lt3A_497 : vector<16xi32>
          %and3A_499 = arith.andi %eq3A_496, %lt3A_498 : vector<16xi1>
          %convert_element_type3A_500 = arith.extui %gt3A_494 : vector<16xi1> to vector<16xi32>
          %add3A_501 = arith.addi %while3A_428, %convert_element_type3A_500 : vector<16xi32>
          %convert_element_type3A_502 = arith.extui %and3A_499 : vector<16xi1> to vector<16xi32>
          %add3A_503 = arith.addi %add3A_501, %convert_element_type3A_502 : vector<16xi32>
          %gt3A_504 = vector.broadcast %squeeze3A_138 : i32 to vector<16xi32>
          %gt3A_505 = arith.cmpi sgt, %get3A_434, %gt3A_504 : vector<16xi32>
          %eq3A_506 = vector.broadcast %squeeze3A_138 : i32 to vector<16xi32>
          %eq3A_507 = arith.cmpi eq, %get3A_434, %eq3A_506 : vector<16xi32>
          %lt3A_508 = vector.broadcast %add3A_182 : i32 to vector<16xi32>
          %lt3A_509 = arith.cmpi slt, %add3A_438, %lt3A_508 : vector<16xi32>
          %and3A_510 = arith.andi %eq3A_507, %lt3A_509 : vector<16xi1>
          %convert_element_type3A_511 = arith.extui %gt3A_505 : vector<16xi1> to vector<16xi32>
          %add3A_512 = arith.addi %while3A_429, %convert_element_type3A_511 : vector<16xi32>
          %convert_element_type3A_513 = arith.extui %and3A_510 : vector<16xi1> to vector<16xi32>
          %add3A_514 = arith.addi %add3A_512, %convert_element_type3A_513 : vector<16xi32>
          %gt3A_515 = vector.broadcast %squeeze3A_140 : i32 to vector<16xi32>
          %gt3A_516 = arith.cmpi sgt, %get3A_434, %gt3A_515 : vector<16xi32>
          %eq3A_517 = vector.broadcast %squeeze3A_140 : i32 to vector<16xi32>
          %eq3A_518 = arith.cmpi eq, %get3A_434, %eq3A_517 : vector<16xi32>
          %lt3A_519 = vector.broadcast %add3A_188 : i32 to vector<16xi32>
          %lt3A_520 = arith.cmpi slt, %add3A_438, %lt3A_519 : vector<16xi32>
          %and3A_521 = arith.andi %eq3A_518, %lt3A_520 : vector<16xi1>
          %convert_element_type3A_522 = arith.extui %gt3A_516 : vector<16xi1> to vector<16xi32>
          %add3A_523 = arith.addi %while3A_430, %convert_element_type3A_522 : vector<16xi32>
          %convert_element_type3A_524 = arith.extui %and3A_521 : vector<16xi1> to vector<16xi32>
          %add3A_525 = arith.addi %add3A_523, %convert_element_type3A_524 : vector<16xi32>
          scf.yield %add3A_448, %add3A_459, %add3A_470, %add3A_481, %add3A_492, %add3A_503, %add3A_514, %add3A_525 : vector<16xi32>, vector<16xi32>, vector<16xi32>, vector<16xi32>, vector<16xi32>, vector<16xi32>, vector<16xi32>, vector<16xi32>
        }
        %while3A_198 = arith.constant 1 : i32
        %while3A_199:8 = scf.for %while3A_422 = %while3A_195 to %while3A_191 step %while3A_198 iter_args(%while3A_423 = %while3A_197#0, %while3A_424 = %while3A_197#1, %while3A_425 = %while3A_197#2, %while3A_426 = %while3A_197#3, %while3A_427 = %while3A_197#4, %while3A_428 = %while3A_197#5, %while3A_429 = %while3A_197#6, %while3A_430 = %while3A_197#7) -> (vector<16xi32>, vector<16xi32>, vector<16xi32>, vector<16xi32>, vector<16xi32>, vector<16xi32>, vector<16xi32>, vector<16xi32>)  : i32 {
          %mul3A_431 = arith.constant 16 : i32
          %mul3A_432 = arith.muli %while3A_422, %mul3A_431 : i32
          %get3A_433 = arith.index_cast %mul3A_432 : i32 to index
          %get3A_434 = tpu.vector_load %arg9[%get3A_433] {strides = array<i32>} : memref<512xi32, #tpu.memory_space<vmem>>, vector<16xi32>,
          %mul3A_435 = arith.constant 16 : i32
          %mul3A_436 = arith.muli %while3A_422, %mul3A_435 : i32
          %add3A_437 = vector.broadcast %mul3A_436 : i32 to vector<16xi32>
          %add3A_438 = arith.addi %add3A_437, %iota3A : vector<16xi32>
          %gt3A = vector.broadcast %squeeze3A : i32 to vector<16xi32>
          %gt3A_439 = arith.cmpi sgt, %get3A_434, %gt3A : vector<16xi32>
          %eq3A_440 = vector.broadcast %squeeze3A : i32 to vector<16xi32>
          %eq3A_441 = arith.cmpi eq, %get3A_434, %eq3A_440 : vector<16xi32>
          %lt3A_442 = vector.broadcast %add3A_146 : i32 to vector<16xi32>
          %lt3A_443 = arith.cmpi slt, %add3A_438, %lt3A_442 : vector<16xi32>
          %and3A_444 = arith.andi %eq3A_441, %lt3A_443 : vector<16xi1>
          %convert_element_type3A_445 = arith.extui %gt3A_439 : vector<16xi1> to vector<16xi32>
          %add3A_446 = arith.addi %while3A_423, %convert_element_type3A_445 : vector<16xi32>
          %convert_element_type3A_447 = arith.extui %and3A_444 : vector<16xi1> to vector<16xi32>
          %add3A_448 = arith.addi %add3A_446, %convert_element_type3A_447 : vector<16xi32>
          %gt3A_449 = vector.broadcast %squeeze3A_128 : i32 to vector<16xi32>
          %gt3A_450 = arith.cmpi sgt, %get3A_434, %gt3A_449 : vector<16xi32>
          %eq3A_451 = vector.broadcast %squeeze3A_128 : i32 to vector<16xi32>
          %eq3A_452 = arith.cmpi eq, %get3A_434, %eq3A_451 : vector<16xi32>
          %lt3A_453 = vector.broadcast %add3A_152 : i32 to vector<16xi32>
          %lt3A_454 = arith.cmpi slt, %add3A_438, %lt3A_453 : vector<16xi32>
          %and3A_455 = arith.andi %eq3A_452, %lt3A_454 : vector<16xi1>
          %convert_element_type3A_456 = arith.extui %gt3A_450 : vector<16xi1> to vector<16xi32>
          %add3A_457 = arith.addi %while3A_424, %convert_element_type3A_456 : vector<16xi32>
          %convert_element_type3A_458 = arith.extui %and3A_455 : vector<16xi1> to vector<16xi32>
          %add3A_459 = arith.addi %add3A_457, %convert_element_type3A_458 : vector<16xi32>
          %gt3A_460 = vector.broadcast %squeeze3A_130 : i32 to vector<16xi32>
          %gt3A_461 = arith.cmpi sgt, %get3A_434, %gt3A_460 : vector<16xi32>
          %eq3A_462 = vector.broadcast %squeeze3A_130 : i32 to vector<16xi32>
          %eq3A_463 = arith.cmpi eq, %get3A_434, %eq3A_462 : vector<16xi32>
          %lt3A_464 = vector.broadcast %add3A_158 : i32 to vector<16xi32>
          %lt3A_465 = arith.cmpi slt, %add3A_438, %lt3A_464 : vector<16xi32>
          %and3A_466 = arith.andi %eq3A_463, %lt3A_465 : vector<16xi1>
          %convert_element_type3A_467 = arith.extui %gt3A_461 : vector<16xi1> to vector<16xi32>
          %add3A_468 = arith.addi %while3A_425, %convert_element_type3A_467 : vector<16xi32>
          %convert_element_type3A_469 = arith.extui %and3A_466 : vector<16xi1> to vector<16xi32>
          %add3A_470 = arith.addi %add3A_468, %convert_element_type3A_469 : vector<16xi32>
          %gt3A_471 = vector.broadcast %squeeze3A_132 : i32 to vector<16xi32>
          %gt3A_472 = arith.cmpi sgt, %get3A_434, %gt3A_471 : vector<16xi32>
          %eq3A_473 = vector.broadcast %squeeze3A_132 : i32 to vector<16xi32>
          %eq3A_474 = arith.cmpi eq, %get3A_434, %eq3A_473 : vector<16xi32>
          %lt3A_475 = vector.broadcast %add3A_164 : i32 to vector<16xi32>
          %lt3A_476 = arith.cmpi slt, %add3A_438, %lt3A_475 : vector<16xi32>
          %and3A_477 = arith.andi %eq3A_474, %lt3A_476 : vector<16xi1>
          %convert_element_type3A_478 = arith.extui %gt3A_472 : vector<16xi1> to vector<16xi32>
          %add3A_479 = arith.addi %while3A_426, %convert_element_type3A_478 : vector<16xi32>
          %convert_element_type3A_480 = arith.extui %and3A_477 : vector<16xi1> to vector<16xi32>
          %add3A_481 = arith.addi %add3A_479, %convert_element_type3A_480 : vector<16xi32>
          %gt3A_482 = vector.broadcast %squeeze3A_134 : i32 to vector<16xi32>
          %gt3A_483 = arith.cmpi sgt, %get3A_434, %gt3A_482 : vector<16xi32>
          %eq3A_484 = vector.broadcast %squeeze3A_134 : i32 to vector<16xi32>
          %eq3A_485 = arith.cmpi eq, %get3A_434, %eq3A_484 : vector<16xi32>
          %lt3A_486 = vector.broadcast %add3A_170 : i32 to vector<16xi32>
          %lt3A_487 = arith.cmpi slt, %add3A_438, %lt3A_486 : vector<16xi32>
          %and3A_488 = arith.andi %eq3A_485, %lt3A_487 : vector<16xi1>
          %convert_element_type3A_489 = arith.extui %gt3A_483 : vector<16xi1> to vector<16xi32>
          %add3A_490 = arith.addi %while3A_427, %convert_element_type3A_489 : vector<16xi32>
          %convert_element_type3A_491 = arith.extui %and3A_488 : vector<16xi1> to vector<16xi32>
          %add3A_492 = arith.addi %add3A_490, %convert_element_type3A_491 : vector<16xi32>
          %gt3A_493 = vector.broadcast %squeeze3A_136 : i32 to vector<16xi32>
          %gt3A_494 = arith.cmpi sgt, %get3A_434, %gt3A_493 : vector<16xi32>
          %eq3A_495 = vector.broadcast %squeeze3A_136 : i32 to vector<16xi32>
          %eq3A_496 = arith.cmpi eq, %get3A_434, %eq3A_495 : vector<16xi32>
          %lt3A_497 = vector.broadcast %add3A_176 : i32 to vector<16xi32>
          %lt3A_498 = arith.cmpi slt, %add3A_438, %lt3A_497 : vector<16xi32>
          %and3A_499 = arith.andi %eq3A_496, %lt3A_498 : vector<16xi1>
          %convert_element_type3A_500 = arith.extui %gt3A_494 : vector<16xi1> to vector<16xi32>
          %add3A_501 = arith.addi %while3A_428, %convert_element_type3A_500 : vector<16xi32>
          %convert_element_type3A_502 = arith.extui %and3A_499 : vector<16xi1> to vector<16xi32>
          %add3A_503 = arith.addi %add3A_501, %convert_element_type3A_502 : vector<16xi32>
          %gt3A_504 = vector.broadcast %squeeze3A_138 : i32 to vector<16xi32>
          %gt3A_505 = arith.cmpi sgt, %get3A_434, %gt3A_504 : vector<16xi32>
          %eq3A_506 = vector.broadcast %squeeze3A_138 : i32 to vector<16xi32>
          %eq3A_507 = arith.cmpi eq, %get3A_434, %eq3A_506 : vector<16xi32>
          %lt3A_508 = vector.broadcast %add3A_182 : i32 to vector<16xi32>
          %lt3A_509 = arith.cmpi slt, %add3A_438, %lt3A_508 : vector<16xi32>
          %and3A_510 = arith.andi %eq3A_507, %lt3A_509 : vector<16xi1>
          %convert_element_type3A_511 = arith.extui %gt3A_505 : vector<16xi1> to vector<16xi32>
          %add3A_512 = arith.addi %while3A_429, %convert_element_type3A_511 : vector<16xi32>
          %convert_element_type3A_513 = arith.extui %and3A_510 : vector<16xi1> to vector<16xi32>
          %add3A_514 = arith.addi %add3A_512, %convert_element_type3A_513 : vector<16xi32>
          %gt3A_515 = vector.broadcast %squeeze3A_140 : i32 to vector<16xi32>
          %gt3A_516 = arith.cmpi sgt, %get3A_434, %gt3A_515 : vector<16xi32>
          %eq3A_517 = vector.broadcast %squeeze3A_140 : i32 to vector<16xi32>
          %eq3A_518 = arith.cmpi eq, %get3A_434, %eq3A_517 : vector<16xi32>
          %lt3A_519 = vector.broadcast %add3A_188 : i32 to vector<16xi32>
          %lt3A_520 = arith.cmpi slt, %add3A_438, %lt3A_519 : vector<16xi32>
          %and3A_521 = arith.andi %eq3A_518, %lt3A_520 : vector<16xi1>
          %convert_element_type3A_522 = arith.extui %gt3A_516 : vector<16xi1> to vector<16xi32>
          %add3A_523 = arith.addi %while3A_430, %convert_element_type3A_522 : vector<16xi32>
          %convert_element_type3A_524 = arith.extui %and3A_521 : vector<16xi1> to vector<16xi32>
          %add3A_525 = arith.addi %add3A_523, %convert_element_type3A_524 : vector<16xi32>
          scf.yield %add3A_448, %add3A_459, %add3A_470, %add3A_481, %add3A_492, %add3A_503, %add3A_514, %add3A_525 : vector<16xi32>, vector<16xi32>, vector<16xi32>, vector<16xi32>, vector<16xi32>, vector<16xi32>, vector<16xi32>, vector<16xi32>
        }
        %eq3A = arith.constant 0 : i32
        %eq3A_200 = vector.broadcast %eq3A : i32 to vector<16xi32>
        %eq3A_201 = arith.cmpi eq, %iota3A, %eq3A_200 : vector<16xi32>
        %reduce_sum3A = arith.constant true
        %reduce_sum3A_202 = vector.broadcast %reduce_sum3A : i1 to vector<16xi1>
        %reduce_sum3A_203 = tpu.scan <sum>, %while3A_199#0 masked %reduce_sum3A_202 : vector<16xi32>, vector<16xi1> -> vector<16xi32>
        %reduce_sum3A_204 = vector.extract %reduce_sum3A_203[15] : i32 from vector<16xi32>
        %broadcast_in_dim3A_205 = vector.broadcast %reduce_sum3A_204 : i32 to vector<16xi32>
        %select_n3A_206 = arith.select %eq3A_201, %broadcast_in_dim3A_205, %broadcast_in_dim3A_1 : vector<16xi1>, vector<16xi32>
        %eq3A_207 = arith.constant 1 : i32
        %eq3A_208 = vector.broadcast %eq3A_207 : i32 to vector<16xi32>
        %eq3A_209 = arith.cmpi eq, %iota3A, %eq3A_208 : vector<16xi32>
        %reduce_sum3A_210 = arith.constant true
        %reduce_sum3A_211 = vector.broadcast %reduce_sum3A_210 : i1 to vector<16xi1>
        %reduce_sum3A_212 = tpu.scan <sum>, %while3A_199#1 masked %reduce_sum3A_211 : vector<16xi32>, vector<16xi1> -> vector<16xi32>
        %reduce_sum3A_213 = vector.extract %reduce_sum3A_212[15] : i32 from vector<16xi32>
        %broadcast_in_dim3A_214 = vector.broadcast %reduce_sum3A_213 : i32 to vector<16xi32>
        %select_n3A_215 = arith.select %eq3A_209, %broadcast_in_dim3A_214, %select_n3A_206 : vector<16xi1>, vector<16xi32>
        %eq3A_216 = arith.constant 2 : i32
        %eq3A_217 = vector.broadcast %eq3A_216 : i32 to vector<16xi32>
        %eq3A_218 = arith.cmpi eq, %iota3A, %eq3A_217 : vector<16xi32>
        %reduce_sum3A_219 = arith.constant true
        %reduce_sum3A_220 = vector.broadcast %reduce_sum3A_219 : i1 to vector<16xi1>
        %reduce_sum3A_221 = tpu.scan <sum>, %while3A_199#2 masked %reduce_sum3A_220 : vector<16xi32>, vector<16xi1> -> vector<16xi32>
        %reduce_sum3A_222 = vector.extract %reduce_sum3A_221[15] : i32 from vector<16xi32>
        %broadcast_in_dim3A_223 = vector.broadcast %reduce_sum3A_222 : i32 to vector<16xi32>
        %select_n3A_224 = arith.select %eq3A_218, %broadcast_in_dim3A_223, %select_n3A_215 : vector<16xi1>, vector<16xi32>
        %eq3A_225 = arith.constant 3 : i32
        %eq3A_226 = vector.broadcast %eq3A_225 : i32 to vector<16xi32>
        %eq3A_227 = arith.cmpi eq, %iota3A, %eq3A_226 : vector<16xi32>
        %reduce_sum3A_228 = arith.constant true
        %reduce_sum3A_229 = vector.broadcast %reduce_sum3A_228 : i1 to vector<16xi1>
        %reduce_sum3A_230 = tpu.scan <sum>, %while3A_199#3 masked %reduce_sum3A_229 : vector<16xi32>, vector<16xi1> -> vector<16xi32>
        %reduce_sum3A_231 = vector.extract %reduce_sum3A_230[15] : i32 from vector<16xi32>
        %broadcast_in_dim3A_232 = vector.broadcast %reduce_sum3A_231 : i32 to vector<16xi32>
        %select_n3A_233 = arith.select %eq3A_227, %broadcast_in_dim3A_232, %select_n3A_224 : vector<16xi1>, vector<16xi32>
        %eq3A_234 = arith.constant 4 : i32
        %eq3A_235 = vector.broadcast %eq3A_234 : i32 to vector<16xi32>
        %eq3A_236 = arith.cmpi eq, %iota3A, %eq3A_235 : vector<16xi32>
        %reduce_sum3A_237 = arith.constant true
        %reduce_sum3A_238 = vector.broadcast %reduce_sum3A_237 : i1 to vector<16xi1>
        %reduce_sum3A_239 = tpu.scan <sum>, %while3A_199#4 masked %reduce_sum3A_238 : vector<16xi32>, vector<16xi1> -> vector<16xi32>
        %reduce_sum3A_240 = vector.extract %reduce_sum3A_239[15] : i32 from vector<16xi32>
        %broadcast_in_dim3A_241 = vector.broadcast %reduce_sum3A_240 : i32 to vector<16xi32>
        %select_n3A_242 = arith.select %eq3A_236, %broadcast_in_dim3A_241, %select_n3A_233 : vector<16xi1>, vector<16xi32>
        %eq3A_243 = arith.constant 5 : i32
        %eq3A_244 = vector.broadcast %eq3A_243 : i32 to vector<16xi32>
        %eq3A_245 = arith.cmpi eq, %iota3A, %eq3A_244 : vector<16xi32>
        %reduce_sum3A_246 = arith.constant true
        %reduce_sum3A_247 = vector.broadcast %reduce_sum3A_246 : i1 to vector<16xi1>
        %reduce_sum3A_248 = tpu.scan <sum>, %while3A_199#5 masked %reduce_sum3A_247 : vector<16xi32>, vector<16xi1> -> vector<16xi32>
        %reduce_sum3A_249 = vector.extract %reduce_sum3A_248[15] : i32 from vector<16xi32>
        %broadcast_in_dim3A_250 = vector.broadcast %reduce_sum3A_249 : i32 to vector<16xi32>
        %select_n3A_251 = arith.select %eq3A_245, %broadcast_in_dim3A_250, %select_n3A_242 : vector<16xi1>, vector<16xi32>
        %eq3A_252 = arith.constant 6 : i32
        %eq3A_253 = vector.broadcast %eq3A_252 : i32 to vector<16xi32>
        %eq3A_254 = arith.cmpi eq, %iota3A, %eq3A_253 : vector<16xi32>
        %reduce_sum3A_255 = arith.constant true
        %reduce_sum3A_256 = vector.broadcast %reduce_sum3A_255 : i1 to vector<16xi1>
        %reduce_sum3A_257 = tpu.scan <sum>, %while3A_199#6 masked %reduce_sum3A_256 : vector<16xi32>, vector<16xi1> -> vector<16xi32>
        %reduce_sum3A_258 = vector.extract %reduce_sum3A_257[15] : i32 from vector<16xi32>
        %broadcast_in_dim3A_259 = vector.broadcast %reduce_sum3A_258 : i32 to vector<16xi32>
        %select_n3A_260 = arith.select %eq3A_254, %broadcast_in_dim3A_259, %select_n3A_251 : vector<16xi1>, vector<16xi32>
        %eq3A_261 = arith.constant 7 : i32
        %eq3A_262 = vector.broadcast %eq3A_261 : i32 to vector<16xi32>
        %eq3A_263 = arith.cmpi eq, %iota3A, %eq3A_262 : vector<16xi32>
        %reduce_sum3A_264 = arith.constant true
        %reduce_sum3A_265 = vector.broadcast %reduce_sum3A_264 : i1 to vector<16xi1>
        %reduce_sum3A_266 = tpu.scan <sum>, %while3A_199#7 masked %reduce_sum3A_265 : vector<16xi32>, vector<16xi1> -> vector<16xi32>
        %reduce_sum3A_267 = vector.extract %reduce_sum3A_266[15] : i32 from vector<16xi32>
        %broadcast_in_dim3A_268 = vector.broadcast %reduce_sum3A_267 : i32 to vector<16xi32>
        %select_n3A_269 = arith.select %eq3A_263, %broadcast_in_dim3A_268, %select_n3A_260 : vector<16xi1>, vector<16xi32>
        %slice3A_270 = vector.extract_strided_slice %get3A_126 {offsets = [8], sizes = [1], strides = [1]} : vector<16xi32> to vector<1xi32>
        %squeeze3A_271 = vector.extract %slice3A_270[0] : i32 from vector<1xi32>
        %slice3A_272 = vector.extract_strided_slice %get3A_126 {offsets = [9], sizes = [1], strides = [1]} : vector<16xi32> to vector<1xi32>
        %squeeze3A_273 = vector.extract %slice3A_272[0] : i32 from vector<1xi32>
        %slice3A_274 = vector.extract_strided_slice %get3A_126 {offsets = [10], sizes = [1], strides = [1]} : vector<16xi32> to vector<1xi32>
        %squeeze3A_275 = vector.extract %slice3A_274[0] : i32 from vector<1xi32>
        %slice3A_276 = vector.extract_strided_slice %get3A_126 {offsets = [11], sizes = [1], strides = [1]} : vector<16xi32> to vector<1xi32>
        %squeeze3A_277 = vector.extract %slice3A_276[0] : i32 from vector<1xi32>
        %slice3A_278 = vector.extract_strided_slice %get3A_126 {offsets = [12], sizes = [1], strides = [1]} : vector<16xi32> to vector<1xi32>
        %squeeze3A_279 = vector.extract %slice3A_278[0] : i32 from vector<1xi32>
        %slice3A_280 = vector.extract_strided_slice %get3A_126 {offsets = [13], sizes = [1], strides = [1]} : vector<16xi32> to vector<1xi32>
        %squeeze3A_281 = vector.extract %slice3A_280[0] : i32 from vector<1xi32>
        %slice3A_282 = vector.extract_strided_slice %get3A_126 {offsets = [14], sizes = [1], strides = [1]} : vector<16xi32> to vector<1xi32>
        %squeeze3A_283 = vector.extract %slice3A_282[0] : i32 from vector<1xi32>
        %slice3A_284 = vector.extract_strided_slice %get3A_126 {offsets = [15], sizes = [1], strides = [1]} : vector<16xi32> to vector<1xi32>
        %squeeze3A_285 = vector.extract %slice3A_284[0] : i32 from vector<1xi32>
        %mul3A_286 = arith.constant 16 : i32
        %mul3A_287 = arith.muli %while3A_122, %mul3A_286 : i32
        %add3A_288 = arith.constant 8 : i32
        %add3A_289 = arith.addi %mul3A_287, %add3A_288 : i32
        %add3A_290 = arith.constant 0 : i32
        %add3A_291 = arith.addi %add3A_289, %add3A_290 : i32
        %mul3A_292 = arith.constant 16 : i32
        %mul3A_293 = arith.muli %while3A_122, %mul3A_292 : i32
        %add3A_294 = arith.constant 8 : i32
        %add3A_295 = arith.addi %mul3A_293, %add3A_294 : i32
        %add3A_296 = arith.constant 1 : i32
        %add3A_297 = arith.addi %add3A_295, %add3A_296 : i32
        %mul3A_298 = arith.constant 16 : i32
        %mul3A_299 = arith.muli %while3A_122, %mul3A_298 : i32
        %add3A_300 = arith.constant 8 : i32
        %add3A_301 = arith.addi %mul3A_299, %add3A_300 : i32
        %add3A_302 = arith.constant 2 : i32
        %add3A_303 = arith.addi %add3A_301, %add3A_302 : i32
        %mul3A_304 = arith.constant 16 : i32
        %mul3A_305 = arith.muli %while3A_122, %mul3A_304 : i32
        %add3A_306 = arith.constant 8 : i32
        %add3A_307 = arith.addi %mul3A_305, %add3A_306 : i32
        %add3A_308 = arith.constant 3 : i32
        %add3A_309 = arith.addi %add3A_307, %add3A_308 : i32
        %mul3A_310 = arith.constant 16 : i32
        %mul3A_311 = arith.muli %while3A_122, %mul3A_310 : i32
        %add3A_312 = arith.constant 8 : i32
        %add3A_313 = arith.addi %mul3A_311, %add3A_312 : i32
        %add3A_314 = arith.constant 4 : i32
        %add3A_315 = arith.addi %add3A_313, %add3A_314 : i32
        %mul3A_316 = arith.constant 16 : i32
        %mul3A_317 = arith.muli %while3A_122, %mul3A_316 : i32
        %add3A_318 = arith.constant 8 : i32
        %add3A_319 = arith.addi %mul3A_317, %add3A_318 : i32
        %add3A_320 = arith.constant 5 : i32
        %add3A_321 = arith.addi %add3A_319, %add3A_320 : i32
        %mul3A_322 = arith.constant 16 : i32
        %mul3A_323 = arith.muli %while3A_122, %mul3A_322 : i32
        %add3A_324 = arith.constant 8 : i32
        %add3A_325 = arith.addi %mul3A_323, %add3A_324 : i32
        %add3A_326 = arith.constant 6 : i32
        %add3A_327 = arith.addi %add3A_325, %add3A_326 : i32
        %mul3A_328 = arith.constant 16 : i32
        %mul3A_329 = arith.muli %while3A_122, %mul3A_328 : i32
        %add3A_330 = arith.constant 8 : i32
        %add3A_331 = arith.addi %mul3A_329, %add3A_330 : i32
        %add3A_332 = arith.constant 7 : i32
        %add3A_333 = arith.addi %add3A_331, %add3A_332 : i32
        %while3A_334 = arith.constant 0 : i32
        %while3A_335 = arith.subi %select_n3A, %while3A_334 : i32
        %while3A_336 = arith.addi %while3A_334, %while3A_335 : i32
        %while3A_337 = arith.constant 1 : i32
        %while3A_338 = arith.divsi %while3A_335, %while3A_337 : i32
        %while3A_339 = arith.muli %while3A_338, %while3A_337 : i32
        %while3A_340 = arith.addi %while3A_334, %while3A_339 : i32
        %while3A_341 = arith.constant 1 : i32
        %while3A_342:8 = scf.for %while3A_422 = %while3A_334 to %while3A_340 step %while3A_341 iter_args(%while3A_423 = %broadcast_in_dim3A_1, %while3A_424 = %broadcast_in_dim3A_1, %while3A_425 = %broadcast_in_dim3A_1, %while3A_426 = %broadcast_in_dim3A_1, %while3A_427 = %broadcast_in_dim3A_1, %while3A_428 = %broadcast_in_dim3A_1, %while3A_429 = %broadcast_in_dim3A_1, %while3A_430 = %broadcast_in_dim3A_1) -> (vector<16xi32>, vector<16xi32>, vector<16xi32>, vector<16xi32>, vector<16xi32>, vector<16xi32>, vector<16xi32>, vector<16xi32>)  : i32 {
          %mul3A_431 = arith.constant 16 : i32
          %mul3A_432 = arith.muli %while3A_422, %mul3A_431 : i32
          %get3A_433 = arith.index_cast %mul3A_432 : i32 to index
          %get3A_434 = tpu.vector_load %arg9[%get3A_433] {strides = array<i32>} : memref<512xi32, #tpu.memory_space<vmem>>, vector<16xi32>,
          %mul3A_435 = arith.constant 16 : i32
          %mul3A_436 = arith.muli %while3A_422, %mul3A_435 : i32
          %add3A_437 = vector.broadcast %mul3A_436 : i32 to vector<16xi32>
          %add3A_438 = arith.addi %add3A_437, %iota3A : vector<16xi32>
          %gt3A = vector.broadcast %squeeze3A_271 : i32 to vector<16xi32>
          %gt3A_439 = arith.cmpi sgt, %get3A_434, %gt3A : vector<16xi32>
          %eq3A_440 = vector.broadcast %squeeze3A_271 : i32 to vector<16xi32>
          %eq3A_441 = arith.cmpi eq, %get3A_434, %eq3A_440 : vector<16xi32>
          %lt3A_442 = vector.broadcast %add3A_291 : i32 to vector<16xi32>
          %lt3A_443 = arith.cmpi slt, %add3A_438, %lt3A_442 : vector<16xi32>
          %and3A_444 = arith.andi %eq3A_441, %lt3A_443 : vector<16xi1>
          %convert_element_type3A_445 = arith.extui %gt3A_439 : vector<16xi1> to vector<16xi32>
          %add3A_446 = arith.addi %while3A_423, %convert_element_type3A_445 : vector<16xi32>
          %convert_element_type3A_447 = arith.extui %and3A_444 : vector<16xi1> to vector<16xi32>
          %add3A_448 = arith.addi %add3A_446, %convert_element_type3A_447 : vector<16xi32>
          %gt3A_449 = vector.broadcast %squeeze3A_273 : i32 to vector<16xi32>
          %gt3A_450 = arith.cmpi sgt, %get3A_434, %gt3A_449 : vector<16xi32>
          %eq3A_451 = vector.broadcast %squeeze3A_273 : i32 to vector<16xi32>
          %eq3A_452 = arith.cmpi eq, %get3A_434, %eq3A_451 : vector<16xi32>
          %lt3A_453 = vector.broadcast %add3A_297 : i32 to vector<16xi32>
          %lt3A_454 = arith.cmpi slt, %add3A_438, %lt3A_453 : vector<16xi32>
          %and3A_455 = arith.andi %eq3A_452, %lt3A_454 : vector<16xi1>
          %convert_element_type3A_456 = arith.extui %gt3A_450 : vector<16xi1> to vector<16xi32>
          %add3A_457 = arith.addi %while3A_424, %convert_element_type3A_456 : vector<16xi32>
          %convert_element_type3A_458 = arith.extui %and3A_455 : vector<16xi1> to vector<16xi32>
          %add3A_459 = arith.addi %add3A_457, %convert_element_type3A_458 : vector<16xi32>
          %gt3A_460 = vector.broadcast %squeeze3A_275 : i32 to vector<16xi32>
          %gt3A_461 = arith.cmpi sgt, %get3A_434, %gt3A_460 : vector<16xi32>
          %eq3A_462 = vector.broadcast %squeeze3A_275 : i32 to vector<16xi32>
          %eq3A_463 = arith.cmpi eq, %get3A_434, %eq3A_462 : vector<16xi32>
          %lt3A_464 = vector.broadcast %add3A_303 : i32 to vector<16xi32>
          %lt3A_465 = arith.cmpi slt, %add3A_438, %lt3A_464 : vector<16xi32>
          %and3A_466 = arith.andi %eq3A_463, %lt3A_465 : vector<16xi1>
          %convert_element_type3A_467 = arith.extui %gt3A_461 : vector<16xi1> to vector<16xi32>
          %add3A_468 = arith.addi %while3A_425, %convert_element_type3A_467 : vector<16xi32>
          %convert_element_type3A_469 = arith.extui %and3A_466 : vector<16xi1> to vector<16xi32>
          %add3A_470 = arith.addi %add3A_468, %convert_element_type3A_469 : vector<16xi32>
          %gt3A_471 = vector.broadcast %squeeze3A_277 : i32 to vector<16xi32>
          %gt3A_472 = arith.cmpi sgt, %get3A_434, %gt3A_471 : vector<16xi32>
          %eq3A_473 = vector.broadcast %squeeze3A_277 : i32 to vector<16xi32>
          %eq3A_474 = arith.cmpi eq, %get3A_434, %eq3A_473 : vector<16xi32>
          %lt3A_475 = vector.broadcast %add3A_309 : i32 to vector<16xi32>
          %lt3A_476 = arith.cmpi slt, %add3A_438, %lt3A_475 : vector<16xi32>
          %and3A_477 = arith.andi %eq3A_474, %lt3A_476 : vector<16xi1>
          %convert_element_type3A_478 = arith.extui %gt3A_472 : vector<16xi1> to vector<16xi32>
          %add3A_479 = arith.addi %while3A_426, %convert_element_type3A_478 : vector<16xi32>
          %convert_element_type3A_480 = arith.extui %and3A_477 : vector<16xi1> to vector<16xi32>
          %add3A_481 = arith.addi %add3A_479, %convert_element_type3A_480 : vector<16xi32>
          %gt3A_482 = vector.broadcast %squeeze3A_279 : i32 to vector<16xi32>
          %gt3A_483 = arith.cmpi sgt, %get3A_434, %gt3A_482 : vector<16xi32>
          %eq3A_484 = vector.broadcast %squeeze3A_279 : i32 to vector<16xi32>
          %eq3A_485 = arith.cmpi eq, %get3A_434, %eq3A_484 : vector<16xi32>
          %lt3A_486 = vector.broadcast %add3A_315 : i32 to vector<16xi32>
          %lt3A_487 = arith.cmpi slt, %add3A_438, %lt3A_486 : vector<16xi32>
          %and3A_488 = arith.andi %eq3A_485, %lt3A_487 : vector<16xi1>
          %convert_element_type3A_489 = arith.extui %gt3A_483 : vector<16xi1> to vector<16xi32>
          %add3A_490 = arith.addi %while3A_427, %convert_element_type3A_489 : vector<16xi32>
          %convert_element_type3A_491 = arith.extui %and3A_488 : vector<16xi1> to vector<16xi32>
          %add3A_492 = arith.addi %add3A_490, %convert_element_type3A_491 : vector<16xi32>
          %gt3A_493 = vector.broadcast %squeeze3A_281 : i32 to vector<16xi32>
          %gt3A_494 = arith.cmpi sgt, %get3A_434, %gt3A_493 : vector<16xi32>
          %eq3A_495 = vector.broadcast %squeeze3A_281 : i32 to vector<16xi32>
          %eq3A_496 = arith.cmpi eq, %get3A_434, %eq3A_495 : vector<16xi32>
          %lt3A_497 = vector.broadcast %add3A_321 : i32 to vector<16xi32>
          %lt3A_498 = arith.cmpi slt, %add3A_438, %lt3A_497 : vector<16xi32>
          %and3A_499 = arith.andi %eq3A_496, %lt3A_498 : vector<16xi1>
          %convert_element_type3A_500 = arith.extui %gt3A_494 : vector<16xi1> to vector<16xi32>
          %add3A_501 = arith.addi %while3A_428, %convert_element_type3A_500 : vector<16xi32>
          %convert_element_type3A_502 = arith.extui %and3A_499 : vector<16xi1> to vector<16xi32>
          %add3A_503 = arith.addi %add3A_501, %convert_element_type3A_502 : vector<16xi32>
          %gt3A_504 = vector.broadcast %squeeze3A_283 : i32 to vector<16xi32>
          %gt3A_505 = arith.cmpi sgt, %get3A_434, %gt3A_504 : vector<16xi32>
          %eq3A_506 = vector.broadcast %squeeze3A_283 : i32 to vector<16xi32>
          %eq3A_507 = arith.cmpi eq, %get3A_434, %eq3A_506 : vector<16xi32>
          %lt3A_508 = vector.broadcast %add3A_327 : i32 to vector<16xi32>
          %lt3A_509 = arith.cmpi slt, %add3A_438, %lt3A_508 : vector<16xi32>
          %and3A_510 = arith.andi %eq3A_507, %lt3A_509 : vector<16xi1>
          %convert_element_type3A_511 = arith.extui %gt3A_505 : vector<16xi1> to vector<16xi32>
          %add3A_512 = arith.addi %while3A_429, %convert_element_type3A_511 : vector<16xi32>
          %convert_element_type3A_513 = arith.extui %and3A_510 : vector<16xi1> to vector<16xi32>
          %add3A_514 = arith.addi %add3A_512, %convert_element_type3A_513 : vector<16xi32>
          %gt3A_515 = vector.broadcast %squeeze3A_285 : i32 to vector<16xi32>
          %gt3A_516 = arith.cmpi sgt, %get3A_434, %gt3A_515 : vector<16xi32>
          %eq3A_517 = vector.broadcast %squeeze3A_285 : i32 to vector<16xi32>
          %eq3A_518 = arith.cmpi eq, %get3A_434, %eq3A_517 : vector<16xi32>
          %lt3A_519 = vector.broadcast %add3A_333 : i32 to vector<16xi32>
          %lt3A_520 = arith.cmpi slt, %add3A_438, %lt3A_519 : vector<16xi32>
          %and3A_521 = arith.andi %eq3A_518, %lt3A_520 : vector<16xi1>
          %convert_element_type3A_522 = arith.extui %gt3A_516 : vector<16xi1> to vector<16xi32>
          %add3A_523 = arith.addi %while3A_430, %convert_element_type3A_522 : vector<16xi32>
          %convert_element_type3A_524 = arith.extui %and3A_521 : vector<16xi1> to vector<16xi32>
          %add3A_525 = arith.addi %add3A_523, %convert_element_type3A_524 : vector<16xi32>
          scf.yield %add3A_448, %add3A_459, %add3A_470, %add3A_481, %add3A_492, %add3A_503, %add3A_514, %add3A_525 : vector<16xi32>, vector<16xi32>, vector<16xi32>, vector<16xi32>, vector<16xi32>, vector<16xi32>, vector<16xi32>, vector<16xi32>
        }
        %while3A_343 = arith.constant 1 : i32
        %while3A_344:8 = scf.for %while3A_422 = %while3A_340 to %while3A_336 step %while3A_343 iter_args(%while3A_423 = %while3A_342#0, %while3A_424 = %while3A_342#1, %while3A_425 = %while3A_342#2, %while3A_426 = %while3A_342#3, %while3A_427 = %while3A_342#4, %while3A_428 = %while3A_342#5, %while3A_429 = %while3A_342#6, %while3A_430 = %while3A_342#7) -> (vector<16xi32>, vector<16xi32>, vector<16xi32>, vector<16xi32>, vector<16xi32>, vector<16xi32>, vector<16xi32>, vector<16xi32>)  : i32 {
          %mul3A_431 = arith.constant 16 : i32
          %mul3A_432 = arith.muli %while3A_422, %mul3A_431 : i32
          %get3A_433 = arith.index_cast %mul3A_432 : i32 to index
          %get3A_434 = tpu.vector_load %arg9[%get3A_433] {strides = array<i32>} : memref<512xi32, #tpu.memory_space<vmem>>, vector<16xi32>,
          %mul3A_435 = arith.constant 16 : i32
          %mul3A_436 = arith.muli %while3A_422, %mul3A_435 : i32
          %add3A_437 = vector.broadcast %mul3A_436 : i32 to vector<16xi32>
          %add3A_438 = arith.addi %add3A_437, %iota3A : vector<16xi32>
          %gt3A = vector.broadcast %squeeze3A_271 : i32 to vector<16xi32>
          %gt3A_439 = arith.cmpi sgt, %get3A_434, %gt3A : vector<16xi32>
          %eq3A_440 = vector.broadcast %squeeze3A_271 : i32 to vector<16xi32>
          %eq3A_441 = arith.cmpi eq, %get3A_434, %eq3A_440 : vector<16xi32>
          %lt3A_442 = vector.broadcast %add3A_291 : i32 to vector<16xi32>
          %lt3A_443 = arith.cmpi slt, %add3A_438, %lt3A_442 : vector<16xi32>
          %and3A_444 = arith.andi %eq3A_441, %lt3A_443 : vector<16xi1>
          %convert_element_type3A_445 = arith.extui %gt3A_439 : vector<16xi1> to vector<16xi32>
          %add3A_446 = arith.addi %while3A_423, %convert_element_type3A_445 : vector<16xi32>
          %convert_element_type3A_447 = arith.extui %and3A_444 : vector<16xi1> to vector<16xi32>
          %add3A_448 = arith.addi %add3A_446, %convert_element_type3A_447 : vector<16xi32>
          %gt3A_449 = vector.broadcast %squeeze3A_273 : i32 to vector<16xi32>
          %gt3A_450 = arith.cmpi sgt, %get3A_434, %gt3A_449 : vector<16xi32>
          %eq3A_451 = vector.broadcast %squeeze3A_273 : i32 to vector<16xi32>
          %eq3A_452 = arith.cmpi eq, %get3A_434, %eq3A_451 : vector<16xi32>
          %lt3A_453 = vector.broadcast %add3A_297 : i32 to vector<16xi32>
          %lt3A_454 = arith.cmpi slt, %add3A_438, %lt3A_453 : vector<16xi32>
          %and3A_455 = arith.andi %eq3A_452, %lt3A_454 : vector<16xi1>
          %convert_element_type3A_456 = arith.extui %gt3A_450 : vector<16xi1> to vector<16xi32>
          %add3A_457 = arith.addi %while3A_424, %convert_element_type3A_456 : vector<16xi32>
          %convert_element_type3A_458 = arith.extui %and3A_455 : vector<16xi1> to vector<16xi32>
          %add3A_459 = arith.addi %add3A_457, %convert_element_type3A_458 : vector<16xi32>
          %gt3A_460 = vector.broadcast %squeeze3A_275 : i32 to vector<16xi32>
          %gt3A_461 = arith.cmpi sgt, %get3A_434, %gt3A_460 : vector<16xi32>
          %eq3A_462 = vector.broadcast %squeeze3A_275 : i32 to vector<16xi32>
          %eq3A_463 = arith.cmpi eq, %get3A_434, %eq3A_462 : vector<16xi32>
          %lt3A_464 = vector.broadcast %add3A_303 : i32 to vector<16xi32>
          %lt3A_465 = arith.cmpi slt, %add3A_438, %lt3A_464 : vector<16xi32>
          %and3A_466 = arith.andi %eq3A_463, %lt3A_465 : vector<16xi1>
          %convert_element_type3A_467 = arith.extui %gt3A_461 : vector<16xi1> to vector<16xi32>
          %add3A_468 = arith.addi %while3A_425, %convert_element_type3A_467 : vector<16xi32>
          %convert_element_type3A_469 = arith.extui %and3A_466 : vector<16xi1> to vector<16xi32>
          %add3A_470 = arith.addi %add3A_468, %convert_element_type3A_469 : vector<16xi32>
          %gt3A_471 = vector.broadcast %squeeze3A_277 : i32 to vector<16xi32>
          %gt3A_472 = arith.cmpi sgt, %get3A_434, %gt3A_471 : vector<16xi32>
          %eq3A_473 = vector.broadcast %squeeze3A_277 : i32 to vector<16xi32>
          %eq3A_474 = arith.cmpi eq, %get3A_434, %eq3A_473 : vector<16xi32>
          %lt3A_475 = vector.broadcast %add3A_309 : i32 to vector<16xi32>
          %lt3A_476 = arith.cmpi slt, %add3A_438, %lt3A_475 : vector<16xi32>
          %and3A_477 = arith.andi %eq3A_474, %lt3A_476 : vector<16xi1>
          %convert_element_type3A_478 = arith.extui %gt3A_472 : vector<16xi1> to vector<16xi32>
          %add3A_479 = arith.addi %while3A_426, %convert_element_type3A_478 : vector<16xi32>
          %convert_element_type3A_480 = arith.extui %and3A_477 : vector<16xi1> to vector<16xi32>
          %add3A_481 = arith.addi %add3A_479, %convert_element_type3A_480 : vector<16xi32>
          %gt3A_482 = vector.broadcast %squeeze3A_279 : i32 to vector<16xi32>
          %gt3A_483 = arith.cmpi sgt, %get3A_434, %gt3A_482 : vector<16xi32>
          %eq3A_484 = vector.broadcast %squeeze3A_279 : i32 to vector<16xi32>
          %eq3A_485 = arith.cmpi eq, %get3A_434, %eq3A_484 : vector<16xi32>
          %lt3A_486 = vector.broadcast %add3A_315 : i32 to vector<16xi32>
          %lt3A_487 = arith.cmpi slt, %add3A_438, %lt3A_486 : vector<16xi32>
          %and3A_488 = arith.andi %eq3A_485, %lt3A_487 : vector<16xi1>
          %convert_element_type3A_489 = arith.extui %gt3A_483 : vector<16xi1> to vector<16xi32>
          %add3A_490 = arith.addi %while3A_427, %convert_element_type3A_489 : vector<16xi32>
          %convert_element_type3A_491 = arith.extui %and3A_488 : vector<16xi1> to vector<16xi32>
          %add3A_492 = arith.addi %add3A_490, %convert_element_type3A_491 : vector<16xi32>
          %gt3A_493 = vector.broadcast %squeeze3A_281 : i32 to vector<16xi32>
          %gt3A_494 = arith.cmpi sgt, %get3A_434, %gt3A_493 : vector<16xi32>
          %eq3A_495 = vector.broadcast %squeeze3A_281 : i32 to vector<16xi32>
          %eq3A_496 = arith.cmpi eq, %get3A_434, %eq3A_495 : vector<16xi32>
          %lt3A_497 = vector.broadcast %add3A_321 : i32 to vector<16xi32>
          %lt3A_498 = arith.cmpi slt, %add3A_438, %lt3A_497 : vector<16xi32>
          %and3A_499 = arith.andi %eq3A_496, %lt3A_498 : vector<16xi1>
          %convert_element_type3A_500 = arith.extui %gt3A_494 : vector<16xi1> to vector<16xi32>
          %add3A_501 = arith.addi %while3A_428, %convert_element_type3A_500 : vector<16xi32>
          %convert_element_type3A_502 = arith.extui %and3A_499 : vector<16xi1> to vector<16xi32>
          %add3A_503 = arith.addi %add3A_501, %convert_element_type3A_502 : vector<16xi32>
          %gt3A_504 = vector.broadcast %squeeze3A_283 : i32 to vector<16xi32>
          %gt3A_505 = arith.cmpi sgt, %get3A_434, %gt3A_504 : vector<16xi32>
          %eq3A_506 = vector.broadcast %squeeze3A_283 : i32 to vector<16xi32>
          %eq3A_507 = arith.cmpi eq, %get3A_434, %eq3A_506 : vector<16xi32>
          %lt3A_508 = vector.broadcast %add3A_327 : i32 to vector<16xi32>
          %lt3A_509 = arith.cmpi slt, %add3A_438, %lt3A_508 : vector<16xi32>
          %and3A_510 = arith.andi %eq3A_507, %lt3A_509 : vector<16xi1>
          %convert_element_type3A_511 = arith.extui %gt3A_505 : vector<16xi1> to vector<16xi32>
          %add3A_512 = arith.addi %while3A_429, %convert_element_type3A_511 : vector<16xi32>
          %convert_element_type3A_513 = arith.extui %and3A_510 : vector<16xi1> to vector<16xi32>
          %add3A_514 = arith.addi %add3A_512, %convert_element_type3A_513 : vector<16xi32>
          %gt3A_515 = vector.broadcast %squeeze3A_285 : i32 to vector<16xi32>
          %gt3A_516 = arith.cmpi sgt, %get3A_434, %gt3A_515 : vector<16xi32>
          %eq3A_517 = vector.broadcast %squeeze3A_285 : i32 to vector<16xi32>
          %eq3A_518 = arith.cmpi eq, %get3A_434, %eq3A_517 : vector<16xi32>
          %lt3A_519 = vector.broadcast %add3A_333 : i32 to vector<16xi32>
          %lt3A_520 = arith.cmpi slt, %add3A_438, %lt3A_519 : vector<16xi32>
          %and3A_521 = arith.andi %eq3A_518, %lt3A_520 : vector<16xi1>
          %convert_element_type3A_522 = arith.extui %gt3A_516 : vector<16xi1> to vector<16xi32>
          %add3A_523 = arith.addi %while3A_430, %convert_element_type3A_522 : vector<16xi32>
          %convert_element_type3A_524 = arith.extui %and3A_521 : vector<16xi1> to vector<16xi32>
          %add3A_525 = arith.addi %add3A_523, %convert_element_type3A_524 : vector<16xi32>
          scf.yield %add3A_448, %add3A_459, %add3A_470, %add3A_481, %add3A_492, %add3A_503, %add3A_514, %add3A_525 : vector<16xi32>, vector<16xi32>, vector<16xi32>, vector<16xi32>, vector<16xi32>, vector<16xi32>, vector<16xi32>, vector<16xi32>
        }
        %eq3A_345 = arith.constant 8 : i32
        %eq3A_346 = vector.broadcast %eq3A_345 : i32 to vector<16xi32>
        %eq3A_347 = arith.cmpi eq, %iota3A, %eq3A_346 : vector<16xi32>
        %reduce_sum3A_348 = arith.constant true
        %reduce_sum3A_349 = vector.broadcast %reduce_sum3A_348 : i1 to vector<16xi1>
        %reduce_sum3A_350 = tpu.scan <sum>, %while3A_344#0 masked %reduce_sum3A_349 : vector<16xi32>, vector<16xi1> -> vector<16xi32>
        %reduce_sum3A_351 = vector.extract %reduce_sum3A_350[15] : i32 from vector<16xi32>
        %broadcast_in_dim3A_352 = vector.broadcast %reduce_sum3A_351 : i32 to vector<16xi32>
        %select_n3A_353 = arith.select %eq3A_347, %broadcast_in_dim3A_352, %select_n3A_269 : vector<16xi1>, vector<16xi32>
        %eq3A_354 = arith.constant 9 : i32
        %eq3A_355 = vector.broadcast %eq3A_354 : i32 to vector<16xi32>
        %eq3A_356 = arith.cmpi eq, %iota3A, %eq3A_355 : vector<16xi32>
        %reduce_sum3A_357 = arith.constant true
        %reduce_sum3A_358 = vector.broadcast %reduce_sum3A_357 : i1 to vector<16xi1>
        %reduce_sum3A_359 = tpu.scan <sum>, %while3A_344#1 masked %reduce_sum3A_358 : vector<16xi32>, vector<16xi1> -> vector<16xi32>
        %reduce_sum3A_360 = vector.extract %reduce_sum3A_359[15] : i32 from vector<16xi32>
        %broadcast_in_dim3A_361 = vector.broadcast %reduce_sum3A_360 : i32 to vector<16xi32>
        %select_n3A_362 = arith.select %eq3A_356, %broadcast_in_dim3A_361, %select_n3A_353 : vector<16xi1>, vector<16xi32>
        %eq3A_363 = arith.constant 10 : i32
        %eq3A_364 = vector.broadcast %eq3A_363 : i32 to vector<16xi32>
        %eq3A_365 = arith.cmpi eq, %iota3A, %eq3A_364 : vector<16xi32>
        %reduce_sum3A_366 = arith.constant true
        %reduce_sum3A_367 = vector.broadcast %reduce_sum3A_366 : i1 to vector<16xi1>
        %reduce_sum3A_368 = tpu.scan <sum>, %while3A_344#2 masked %reduce_sum3A_367 : vector<16xi32>, vector<16xi1> -> vector<16xi32>
        %reduce_sum3A_369 = vector.extract %reduce_sum3A_368[15] : i32 from vector<16xi32>
        %broadcast_in_dim3A_370 = vector.broadcast %reduce_sum3A_369 : i32 to vector<16xi32>
        %select_n3A_371 = arith.select %eq3A_365, %broadcast_in_dim3A_370, %select_n3A_362 : vector<16xi1>, vector<16xi32>
        %eq3A_372 = arith.constant 11 : i32
        %eq3A_373 = vector.broadcast %eq3A_372 : i32 to vector<16xi32>
        %eq3A_374 = arith.cmpi eq, %iota3A, %eq3A_373 : vector<16xi32>
        %reduce_sum3A_375 = arith.constant true
        %reduce_sum3A_376 = vector.broadcast %reduce_sum3A_375 : i1 to vector<16xi1>
        %reduce_sum3A_377 = tpu.scan <sum>, %while3A_344#3 masked %reduce_sum3A_376 : vector<16xi32>, vector<16xi1> -> vector<16xi32>
        %reduce_sum3A_378 = vector.extract %reduce_sum3A_377[15] : i32 from vector<16xi32>
        %broadcast_in_dim3A_379 = vector.broadcast %reduce_sum3A_378 : i32 to vector<16xi32>
        %select_n3A_380 = arith.select %eq3A_374, %broadcast_in_dim3A_379, %select_n3A_371 : vector<16xi1>, vector<16xi32>
        %eq3A_381 = arith.constant 12 : i32
        %eq3A_382 = vector.broadcast %eq3A_381 : i32 to vector<16xi32>
        %eq3A_383 = arith.cmpi eq, %iota3A, %eq3A_382 : vector<16xi32>
        %reduce_sum3A_384 = arith.constant true
        %reduce_sum3A_385 = vector.broadcast %reduce_sum3A_384 : i1 to vector<16xi1>
        %reduce_sum3A_386 = tpu.scan <sum>, %while3A_344#4 masked %reduce_sum3A_385 : vector<16xi32>, vector<16xi1> -> vector<16xi32>
        %reduce_sum3A_387 = vector.extract %reduce_sum3A_386[15] : i32 from vector<16xi32>
        %broadcast_in_dim3A_388 = vector.broadcast %reduce_sum3A_387 : i32 to vector<16xi32>
        %select_n3A_389 = arith.select %eq3A_383, %broadcast_in_dim3A_388, %select_n3A_380 : vector<16xi1>, vector<16xi32>
        %eq3A_390 = arith.constant 13 : i32
        %eq3A_391 = vector.broadcast %eq3A_390 : i32 to vector<16xi32>
        %eq3A_392 = arith.cmpi eq, %iota3A, %eq3A_391 : vector<16xi32>
        %reduce_sum3A_393 = arith.constant true
        %reduce_sum3A_394 = vector.broadcast %reduce_sum3A_393 : i1 to vector<16xi1>
        %reduce_sum3A_395 = tpu.scan <sum>, %while3A_344#5 masked %reduce_sum3A_394 : vector<16xi32>, vector<16xi1> -> vector<16xi32>
        %reduce_sum3A_396 = vector.extract %reduce_sum3A_395[15] : i32 from vector<16xi32>
        %broadcast_in_dim3A_397 = vector.broadcast %reduce_sum3A_396 : i32 to vector<16xi32>
        %select_n3A_398 = arith.select %eq3A_392, %broadcast_in_dim3A_397, %select_n3A_389 : vector<16xi1>, vector<16xi32>
        %eq3A_399 = arith.constant 14 : i32
        %eq3A_400 = vector.broadcast %eq3A_399 : i32 to vector<16xi32>
        %eq3A_401 = arith.cmpi eq, %iota3A, %eq3A_400 : vector<16xi32>
        %reduce_sum3A_402 = arith.constant true
        %reduce_sum3A_403 = vector.broadcast %reduce_sum3A_402 : i1 to vector<16xi1>
        %reduce_sum3A_404 = tpu.scan <sum>, %while3A_344#6 masked %reduce_sum3A_403 : vector<16xi32>, vector<16xi1> -> vector<16xi32>
        %reduce_sum3A_405 = vector.extract %reduce_sum3A_404[15] : i32 from vector<16xi32>
        %broadcast_in_dim3A_406 = vector.broadcast %reduce_sum3A_405 : i32 to vector<16xi32>
        %select_n3A_407 = arith.select %eq3A_401, %broadcast_in_dim3A_406, %select_n3A_398 : vector<16xi1>, vector<16xi32>
        %eq3A_408 = arith.constant 15 : i32
        %eq3A_409 = vector.broadcast %eq3A_408 : i32 to vector<16xi32>
        %eq3A_410 = arith.cmpi eq, %iota3A, %eq3A_409 : vector<16xi32>
        %reduce_sum3A_411 = arith.constant true
        %reduce_sum3A_412 = vector.broadcast %reduce_sum3A_411 : i1 to vector<16xi1>
        %reduce_sum3A_413 = tpu.scan <sum>, %while3A_344#7 masked %reduce_sum3A_412 : vector<16xi32>, vector<16xi1> -> vector<16xi32>
        %reduce_sum3A_414 = vector.extract %reduce_sum3A_413[15] : i32 from vector<16xi32>
        %broadcast_in_dim3A_415 = vector.broadcast %reduce_sum3A_414 : i32 to vector<16xi32>
        %select_n3A_416 = arith.select %eq3A_410, %broadcast_in_dim3A_415, %select_n3A_407 : vector<16xi1>, vector<16xi32>
        %mul3A_417 = arith.constant 16 : i32
        %mul3A_418 = arith.muli %while3A_122, %mul3A_417 : i32
        %swap3A_419 = arith.index_cast %mul3A_418 : i32 to index
        %swap3A_420 = tpu.vector_load %arg11[%swap3A_419] {strides = array<i32>} : memref<512xi32, #tpu.memory_space<vmem>>, vector<16xi32>,
        tpu.vector_store %arg11[%swap3A_419], %select_n3A_416 {strides = array<i32>} : memref<512xi32, #tpu.memory_space<vmem>>, vector<16xi32>,
        %while3A_421 = arith.constant 0 : i32
        scf.yield %while3A_421 : i32
      }
      %while3A_91 = arith.constant 0 : i32
      %while3A_92 = arith.constant 0 : i32
      %while3A_93 = arith.subi %select_n3A, %while3A_91 : i32
      %while3A_94 = arith.addi %while3A_91, %while3A_93 : i32
      %while3A_95 = arith.constant 1 : i32
      %while3A_96 = arith.divsi %while3A_93, %while3A_95 : i32
      %while3A_97 = arith.muli %while3A_96, %while3A_95 : i32
      %while3A_98 = arith.addi %while3A_91, %while3A_97 : i32
      %while3A_99 = arith.constant 1 : i32
      %while3A_100 = scf.for %while3A_122 = %while3A_91 to %while3A_98 step %while3A_99 iter_args(%while3A_123 = %while3A_92) -> (i32)  : i32 {
        %mul3A_124 = arith.constant 16 : i32
        %mul3A_125 = arith.muli %while3A_122, %mul3A_124 : i32
        %get3A = arith.index_cast %mul3A_125 : i32 to index
        %get3A_126 = tpu.vector_load %arg11[%get3A] {strides = array<i32>} : memref<512xi32, #tpu.memory_space<vmem>>, vector<16xi32>,
        %mul3A_127 = arith.constant 16 : i32
        %mul3A_128 = arith.muli %while3A_122, %mul3A_127 : i32
        %get3A_129 = arith.index_cast %mul3A_128 : i32 to index
        %get3A_130 = tpu.vector_load %arg9[%get3A_129] {strides = array<i32>} : memref<512xi32, #tpu.memory_space<vmem>>, vector<16xi32>,
        %mul3A_131 = arith.constant 16 : i32
        %mul3A_132 = arith.muli %while3A_122, %mul3A_131 : i32
        %get3A_133 = arith.index_cast %mul3A_132 : i32 to index
        %get3A_134 = tpu.vector_load %arg8[%get3A_133] {strides = array<i32>} : memref<512xi32, #tpu.memory_space<vmem>>, vector<16xi32>,
        %bitcast_convert_type3A = tpu.bitcast %get3A_134 : vector<16xi32> -> vector<16xf32>
        %mul3A_135 = arith.constant 16 : i32
        %mul3A_136 = arith.muli %while3A_122, %mul3A_135 : i32
        %get3A_137 = arith.index_cast %mul3A_136 : i32 to index
        %get3A_138 = tpu.vector_load %arg10[%get3A_137] {strides = array<i32>} : memref<512xi32, #tpu.memory_space<vmem>>, vector<16xi32>,
        %mul3A_139 = arith.constant 16 : i32
        %mul3A_140 = arith.muli %while3A_122, %mul3A_139 : i32
        %add3A_141 = vector.broadcast %mul3A_140 : i32 to vector<16xi32>
        %add3A_142 = arith.addi %add3A_141, %iota3A : vector<16xi32>
        %lt3A_143 = arith.constant 200 : i32
        %lt3A_144 = vector.broadcast %lt3A_143 : i32 to vector<16xi32>
        %lt3A_145 = arith.cmpi slt, %get3A_126, %lt3A_144 : vector<16xi32>
        %lt3A_146 = vector.broadcast %min3A_49 : i32 to vector<16xi32>
        %lt3A_147 = arith.cmpi slt, %add3A_142, %lt3A_146 : vector<16xi32>
        %and3A_148 = arith.andi %lt3A_145, %lt3A_147 : vector<16xi1>
        %eq3A = arith.constant 0 : i32
        %eq3A_149 = vector.broadcast %eq3A : i32 to vector<16xi32>
        %eq3A_150 = arith.cmpi eq, %get3A_130, %eq3A_149 : vector<16xi32>
        %add3A_151 = arith.constant 1 : i32
        %add3A_152 = vector.broadcast %add3A_151 : i32 to vector<16xi32>
        %add3A_153 = arith.addi %get3A_138, %add3A_152 : vector<16xi32>
        %jit3A_154 = arith.constant 0 : i32
        %broadcast_in_dim3A_155 = vector.broadcast %jit3A_154 : i32 to vector<16xi32>
        %select_n3A_156 = arith.select %eq3A_150, %broadcast_in_dim3A_155, %add3A_153 : vector<16xi1>, vector<16xi32>
        tpu.vector_store_idx %arg12[%get3A_126], %bitcast_convert_type3A masked %and3A_148 : memref<200xf32, #tpu.memory_space<vmem>>[vector<16xi32>], vector<16xf32>, vector<16xi1>
        %lt3A_157 = arith.constant 104 : i32
        %lt3A_158 = vector.broadcast %lt3A_157 : i32 to vector<16xi32>
        %lt3A_159 = arith.cmpi slt, %get3A_126, %lt3A_158 : vector<16xi32>
        %and3A_160 = arith.andi %and3A_148, %lt3A_159 : vector<16xi1>
        %ge3A = arith.constant 104 : i32
        %ge3A_161 = vector.broadcast %ge3A : i32 to vector<16xi32>
        %ge3A_162 = arith.cmpi sge, %get3A_126, %ge3A_161 : vector<16xi32>
        %and3A_163 = arith.andi %and3A_148, %ge3A_162 : vector<16xi1>
        tpu.vector_store_idx %arg13[%get3A_126], %select_n3A_156 masked %and3A_160 : memref<104xi32, #tpu.memory_space<vmem>>[vector<16xi32>], vector<16xi32>, vector<16xi1>
        %sub3A_164 = arith.constant 104 : i32
        %sub3A_165 = vector.broadcast %sub3A_164 : i32 to vector<16xi32>
        %sub3A_166 = arith.subi %get3A_126, %sub3A_165 : vector<16xi32>
        tpu.vector_store_idx %arg14[%sub3A_166], %select_n3A_156 masked %and3A_163 : memref<96xi32, #tpu.memory_space<vmem>>[vector<16xi32>], vector<16xi32>, vector<16xi1>
        %while3A_167 = arith.constant 0 : i32
        scf.yield %while3A_167 : i32
      }
      %while3A_101 = arith.constant 1 : i32
      %while3A_102 = scf.for %while3A_122 = %while3A_98 to %while3A_94 step %while3A_101 iter_args(%while3A_123 = %while3A_100) -> (i32)  : i32 {
        %mul3A_124 = arith.constant 16 : i32
        %mul3A_125 = arith.muli %while3A_122, %mul3A_124 : i32
        %get3A = arith.index_cast %mul3A_125 : i32 to index
        %get3A_126 = tpu.vector_load %arg11[%get3A] {strides = array<i32>} : memref<512xi32, #tpu.memory_space<vmem>>, vector<16xi32>,
        %mul3A_127 = arith.constant 16 : i32
        %mul3A_128 = arith.muli %while3A_122, %mul3A_127 : i32
        %get3A_129 = arith.index_cast %mul3A_128 : i32 to index
        %get3A_130 = tpu.vector_load %arg9[%get3A_129] {strides = array<i32>} : memref<512xi32, #tpu.memory_space<vmem>>, vector<16xi32>,
        %mul3A_131 = arith.constant 16 : i32
        %mul3A_132 = arith.muli %while3A_122, %mul3A_131 : i32
        %get3A_133 = arith.index_cast %mul3A_132 : i32 to index
        %get3A_134 = tpu.vector_load %arg8[%get3A_133] {strides = array<i32>} : memref<512xi32, #tpu.memory_space<vmem>>, vector<16xi32>,
        %bitcast_convert_type3A = tpu.bitcast %get3A_134 : vector<16xi32> -> vector<16xf32>
        %mul3A_135 = arith.constant 16 : i32
        %mul3A_136 = arith.muli %while3A_122, %mul3A_135 : i32
        %get3A_137 = arith.index_cast %mul3A_136 : i32 to index
        %get3A_138 = tpu.vector_load %arg10[%get3A_137] {strides = array<i32>} : memref<512xi32, #tpu.memory_space<vmem>>, vector<16xi32>,
        %mul3A_139 = arith.constant 16 : i32
        %mul3A_140 = arith.muli %while3A_122, %mul3A_139 : i32
        %add3A_141 = vector.broadcast %mul3A_140 : i32 to vector<16xi32>
        %add3A_142 = arith.addi %add3A_141, %iota3A : vector<16xi32>
        %lt3A_143 = arith.constant 200 : i32
        %lt3A_144 = vector.broadcast %lt3A_143 : i32 to vector<16xi32>
        %lt3A_145 = arith.cmpi slt, %get3A_126, %lt3A_144 : vector<16xi32>
        %lt3A_146 = vector.broadcast %min3A_49 : i32 to vector<16xi32>
        %lt3A_147 = arith.cmpi slt, %add3A_142, %lt3A_146 : vector<16xi32>
        %and3A_148 = arith.andi %lt3A_145, %lt3A_147 : vector<16xi1>
        %eq3A = arith.constant 0 : i32
        %eq3A_149 = vector.broadcast %eq3A : i32 to vector<16xi32>
        %eq3A_150 = arith.cmpi eq, %get3A_130, %eq3A_149 : vector<16xi32>
        %add3A_151 = arith.constant 1 : i32
        %add3A_152 = vector.broadcast %add3A_151 : i32 to vector<16xi32>
        %add3A_153 = arith.addi %get3A_138, %add3A_152 : vector<16xi32>
        %jit3A_154 = arith.constant 0 : i32
        %broadcast_in_dim3A_155 = vector.broadcast %jit3A_154 : i32 to vector<16xi32>
        %select_n3A_156 = arith.select %eq3A_150, %broadcast_in_dim3A_155, %add3A_153 : vector<16xi1>, vector<16xi32>
        tpu.vector_store_idx %arg12[%get3A_126], %bitcast_convert_type3A masked %and3A_148 : memref<200xf32, #tpu.memory_space<vmem>>[vector<16xi32>], vector<16xf32>, vector<16xi1>
        %lt3A_157 = arith.constant 104 : i32
        %lt3A_158 = vector.broadcast %lt3A_157 : i32 to vector<16xi32>
        %lt3A_159 = arith.cmpi slt, %get3A_126, %lt3A_158 : vector<16xi32>
        %and3A_160 = arith.andi %and3A_148, %lt3A_159 : vector<16xi1>
        %ge3A = arith.constant 104 : i32
        %ge3A_161 = vector.broadcast %ge3A : i32 to vector<16xi32>
        %ge3A_162 = arith.cmpi sge, %get3A_126, %ge3A_161 : vector<16xi32>
        %and3A_163 = arith.andi %and3A_148, %ge3A_162 : vector<16xi1>
        tpu.vector_store_idx %arg13[%get3A_126], %select_n3A_156 masked %and3A_160 : memref<104xi32, #tpu.memory_space<vmem>>[vector<16xi32>], vector<16xi32>, vector<16xi1>
        %sub3A_164 = arith.constant 104 : i32
        %sub3A_165 = vector.broadcast %sub3A_164 : i32 to vector<16xi32>
        %sub3A_166 = arith.subi %get3A_126, %sub3A_165 : vector<16xi32>
        tpu.vector_store_idx %arg14[%sub3A_166], %select_n3A_156 masked %and3A_163 : memref<96xi32, #tpu.memory_space<vmem>>[vector<16xi32>], vector<16xi32>, vector<16xi1>
        %while3A_167 = arith.constant 0 : i32
        scf.yield %while3A_167 : i32
      }
      "tpu.region"() ({
        %run_scoped3A = tpu.sem_alloc : memref<!tpu.dma_semaphore, #tpu.memory_space<semaphore_mem>>
        %dma_start3A_122 = arith.constant 0 : i32
        %dma_start3A_123 = tpu.memref_slice %arg4[%add3A_21, %dma_start3A_122] : memref<1024x200xf32, #tpu.memory_space<hbm>> -> memref<1x200xf32, #tpu.memory_space<hbm>>
        %dma_start3A_124 = tpu.memref_squeeze %dma_start3A_123 : memref<1x200xf32, #tpu.memory_space<hbm>> -> memref<200xf32, #tpu.memory_space<hbm>>
        %dma_start3A_125 = arith.constant 0 : i32
        %dma_start3A_126 = tpu.memref_slice %arg4[%add3A_21, %dma_start3A_125] : memref<1024x200xf32, #tpu.memory_space<hbm>> -> memref<1x200xf32, #tpu.memory_space<hbm>>
        %dma_start3A_127 = tpu.memref_squeeze %dma_start3A_126 : memref<1x200xf32, #tpu.memory_space<hbm>> -> memref<200xf32, #tpu.memory_space<hbm>>
        tpu.enqueue_dma source(%arg12 : memref<200xf32, #tpu.memory_space<vmem>>) target(%dma_start3A_127 : memref<200xf32, #tpu.memory_space<hbm>>) target_semaphore(%run_scoped3A : memref<!tpu.dma_semaphore, #tpu.memory_space<semaphore_mem>>)
        %dma_wait3A_128 = arith.constant 0 : i32
        %dma_wait3A_129 = tpu.memref_slice %arg4[%add3A_21, %dma_wait3A_128] : memref<1024x200xf32, #tpu.memory_space<hbm>> -> memref<1x200xf32, #tpu.memory_space<hbm>>
        %dma_wait3A_130 = tpu.memref_squeeze %dma_wait3A_129 : memref<1x200xf32, #tpu.memory_space<hbm>> -> memref<200xf32, #tpu.memory_space<hbm>>
        %dma_wait3A_131 = arith.constant 0 : i32
        %dma_wait3A_132 = tpu.memref_slice %arg4[%add3A_21, %dma_wait3A_131] : memref<1024x200xf32, #tpu.memory_space<hbm>> -> memref<1x200xf32, #tpu.memory_space<hbm>>
        %dma_wait3A_133 = tpu.memref_squeeze %dma_wait3A_132 : memref<1x200xf32, #tpu.memory_space<hbm>> -> memref<200xf32, #tpu.memory_space<hbm>>
        tpu.wait_dma2 semaphore(%run_scoped3A : memref<!tpu.dma_semaphore, #tpu.memory_space<semaphore_mem>>) src(%arg12 : memref<200xf32, #tpu.memory_space<vmem>>) dst(%dma_wait3A_133 : memref<200xf32, #tpu.memory_space<hbm>>)
        tpu.yield
      }) : () -> ()
      %dma_start3A_103 = arith.constant 0 : i32
      %dma_start3A_104 = arith.constant 0 : i32
      %dma_start3A_105 = tpu.memref_slice %arg3[%dma_start3A_103, %dma_start3A_104] : memref<100001x128xf32, #tpu.memory_space<hbm>> -> memref<100001x128xf32, #tpu.memory_space<hbm>>
      tpu.enqueue_indirect_dma source(%dma_start3A_105 : memref<100001x128xf32, #tpu.memory_space<hbm>>) target(%arg15 : memref<104x128xf32, #tpu.memory_space<vmem>>) offsets(%arg13 : memref<104xi32, #tpu.memory_space<vmem>>) semaphore(%arg16 : memref<!tpu.dma_semaphore, #tpu.memory_space<semaphore_mem>>)
      %dma_wait3A_106 = arith.constant 0 : i32
      %dma_wait3A_107 = arith.constant 0 : i32
      %dma_wait3A_108 = tpu.memref_slice %arg3[%dma_wait3A_106, %dma_wait3A_107] : memref<100001x128xf32, #tpu.memory_space<hbm>> -> memref<100001x128xf32, #tpu.memory_space<hbm>>
      tpu.wait_indirect_dma semaphore(%arg16 : memref<!tpu.dma_semaphore, #tpu.memory_space<semaphore_mem>>) src(%dma_wait3A_108 : memref<100001x128xf32, #tpu.memory_space<hbm>>) dst(%arg15 : memref<104x128xf32, #tpu.memory_space<vmem>>)
      "tpu.region"() ({
        %run_scoped3A = tpu.sem_alloc : memref<!tpu.dma_semaphore, #tpu.memory_space<semaphore_mem>>
        %dma_start3A_122 = arith.constant 0 : i32
        %dma_start3A_123 = arith.constant 0 : i32
        %dma_start3A_124 = tpu.memref_slice %arg5[%add3A_21, %dma_start3A_122, %dma_start3A_123] : memref<1024x200x128xf32, #tpu.memory_space<hbm>> -> memref<1x104x128xf32, #tpu.memory_space<hbm>>
        %dma_start3A_125 = tpu.memref_squeeze %dma_start3A_124 : memref<1x104x128xf32, #tpu.memory_space<hbm>> -> memref<104x128xf32, #tpu.memory_space<hbm>>
        %dma_start3A_126 = arith.constant 0 : i32
        %dma_start3A_127 = arith.constant 0 : i32
        %dma_start3A_128 = tpu.memref_slice %arg5[%add3A_21, %dma_start3A_126, %dma_start3A_127] : memref<1024x200x128xf32, #tpu.memory_space<hbm>> -> memref<1x104x128xf32, #tpu.memory_space<hbm>>
        %dma_start3A_129 = tpu.memref_squeeze %dma_start3A_128 : memref<1x104x128xf32, #tpu.memory_space<hbm>> -> memref<104x128xf32, #tpu.memory_space<hbm>>
        tpu.enqueue_dma source(%arg15 : memref<104x128xf32, #tpu.memory_space<vmem>>) target(%dma_start3A_129 : memref<104x128xf32, #tpu.memory_space<hbm>>) target_semaphore(%run_scoped3A : memref<!tpu.dma_semaphore, #tpu.memory_space<semaphore_mem>>)
        %dma_wait3A_130 = arith.constant 0 : i32
        %dma_wait3A_131 = arith.constant 0 : i32
        %dma_wait3A_132 = tpu.memref_slice %arg5[%add3A_21, %dma_wait3A_130, %dma_wait3A_131] : memref<1024x200x128xf32, #tpu.memory_space<hbm>> -> memref<1x104x128xf32, #tpu.memory_space<hbm>>
        %dma_wait3A_133 = tpu.memref_squeeze %dma_wait3A_132 : memref<1x104x128xf32, #tpu.memory_space<hbm>> -> memref<104x128xf32, #tpu.memory_space<hbm>>
        %dma_wait3A_134 = arith.constant 0 : i32
        %dma_wait3A_135 = arith.constant 0 : i32
        %dma_wait3A_136 = tpu.memref_slice %arg5[%add3A_21, %dma_wait3A_134, %dma_wait3A_135] : memref<1024x200x128xf32, #tpu.memory_space<hbm>> -> memref<1x104x128xf32, #tpu.memory_space<hbm>>
        %dma_wait3A_137 = tpu.memref_squeeze %dma_wait3A_136 : memref<1x104x128xf32, #tpu.memory_space<hbm>> -> memref<104x128xf32, #tpu.memory_space<hbm>>
        tpu.wait_dma2 semaphore(%run_scoped3A : memref<!tpu.dma_semaphore, #tpu.memory_space<semaphore_mem>>) src(%arg15 : memref<104x128xf32, #tpu.memory_space<vmem>>) dst(%dma_wait3A_137 : memref<104x128xf32, #tpu.memory_space<hbm>>)
        tpu.yield
      }) : () -> ()
      %dma_start3A_109 = arith.constant 0 : i32
      %dma_start3A_110 = arith.constant 0 : i32
      %dma_start3A_111 = tpu.memref_slice %arg15[%dma_start3A_109, %dma_start3A_110] : memref<104x128xf32, #tpu.memory_space<vmem>> -> memref<96x128xf32, #tpu.memory_space<vmem>>
      %dma_start3A_112 = arith.constant 0 : i32
      %dma_start3A_113 = arith.constant 0 : i32
      %dma_start3A_114 = tpu.memref_slice %arg3[%dma_start3A_112, %dma_start3A_113] : memref<100001x128xf32, #tpu.memory_space<hbm>> -> memref<100001x128xf32, #tpu.memory_space<hbm>>
      tpu.enqueue_indirect_dma source(%dma_start3A_114 : memref<100001x128xf32, #tpu.memory_space<hbm>>) target(%dma_start3A_111 : memref<96x128xf32, #tpu.memory_space<vmem>>) offsets(%arg14 : memref<96xi32, #tpu.memory_space<vmem>>) semaphore(%arg16 : memref<!tpu.dma_semaphore, #tpu.memory_space<semaphore_mem>>)
      %dma_wait3A_115 = arith.constant 0 : i32
      %dma_wait3A_116 = arith.constant 0 : i32
      %dma_wait3A_117 = tpu.memref_slice %arg15[%dma_wait3A_115, %dma_wait3A_116] : memref<104x128xf32, #tpu.memory_space<vmem>> -> memref<96x128xf32, #tpu.memory_space<vmem>>
      %dma_wait3A_118 = arith.constant 0 : i32
      %dma_wait3A_119 = arith.constant 0 : i32
      %dma_wait3A_120 = tpu.memref_slice %arg3[%dma_wait3A_118, %dma_wait3A_119] : memref<100001x128xf32, #tpu.memory_space<hbm>> -> memref<100001x128xf32, #tpu.memory_space<hbm>>
      tpu.wait_indirect_dma semaphore(%arg16 : memref<!tpu.dma_semaphore, #tpu.memory_space<semaphore_mem>>) src(%dma_wait3A_120 : memref<100001x128xf32, #tpu.memory_space<hbm>>) dst(%dma_wait3A_117 : memref<96x128xf32, #tpu.memory_space<vmem>>)
      "tpu.region"() ({
        %run_scoped3A = tpu.sem_alloc : memref<!tpu.dma_semaphore, #tpu.memory_space<semaphore_mem>>
        %dma_start3A_122 = arith.constant 0 : i32
        %dma_start3A_123 = arith.constant 0 : i32
        %dma_start3A_124 = tpu.memref_slice %arg15[%dma_start3A_122, %dma_start3A_123] : memref<104x128xf32, #tpu.memory_space<vmem>> -> memref<96x128xf32, #tpu.memory_space<vmem>>
        %dma_start3A_125 = arith.constant 104 : i32
        %dma_start3A_126 = arith.constant 0 : i32
        %dma_start3A_127 = tpu.memref_slice %arg5[%add3A_21, %dma_start3A_125, %dma_start3A_126] : memref<1024x200x128xf32, #tpu.memory_space<hbm>> -> memref<1x96x128xf32, #tpu.memory_space<hbm>>
        %dma_start3A_128 = tpu.memref_squeeze %dma_start3A_127 : memref<1x96x128xf32, #tpu.memory_space<hbm>> -> memref<96x128xf32, #tpu.memory_space<hbm>>
        %dma_start3A_129 = arith.constant 104 : i32
        %dma_start3A_130 = arith.constant 0 : i32
        %dma_start3A_131 = tpu.memref_slice %arg5[%add3A_21, %dma_start3A_129, %dma_start3A_130] : memref<1024x200x128xf32, #tpu.memory_space<hbm>> -> memref<1x96x128xf32, #tpu.memory_space<hbm>>
        %dma_start3A_132 = tpu.memref_squeeze %dma_start3A_131 : memref<1x96x128xf32, #tpu.memory_space<hbm>> -> memref<96x128xf32, #tpu.memory_space<hbm>>
        %dma_start3A_133 = arith.constant 0 : i32
        %dma_start3A_134 = arith.constant 0 : i32
        %dma_start3A_135 = tpu.memref_slice %arg15[%dma_start3A_133, %dma_start3A_134] : memref<104x128xf32, #tpu.memory_space<vmem>> -> memref<96x128xf32, #tpu.memory_space<vmem>>
        tpu.enqueue_dma source(%dma_start3A_135 : memref<96x128xf32, #tpu.memory_space<vmem>>) target(%dma_start3A_132 : memref<96x128xf32, #tpu.memory_space<hbm>>) target_semaphore(%run_scoped3A : memref<!tpu.dma_semaphore, #tpu.memory_space<semaphore_mem>>)
        %dma_wait3A_136 = arith.constant 0 : i32
        %dma_wait3A_137 = arith.constant 0 : i32
        %dma_wait3A_138 = tpu.memref_slice %arg15[%dma_wait3A_136, %dma_wait3A_137] : memref<104x128xf32, #tpu.memory_space<vmem>> -> memref<96x128xf32, #tpu.memory_space<vmem>>
        %dma_wait3A_139 = arith.constant 104 : i32
        %dma_wait3A_140 = arith.constant 0 : i32
        %dma_wait3A_141 = tpu.memref_slice %arg5[%add3A_21, %dma_wait3A_139, %dma_wait3A_140] : memref<1024x200x128xf32, #tpu.memory_space<hbm>> -> memref<1x96x128xf32, #tpu.memory_space<hbm>>
        %dma_wait3A_142 = tpu.memref_squeeze %dma_wait3A_141 : memref<1x96x128xf32, #tpu.memory_space<hbm>> -> memref<96x128xf32, #tpu.memory_space<hbm>>
        %dma_wait3A_143 = arith.constant 104 : i32
        %dma_wait3A_144 = arith.constant 0 : i32
        %dma_wait3A_145 = tpu.memref_slice %arg5[%add3A_21, %dma_wait3A_143, %dma_wait3A_144] : memref<1024x200x128xf32, #tpu.memory_space<hbm>> -> memref<1x96x128xf32, #tpu.memory_space<hbm>>
        %dma_wait3A_146 = tpu.memref_squeeze %dma_wait3A_145 : memref<1x96x128xf32, #tpu.memory_space<hbm>> -> memref<96x128xf32, #tpu.memory_space<hbm>>
        %dma_wait3A_147 = arith.constant 0 : i32
        %dma_wait3A_148 = arith.constant 0 : i32
        %dma_wait3A_149 = tpu.memref_slice %arg15[%dma_wait3A_147, %dma_wait3A_148] : memref<104x128xf32, #tpu.memory_space<vmem>> -> memref<96x128xf32, #tpu.memory_space<vmem>>
        tpu.wait_dma2 semaphore(%run_scoped3A : memref<!tpu.dma_semaphore, #tpu.memory_space<semaphore_mem>>) src(%dma_wait3A_149 : memref<96x128xf32, #tpu.memory_space<vmem>>) dst(%dma_wait3A_146 : memref<96x128xf32, #tpu.memory_space<hbm>>)
        tpu.yield
      }) : () -> ()
      %scan3A_121 = arith.constant 0 : i32
      scf.yield %scan3A_121 : i32
    }
    %scan3A_16 = arith.constant 32 : i32
    return
  }
}

module attributes {stable_mosaic.version = 14 : i64} {
  func.func @_dense_body(%arg0: i32, %arg1: memref<32x200xf32, #tpu.memory_space<vmem>>, %arg2: memref<32x200x128xf32, #tpu.memory_space<vmem>>, %arg3: memref<1x64xf32, #tpu.memory_space<vmem>>, %arg4: memref<1x64xf32, #tpu.memory_space<vmem>>, %arg5: memref<64x64xf32, #tpu.memory_space<vmem>>, %arg6: memref<1x64xf32, #tpu.memory_space<vmem>>, %arg7: memref<1x64xf32, #tpu.memory_space<vmem>>, %arg8: memref<1x64xf32, #tpu.memory_space<vmem>>, %arg9: memref<32x200x64xf32, #tpu.memory_space<vmem>>, %arg10: memref<32x200xi32, #tpu.memory_space<vmem>>) attributes {dimension_semantics = [#tpu.dimension_semantics<arbitrary>], iteration_bounds = array<i64: 32>, scalar_prefetch = 0 : i64, scratch_operands = 0 : i64, tpu.core_type = #tpu.core_type<tc>, window_params = [{transform_indices = @transform_0, window_bounds = array<i64: 32, 200>}, {transform_indices = @transform_1, window_bounds = array<i64: 32, 200, 128>}, {pipeline_mode = #tpu.pipeline_mode<synchronous>, transform_indices = @transform_2, window_bounds = array<i64: 1, 64>}, {pipeline_mode = #tpu.pipeline_mode<synchronous>, transform_indices = @transform_3, window_bounds = array<i64: 1, 64>}, {pipeline_mode = #tpu.pipeline_mode<synchronous>, transform_indices = @transform_4, window_bounds = array<i64: 64, 64>}, {pipeline_mode = #tpu.pipeline_mode<synchronous>, transform_indices = @transform_5, window_bounds = array<i64: 1, 64>}, {pipeline_mode = #tpu.pipeline_mode<synchronous>, transform_indices = @transform_6, window_bounds = array<i64: 1, 64>}, {pipeline_mode = #tpu.pipeline_mode<synchronous>, transform_indices = @transform_7, window_bounds = array<i64: 1, 64>}, {transform_indices = @transform_8, window_bounds = array<i64: 32, 200, 64>}, {transform_indices = @transform_9, window_bounds = array<i64: 32, 200>}]} {
    %get3A = arith.constant 0 : index
    %get3A_0 = arith.constant 0 : index
    %get3A_1 = vector.load %arg1[%get3A, %get3A_0] : memref<32x200xf32, #tpu.memory_space<vmem>>, vector<32x200xf32>
    %get3A_2 = arith.constant 0 : index
    %get3A_3 = arith.constant 0 : index
    %get3A_4 = arith.constant 0 : index
    %get3A_5 = vector.load %arg2[%get3A_2, %get3A_3, %get3A_4] : memref<32x200x128xf32, #tpu.memory_space<vmem>>, vector<32x200x128xf32>
    %slice3A = vector.extract_strided_slice %get3A_5 {offsets = [0, 0, 0], sizes = [32, 200, 64], strides = [1, 1, 1]} : vector<32x200x128xf32> to vector<32x200x64xf32>
    %get3A_6 = arith.constant 0 : index
    %get3A_7 = arith.constant 0 : index
    %get3A_8 = vector.load %arg3[%get3A_6, %get3A_7] : memref<1x64xf32, #tpu.memory_space<vmem>>, vector<1x64xf32>
    %get3A_9 = arith.constant 0 : index
    %get3A_10 = arith.constant 0 : index
    %get3A_11 = vector.load %arg4[%get3A_9, %get3A_10] : memref<1x64xf32, #tpu.memory_space<vmem>>, vector<1x64xf32>
    %get3A_12 = arith.constant 0 : index
    %get3A_13 = arith.constant 0 : index
    %get3A_14 = vector.load %arg5[%get3A_12, %get3A_13] : memref<64x64xf32, #tpu.memory_space<vmem>>, vector<64x64xf32>
    %get3A_15 = arith.constant 0 : index
    %get3A_16 = arith.constant 0 : index
    %get3A_17 = vector.load %arg6[%get3A_15, %get3A_16] : memref<1x64xf32, #tpu.memory_space<vmem>>, vector<1x64xf32>
    %get3A_18 = arith.constant 0 : index
    %get3A_19 = arith.constant 0 : index
    %get3A_20 = vector.load %arg7[%get3A_18, %get3A_19] : memref<1x64xf32, #tpu.memory_space<vmem>>, vector<1x64xf32>
    %get3A_21 = arith.constant 0 : index
    %get3A_22 = arith.constant 0 : index
    %get3A_23 = vector.load %arg8[%get3A_21, %get3A_22] : memref<1x64xf32, #tpu.memory_space<vmem>>, vector<1x64xf32>
    %broadcast_in_dim3A = vector.shape_cast %get3A_1 : vector<32x200xf32> to vector<32x200x1xf32>
    %squeeze3A = vector.shape_cast %get3A_8 : vector<1x64xf32> to vector<64xf32>
    %broadcast_in_dim3A_24 = vector.shape_cast %squeeze3A : vector<64xf32> to vector<1x1x64xf32>
    %mul3A = vector.broadcast %broadcast_in_dim3A : vector<32x200x1xf32> to vector<32x200x64xf32>
    %mul3A_25 = vector.broadcast %broadcast_in_dim3A_24 : vector<1x1x64xf32> to vector<32x200x64xf32>
    %mul3A_26 = arith.mulf %mul3A, %mul3A_25 : vector<32x200x64xf32>
    %squeeze3A_27 = vector.shape_cast %get3A_11 : vector<1x64xf32> to vector<64xf32>
    %broadcast_in_dim3A_28 = vector.shape_cast %squeeze3A_27 : vector<64xf32> to vector<1x1x64xf32>
    %add3A = vector.broadcast %broadcast_in_dim3A_28 : vector<1x1x64xf32> to vector<32x200x64xf32>
    %add3A_29 = arith.addf %mul3A_26, %add3A : vector<32x200x64xf32>
    %mul3A_30 = arith.constant 5.000000e-01 : f32
    %mul3A_31 = vector.broadcast %mul3A_30 : f32 to vector<32x200x64xf32>
    %mul3A_32 = arith.mulf %mul3A_31, %add3A_29 : vector<32x200x64xf32>
    %mul3A_33 = arith.constant 0.707106769 : f32
    %mul3A_34 = vector.broadcast %mul3A_33 : f32 to vector<32x200x64xf32>
    %mul3A_35 = arith.mulf %add3A_29, %mul3A_34 : vector<32x200x64xf32>
    %erf3A = math.erf %mul3A_35 : vector<32x200x64xf32>
    %add3A_36 = arith.constant 1.000000e+00 : f32
    %add3A_37 = vector.broadcast %add3A_36 : f32 to vector<32x200x64xf32>
    %add3A_38 = arith.addf %add3A_37, %erf3A : vector<32x200x64xf32>
    %mul3A_39 = arith.mulf %mul3A_32, %add3A_38 : vector<32x200x64xf32>
    %dot_general3A = arith.constant dense<0.000000e+00> : vector<32x200x64xf32>
    %dot_general3A_40 = tpu.matmul %mul3A_39, %get3A_14, %dot_general3A {dimension_numbers = #tpu.dot_dimension_numbers<[2], [1], [0, 1], [0], [0, 0, 0, 1, 1, 0], [], []>, transpose_lhs_hint = false} : vector<32x200x64xf32>, vector<64x64xf32>, vector<32x200x64xf32> -> vector<32x200x64xf32>
    %add3A_41 = arith.addf %slice3A, %dot_general3A_40 : vector<32x200x64xf32>
    %squeeze3A_42 = vector.shape_cast %get3A_17 : vector<1x64xf32> to vector<64xf32>
    %broadcast_in_dim3A_43 = vector.shape_cast %squeeze3A_42 : vector<64xf32> to vector<1x1x64xf32>
    %add3A_44 = vector.broadcast %broadcast_in_dim3A_43 : vector<1x1x64xf32> to vector<32x200x64xf32>
    %add3A_45 = arith.addf %add3A_41, %add3A_44 : vector<32x200x64xf32>
    %reduce_sum3A = arith.constant dense<0.000000e+00> : vector<32x200xf32>
    %reduce_sum3A_46 = vector.multi_reduction <add>, %add3A_45, %reduce_sum3A [2] : vector<32x200x64xf32> to vector<32x200xf32>
    %broadcast_in_dim3A_47 = vector.shape_cast %reduce_sum3A_46 : vector<32x200xf32> to vector<32x200x1xf32>
    %div3A = arith.constant 6.400000e+01 : f32
    %div3A_48 = vector.broadcast %div3A : f32 to vector<32x200x1xf32>
    %div3A_49 = arith.divf %broadcast_in_dim3A_47, %div3A_48 : vector<32x200x1xf32>
    %sub3A = vector.broadcast %div3A_49 : vector<32x200x1xf32> to vector<32x200x64xf32>
    %sub3A_50 = arith.subf %add3A_45, %sub3A : vector<32x200x64xf32>
    %mul3A_51 = arith.mulf %sub3A_50, %sub3A_50 : vector<32x200x64xf32>
    %reduce_sum3A_52 = arith.constant dense<0.000000e+00> : vector<32x200xf32>
    %reduce_sum3A_53 = vector.multi_reduction <add>, %mul3A_51, %reduce_sum3A_52 [2] : vector<32x200x64xf32> to vector<32x200xf32>
    %broadcast_in_dim3A_54 = vector.shape_cast %reduce_sum3A_53 : vector<32x200xf32> to vector<32x200x1xf32>
    %div3A_55 = arith.constant 6.400000e+01 : f32
    %div3A_56 = vector.broadcast %div3A_55 : f32 to vector<32x200x1xf32>
    %div3A_57 = arith.divf %broadcast_in_dim3A_54, %div3A_56 : vector<32x200x1xf32>
    %add3A_58 = arith.constant 9.99999974E-6 : f32
    %add3A_59 = vector.broadcast %add3A_58 : f32 to vector<32x200x1xf32>
    %add3A_60 = arith.addf %div3A_57, %add3A_59 : vector<32x200x1xf32>
    %rsqrt3A = math.rsqrt %add3A_60 : vector<32x200x1xf32>
    %mul3A_61 = vector.broadcast %rsqrt3A : vector<32x200x1xf32> to vector<32x200x64xf32>
    %mul3A_62 = arith.mulf %sub3A_50, %mul3A_61 : vector<32x200x64xf32>
    %squeeze3A_63 = vector.shape_cast %get3A_20 : vector<1x64xf32> to vector<64xf32>
    %broadcast_in_dim3A_64 = vector.shape_cast %squeeze3A_63 : vector<64xf32> to vector<1x1x64xf32>
    %mul3A_65 = vector.broadcast %broadcast_in_dim3A_64 : vector<1x1x64xf32> to vector<32x200x64xf32>
    %mul3A_66 = arith.mulf %mul3A_62, %mul3A_65 : vector<32x200x64xf32>
    %squeeze3A_67 = vector.shape_cast %get3A_23 : vector<1x64xf32> to vector<64xf32>
    %broadcast_in_dim3A_68 = vector.shape_cast %squeeze3A_67 : vector<64xf32> to vector<1x1x64xf32>
    %add3A_69 = vector.broadcast %broadcast_in_dim3A_68 : vector<1x1x64xf32> to vector<32x200x64xf32>
    %add3A_70 = arith.addf %mul3A_66, %add3A_69 : vector<32x200x64xf32>
    %ne3A = arith.constant 0.000000e+00 : f32
    %ne3A_71 = vector.broadcast %ne3A : f32 to vector<32x200xf32>
    %ne3A_72 = arith.cmpf one, %get3A_1, %ne3A_71 : vector<32x200xf32>
    %convert_element_type3A = arith.extui %ne3A_72 : vector<32x200xi1> to vector<32x200xi32>
    %reduce_sum3A_73 = arith.constant dense<0> : vector<32xi32>
    %reduce_sum3A_74 = vector.multi_reduction <add>, %convert_element_type3A, %reduce_sum3A_73 [1] : vector<32x200xi32> to vector<32xi32>
    %eq3A = arith.constant 0 : i32
    %eq3A_75 = vector.broadcast %eq3A : i32 to vector<32xi32>
    %eq3A_76 = arith.cmpi eq, %reduce_sum3A_74, %eq3A_75 : vector<32xi32>
    %iota3A = tpu.iota {dimensions = array<i32: 1>} : vector<32x200x1xi32>
    %eq3A_77 = arith.constant 0 : i32
    %eq3A_78 = vector.broadcast %eq3A_77 : i32 to vector<32x200x1xi32>
    %eq3A_79 = arith.cmpi eq, %iota3A, %eq3A_78 : vector<32x200x1xi32>
    %broadcast_in_dim3A_80 = vector.shape_cast %eq3A_76 : vector<32xi1> to vector<32x1x1xi1>
    %and3A = vector.broadcast %broadcast_in_dim3A_80 : vector<32x1x1xi1> to vector<32x200x1xi1>
    %and3A_81 = arith.andi %and3A, %eq3A_79 : vector<32x200x1xi1>
    %jit3A = arith.constant 0.000000e+00 : f32
    %broadcast_in_dim3A_82 = vector.shape_cast %and3A_81 : vector<32x200x1xi1> to vector<32x200x1xi1>
    %broadcast_in_dim3A_83 = vector.broadcast %broadcast_in_dim3A_82 : vector<32x200x1xi1> to vector<32x200x64xi1>
    %broadcast_in_dim3A_84 = vector.broadcast %jit3A : f32 to vector<32x200x64xf32>
    %select_n3A = arith.select %broadcast_in_dim3A_83, %broadcast_in_dim3A_84, %add3A_70 : vector<32x200x64xi1>, vector<32x200x64xf32>
    %swap3A = arith.constant 0 : index
    %swap3A_85 = arith.constant 0 : index
    %swap3A_86 = arith.constant 0 : index
    %swap3A_87 = vector.load %arg9[%swap3A, %swap3A_85, %swap3A_86] : memref<32x200x64xf32, #tpu.memory_space<vmem>>, vector<32x200x64xf32>
    tpu.vector_store %arg9[%swap3A, %swap3A_85, %swap3A_86], %select_n3A {strides = array<i32>} : memref<32x200x64xf32, #tpu.memory_space<vmem>>, vector<32x200x64xf32>,
    %broadcast_in_dim3A_88 = vector.shape_cast %eq3A_76 : vector<32xi1> to vector<32x1xi1>
    %squeeze3A_89 = vector.shape_cast %eq3A_79 : vector<32x200x1xi1> to vector<32x200xi1>
    %and3A_90 = vector.broadcast %broadcast_in_dim3A_88 : vector<32x1xi1> to vector<32x200xi1>
    %and3A_91 = arith.andi %and3A_90, %squeeze3A_89 : vector<32x200xi1>
    %jit3A_92 = arith.constant 1 : i32
    %broadcast_in_dim3A_93 = vector.broadcast %jit3A_92 : i32 to vector<32x200xi32>
    %select_n3A_94 = arith.select %and3A_91, %broadcast_in_dim3A_93, %convert_element_type3A : vector<32x200xi1>, vector<32x200xi32>
    %swap3A_95 = arith.constant 0 : index
    %swap3A_96 = arith.constant 0 : index
    %swap3A_97 = vector.load %arg10[%swap3A_95, %swap3A_96] : memref<32x200xi32, #tpu.memory_space<vmem>>, vector<32x200xi32>
    tpu.vector_store %arg10[%swap3A_95, %swap3A_96], %select_n3A_94 {strides = array<i32>} : memref<32x200xi32, #tpu.memory_space<vmem>>, vector<32x200xi32>,
    return
  }
  func.func @transform_0(%arg0: i32) -> (i32, i32) {
    %c0_i32 = arith.constant 0 : i32
    %c0_i32_0 = arith.constant 0 : i32
    return %arg0, %c0_i32 : i32, i32
  }
  func.func @transform_1(%arg0: i32) -> (i32, i32, i32) {
    %c0_i32 = arith.constant 0 : i32
    %c0_i32_0 = arith.constant 0 : i32
    %c0_i32_1 = arith.constant 0 : i32
    return %arg0, %c0_i32, %c0_i32_0 : i32, i32, i32
  }
  func.func @transform_2(%arg0: i32) -> (i32, i32) {
    %c0_i32 = arith.constant 0 : i32
    %c0_i32_0 = arith.constant 0 : i32
    %c0_i32_1 = arith.constant 0 : i32
    return %c0_i32, %c0_i32_0 : i32, i32
  }
  func.func @transform_3(%arg0: i32) -> (i32, i32) {
    %c0_i32 = arith.constant 0 : i32
    %c0_i32_0 = arith.constant 0 : i32
    %c0_i32_1 = arith.constant 0 : i32
    return %c0_i32, %c0_i32_0 : i32, i32
  }
  func.func @transform_4(%arg0: i32) -> (i32, i32) {
    %c0_i32 = arith.constant 0 : i32
    %c0_i32_0 = arith.constant 0 : i32
    %c0_i32_1 = arith.constant 0 : i32
    return %c0_i32, %c0_i32_0 : i32, i32
  }
  func.func @transform_5(%arg0: i32) -> (i32, i32) {
    %c0_i32 = arith.constant 0 : i32
    %c0_i32_0 = arith.constant 0 : i32
    %c0_i32_1 = arith.constant 0 : i32
    return %c0_i32, %c0_i32_0 : i32, i32
  }
  func.func @transform_6(%arg0: i32) -> (i32, i32) {
    %c0_i32 = arith.constant 0 : i32
    %c0_i32_0 = arith.constant 0 : i32
    %c0_i32_1 = arith.constant 0 : i32
    return %c0_i32, %c0_i32_0 : i32, i32
  }
  func.func @transform_7(%arg0: i32) -> (i32, i32) {
    %c0_i32 = arith.constant 0 : i32
    %c0_i32_0 = arith.constant 0 : i32
    %c0_i32_1 = arith.constant 0 : i32
    return %c0_i32, %c0_i32_0 : i32, i32
  }
  func.func @transform_8(%arg0: i32) -> (i32, i32, i32) {
    %c0_i32 = arith.constant 0 : i32
    %c0_i32_0 = arith.constant 0 : i32
    %c0_i32_1 = arith.constant 0 : i32
    return %arg0, %c0_i32, %c0_i32_0 : i32, i32, i32
  }
  func.func @transform_9(%arg0: i32) -> (i32, i32) {
    %c0_i32 = arith.constant 0 : i32
    %c0_i32_0 = arith.constant 0 : i32
    return %arg0, %c0_i32 : i32, i32
  }
}

</mosaic_0001>

<sc_bundles>
// kernel: kernel.4.cloned.1.call-start
scs
__scs_entry_jumppad:
0x0: {  	(pc) =	sbr.rel $0x88, $3  }
0x1: {  	(tag) =	ssettag $0x0;
	lr =	simm.s32 $0x1  }
0x2: {  	[smem:$0x3F99] =	sst lr;
	_ =	strace $0xD0000000  }
0x3: {  	_ = 	snop  }
0x4: {  	_ = 	snop  }
0x5: {  	_ = 	snop  }
0x6: {  	_ = 	snop  }
0x7: {  	_ = 	snop  }
__scs_overlays_trampoline_lowered:
0x8: {  	[smem:$0x3FA8] =	sst s0  }
0x9: {  	[smem:$0x3FA9] =	sst s1  }
0xa: {  	[smem:$0x3FAA] =	sst s2  }
0xb: {  	[smem:$0x3FAB] =	sst s3  }
0xc: {  	[smem:$0x3FAC] =	sst s4  }
0xd: {  	[smem:$0x3FAD] =	sst s5  }
0xe: {  	[smem:$0x3FAE] =	sst s6  }
0xf: {  	[smem:$0x3FAF] =	sst s7  }
0x10: {  	[smem:$0x3FB0] =	sst s8  }
0x11: {  	[smem:$0x3FB1] =	sst s9;
	s0 =	simm.s32 @!p0 $0x0  }
0x12: {  	s1 =	sld [smem:$0x3F97];
	s0 =	simm.s32 @p0 $0x1  }
0x13: {  	[smem:$0x3FB2] =	sst s0;
	s0 =	simm.s32 @!p1 $0x0  }
0x14: {  	s2 =	sld [smem:$0x3F96];
	s0 =	simm.s32 @p1 $0x1  }
0x15: {  	[smem:$0x3FB3] =	sst s0;
	s0 =	simm.s32 @!p2 $0x0  }
0x16: {  	s3 =	sld [smem:$0x3FDB];
	s0 =	simm.s32 @p2 $0x1  }
0x17: {  	s4 =	simm.s32 $0x1BF5;
	[smem:$0x3FB5] =	sst s0  }
0x18: {  	s0 =	sld [smem:$0x3F98];
	_ =	swait.ge [sflag:s4], $0x0  }
0x19: {  	s7 =	sld [smem:$0x3F99]  }
0x1a: {  	s8 =	sadd.s32 $0xFFFFE003, lr  }
0x1b: {  	s9 =	sadd.s32 $0xFFFFFEF7, lr;
	s5 =	simm.s32 $0xFFFFFFFF;
	p2 =	slt.u32 s8, $0xFFFFF086  }
0x1c: {  	p1 =	slt.u32 s9, $0xF7A;
	s5 =	simm.s32 @!p2 $0x0  }
0x1d: {  	s5 =	simm.s32 @p1 $0x1;
	p0 =	seq.s32 s7, s2  }
0x1e: {  	s7 =	smul.u32 @!p0 $0xF7A, s2;
	p2 =	seq.s32 @!p0 s5, $0x0  }
0x1f: {  	s9 =	smul.u32 $0xF7A, s1;
	s8 =	simm.s32 @!p0 $0x1BF5;
	p2 =	por !p2, p0  }
0x20: {  	[sflag:s8] =	ssyncset.s32 @!p0 $0xFFFFF086;
	s6 =	sadd.s32 @!p0 s3, s7;
	s7 =	simm.s32 @!p0 $0x108  }
0x21: {  	s3 =	sadd.s32 s3, s9;
	s6 =	sadd.s32 @!p0 $0x88, s6;
	s7 =	simm.s32 @p2 $0x1082  }
0x22: {  	[simem:s7], [sflag:s8] =	dma.local @!p0 [hbm:s6], $0xF7A  }
0x23: {  	s9 =	sor.u32 $0xD0000000, s2;
	s6 =	simm.s32 $0x108;
	_ =	swait.ge @!p0 [sflag:s8], $0x0  }
0x24: {  	s3 =	sadd.s32 $0x88, s3;
	s6 =	simm.s32 @!p1 $0x1082;
	[sflag:s4] =	ssyncset.s32 $0xFFFFF086  }
0x25: {  	[simem:s6], [sflag:s4] =	dma.local [hbm:s3], $0xF7A  }
0x26: {  	[smem:$0x3F99] =	sst s1;
	(tag) =	ssettag s2;
	_ =	strace s9  }
0x27: {  	s1 =	sld [smem:$0x3FA9]  }
0x28: {  	s2 =	sld [smem:$0x3FAA]  }
0x29: {  	s4 =	sld [smem:$0x3FAC]  }
0x2a: {  	p0 =	seq.s32 s5, $0x0;
	s5 =	sld [smem:$0x3FAD]  }
0x2b: {  	s6 =	sld [smem:$0x3FAE]  }
0x2c: {  	s7 =	sld [smem:$0x3FAF]  }
0x2d: {  	s3 =	simm.s32 $0x108;
	s8 =	sld [smem:$0x3FB0]  }
0x2e: {  	s3 =	simm.s32 @!p0 $0x1082;
	s9 =	sld [smem:$0x3FB1]  }
0x2f: {  	lr =	sadd.s32 s0, s3;
	s0 =	sld [smem:$0x3FA8]  }
0x30: {  	s3 =	sld [smem:$0x3FAB]  }
0x31: {  	[smem:$0x3FB4] =	sst s10  }
0x32: {  	s10 =	sld [smem:$0x3FB2];
	_ =	sdelay $0x3  }
0x33: {  	p0 =	seq.s32 s10, $0x1;
	s10 =	sld [smem:$0x3FB4];
	_ =	sdelay $0x3  }
0x34: {  	[smem:$0x3FB4] =	sst s10  }
0x35: {  	s10 =	sld [smem:$0x3FB3];
	_ =	sdelay $0x3  }
0x36: {  	p1 =	seq.s32 s10, $0x1;
	s10 =	sld [smem:$0x3FB4];
	_ =	sdelay $0x3  }
0x37: {  	[smem:$0x3FB4] =	sst s10  }
0x38: {  	s10 =	sld [smem:$0x3FB5]  }
0x39: {  	_ = 	snop;
	(pc) =	sbr.ind lr, $3  }
0x3a: {  	_ = 	snop  }
0x3b: {  	_ = 	snop  }
0x3c: {  	p2 =	seq.s32 s10, $0x1;
	s10 =	sld [smem:$0x3FB4]  }
0x3d: {  	_ =	shalt  }
0x3e: {  	_ =	shalt  }
0x3f: {  	_ =	shalt  }
0x40: {  	_ =	shalt  }
0x41: {  	_ =	shalt  }
0x42: {  	_ =	shalt  }
0x43: {  	_ =	shalt  }
0x44: {  	_ =	shalt  }
0x45: {  	_ =	shalt  }
0x46: {  	_ =	shalt  }
0x47: {  	_ =	shalt  }
0x48: {  	_ =	shalt  }
0x49: {  	_ =	shalt  }
0x4a: {  	_ =	shalt  }
0x4b: {  	_ =	shalt  }
0x4c: {  	_ =	shalt  }
0x4d: {  	_ =	shalt  }
0x4e: {  	_ =	shalt  }
0x4f: {  	_ =	shalt  }
0x50: {  	_ =	shalt  }
0x51: {  	_ =	shalt  }
0x52: {  	_ =	shalt  }
0x53: {  	_ =	shalt  }
0x54: {  	_ =	shalt  }
0x55: {  	_ =	shalt  }
0x56: {  	_ =	shalt  }
0x57: {  	_ =	shalt  }
0x58: {  	_ =	shalt  }
0x59: {  	_ =	shalt  }
0x5a: {  	_ =	shalt  }
0x5b: {  	_ =	shalt  }
0x5c: {  	_ =	shalt  }
0x5d: {  	_ =	shalt  }
0x5e: {  	_ =	shalt  }
0x5f: {  	_ =	shalt  }
0x60: {  	_ =	shalt  }
0x61: {  	_ =	shalt  }
0x62: {  	_ =	shalt  }
0x63: {  	_ =	shalt  }
0x64: {  	_ =	shalt  }
0x65: {  	_ =	shalt  }
0x66: {  	_ =	shalt  }
0x67: {  	_ =	shalt  }
0x68: {  	_ =	shalt  }
0x69: {  	_ =	shalt  }
0x6a: {  	_ =	shalt  }
0x6b: {  	_ =	shalt  }
0x6c: {  	_ =	shalt  }
0x6d: {  	_ =	shalt  }
0x6e: {  	_ =	shalt  }
0x6f: {  	_ =	shalt  }
0x70: {  	_ =	shalt  }
0x71: {  	_ =	shalt  }
0x72: {  	_ =	shalt  }
0x73: {  	_ =	shalt  }
0x74: {  	_ =	shalt  }
0x75: {  	_ =	shalt  }
0x76: {  	_ =	shalt  }
0x77: {  	_ =	shalt  }
0x78: {  	_ =	shalt  }
0x79: {  	_ =	shalt  }
0x7a: {  	_ =	shalt  }
0x7b: {  	_ =	shalt  }
0x7c: {  	_ =	shalt  }
0x7d: {  	_ =	shalt  }
0x7e: {  	_ =	shalt  }
0x7f: {  	_ =	shalt  }
0x80: {  	_ =	shalt  }
0x81: {  	_ =	shalt  }
0x82: {  	_ =	shalt  }
0x83: {  	_ =	shalt  }
0x84: {  	_ =	shalt  }
0x85: {  	_ =	shalt  }
0x86: {  	_ =	shalt  }
0x87: {  	_ =	shalt  }
.Lfunc_end0:
.L_simem_size_0:
called_computation_lowered:
.L_overlay_start_0:
0x88: {  	s2 =	sld [smem:$0x3FD9]  }
0x89: {  	s3 =	sld [smem:$0x3FFE];
	_ =	sdelay $0x1  }
0x8a: {  	s1 =	srdreg.scid  }
0x8b: {  	s0 =	sand.u32 $0x1, s1  }
0x8c: {  	s14 =	sshll.u32 s0, $0xA;
	s2 =	sadd.s32 s3, s2  }
0x8d: {  	s2 =	sadd.s32 s2, s14  }
0x8e: {  	[smem:$0x3FC0] =	sst s2  }
0x8f: {  	_ = 	snop  }
0x90: {  	s2 =	sld [smem:$0x3FD0];
	_ =	sdelay $0x2  }
0x91: {  	s15 =	simm.s32 $0xA;
	s4 =	simm.s32 $0x10  }
0x92: {  	[smem:s4], [sflag:s15] =	dma.local [hbm:s2], $0x1  }
0x93: {  	_ =	swait.eq [sflag:s15], $0x1  }
0x94: {  	[sflag:s15] =	ssyncset.done $0x0  }
0x95: {  	[sflag:s15] =	ssyncadd.s32 $0xFFFFFFFF  }
0x96: {  	s16 =	sld [smem:$0x10];
	(tm) =	ssettm $0x1  }
0x97: {  	s17 =	sld [smem:$0x3FFB];
	_ =	sdelay $0x3  }
0x98: {  	_ =	strace s17  }
0x99: {  	s3 =	sld [smem:$0x3FFC];
	_ =	sdelay $0x3  }
0x9a: {  	_ =	strace s3  }
0x9b: {  	s3 =	sld [smem:$0x3FFD];
	_ =	sdelay $0x3  }
0x9c: {  	_ =	strace s3  }
0x9d: {  	_ =	strace $0x8FFFFFFF  }
0x9e: {  	s18 =	sld [smem:$0x3FDB];
	_ =	sdelay $0x1  }
0x9f: {  	s19 =	simm.s32 $_scs_section_size  }
0xa0: {  	s5 =	simm.s32 $_size__tile_overlayer_lowered;
	s6 =	simm.s32 $_tile_overlayer_lowered  }
0xa1: {  	s22 =	simm.s32 $0x1BFF;
	s21 =	sshll.u32 s6, $0x1;
	s3 =	sadd.s32 s19, s18  }
0xa2: {  	s7 =	simm.s32 $0x0;
	s20 =	sshll.u32 s5, $0x1;
	s5 =	sadd.s32 s21, s3  }
0xa3: {  	[timem:s7], [sflag:s22] =	dma.local [hbm:s5], s20  }
0xa4: {  	_ =	swait.ge [sflag:s22], s20  }
0xa5: {  	s4 =	ssub.s32 $0x0, s20;
	[sflag:s22] =	ssyncset.done $0x0  }
0xa6: {  	[sflag:s22] =	ssyncadd.s32 s4;
	_ =	sdelay $0x1  }
0xa7: {  	s23 =	simm.s32 $0x1B8B  }
0xa8: {  	_ =	swait.ge [sflag:s23], $0x1  }
0xa9: {  	[sflag:s23] =	ssyncset.done $0x0  }
0xaa: {  	s25 =	simm.s32 $0x1B8E;
	s24 =	sld [smem:$0x3FFE];
	[sflag:s23] =	ssyncadd.s32 $0xFFFFFFFF  }
0xab: {  	s26 =	simm.s32 $execute0_lowered;
	[smem:$0x3FD2] =	sst s25  }
0xac: {  	s5 =	sshll.u32 s26, $0x1;
	_ =	strace $0x80000046;
	[dreg:$0x1] =	wrdreg $0xFFFFFFFF  }
0xad: {  	s28 =	simm.s32 $_size_execute0_lowered;
	s3 =	sadd.s32 s3, s5;
	[dreg:$0x0] =	wrdreg $0x0  }
0xae: {  	s5 =	sshll.u32 s28, $0x1;
	[dreg:$0x2] =	wrdreg s3  }
0xaf: {  	[dreg:$0x3] =	wrdreg s5  }
0xb0: {  	[dreg:$0x4] =	wrdreg $0xC0  }
0xb1: {  	_ =	task [dreg:s7], $0x5FFFF  }
0xb2: {  	[dreg:$0x1] =	wrdreg $0xFFFFFFFF  }
0xb3: {  	[dreg:$0x0] =	wrdreg $0x60  }
0xb4: {  	[dreg:$0x2] =	wrdreg s24  }
0xb5: {  	[dreg:$0x3] =	wrdreg s16  }
0xb6: {  	[dreg:$0x4] =	wrdreg $0x9  }
0xb7: {  	_ =	task.clear_ibuf [dreg:s7], $0x5FFFF;
	_ =	strace $0x90000046  }
0xb8: {  	s29 =	simm.s32 $0x9;
	_ =	strace $0x80000048  }
0xb9: {  	_ =	swait.ge [sflag:s29], $0x1  }
0xba: {  	[sflag:s29] =	ssyncadd.s32 $0xFFFFFFFF  }
0xbb: {  	_ =	strace $0x90000048  }
0xbc: {  	_ =	sfence  }
0xbd: {  	s30 =	sld [smem:$0x0];
	_ =	sdelay $0x2  }
0xbe: {  	s31 =	sshll.u32 s1, $0xD;
	s1 =	sshrl.u32 s1, $0x2  }
0xbf: {  	s3 =	sand.u32 $0x4000, s31;
	s1 =	sadd.s32 s1, s30  }
0xc0: {  	s0 =	sor.u32 s3, s0;
	s1 =	sshll.u32 s1, $0x11  }
0xc1: {  	s0 =	sor.u32 s1, s0  }
0xc2: {  	s0 =	sadd.s32 $0x8F2B, s0  }
0xc3: {  	[sflag:s0] =	ssyncadd.remote.s32 $0x1  }
0xc4: {  	_ =	sfence.sel $0xFFFF  }
0xc5: {  	[dreg:$0x0] =	wrdreg $0xFFFFFFFF;
	(pc) =	sbr.abs _section_cstart, $3  }
0xc6: {  	[dreg:$0x1] =	wrdreg $0xFFFFFFFF  }
0xc7: {  	_ =	task.clear_ibuf [dreg:s7], $0x2FFFF;
	_ =	strace $0x9FFFFFFF  }
0xc8: {  	(tm) =	ssettm $0x7FFFFFFF  }
0xc9: {  	_ =	shalt  }
tec
execute0_lowered:
.L_overlay_start_1:
0x0: {  	(tag) =	ssettag $0x1  }
0x1: {  	s0 =	rddreg [dreg:$0x0];
	s3 =	simm.s32 $0x0;
	vm0 =	vmmov $0x1;
	v4 =	vimm.s32 $0x0  }
0x2: {  	[smem:$0x7FF] =	sst s3;
	v4 =	vsel vm0, $0xFFFFFFFF, v4  }
0x3: {  	s2 =	rddreg [dreg:$0x1];
	vm14 =	vmmov $0x3;
	_ =	strace $0x80000047;
	[tilespmem:$0x1FF10] =	vst v4;
	v4 =	vimm.s32 $0x0  }
0x4: {  	v4 =	vsel vm14, $0xFFFFFFFF, v4  }
0x5: {  	vm15 =	vmmov $0x7;
	[tilespmem:$0x1FF20] =	vst v4;
	v4 =	vimm.s32 $0x0  }
0x6: {  	v4 =	vsel vm15, $0xFFFFFFFF, v4  }
0x7: {  	vm4 =	vmmov $0xf;
	[tilespmem:$0x1FF30] =	vst v4;
	v4 =	vimm.s32 $0x0  }
0x8: {  	v4 =	vsel vm4, $0xFFFFFFFF, v4  }
0x9: {  	vm5 =	vmmov $0x1f;
	[tilespmem:$0x1FF40] =	vst v4;
	v4 =	vimm.s32 $0x0  }
0xa: {  	v4 =	vsel vm5, $0xFFFFFFFF, v4  }
0xb: {  	vm6 =	vmmov $0x3f;
	[tilespmem:$0x1FF50] =	vst v4;
	v4 =	vimm.s32 $0x0  }
0xc: {  	v4 =	vsel vm6, $0xFFFFFFFF, v4  }
0xd: {  	vm7 =	vmmov $0x7f;
	[tilespmem:$0x1FF60] =	vst v4;
	v4 =	vimm.s32 $0x0  }
0xe: {  	v4 =	vsel vm7, $0xFFFFFFFF, v4  }
0xf: {  	vm8 =	vmmov $0xff;
	[tilespmem:$0x1FF70] =	vst v4;
	v4 =	vimm.s32 $0x0  }
0x10: {  	v4 =	vsel vm8, $0xFFFFFFFF, v4  }
0x11: {  	vm9 =	vmmov $0x1ff;
	[tilespmem:$0x1FF80] =	vst v4;
	v4 =	vimm.s32 $0x0  }
0x12: {  	v4 =	vsel vm9, $0xFFFFFFFF, v4  }
0x13: {  	vm10 =	vmmov $0x3ff;
	[tilespmem:$0x1FF90] =	vst v4;
	v4 =	vimm.s32 $0x0  }
0x14: {  	v4 =	vsel vm10, $0xFFFFFFFF, v4  }
0x15: {  	s1 =	srdreg.scid;
	s4 =	stileid.u32;
	vm11 =	vmmov $0x7ff;
	[tilespmem:$0x1FFA0] =	vst v4;
	v4 =	vimm.s32 $0x0  }
0x16: {  	s10 =	simm.s32 $0x80;
	s11 =	simm.s32 $0x400;
	s12 =	simm.s32 $0x2;
	v4 =	vsel vm11, $0xFFFFFFFF, v4  }
0x17: {  	s13 =	simm.s32 $0x18700;
	s14 =	simm.s32 $0x1;
	s15 =	simm.s32 $0x19F00;
	vm12 =	vmmov $0xfff;
	[tilespmem:$0x1FFB0] =	vst v4;
	v4 =	vimm.s32 $0x0  }
0x18: {  	s16 =	simm.s32 $0x1A000;
	s17 =	simm.s32 $0x1A080;
	s1 =	sand.u32 $0x1, s1;
	v4 =	vsel vm12, $0xFFFFFFFF, v4  }
0x19: {  	s18 =	simm.s32 $0x3;
	vm13 =	vmmov $0x1fff;
	s4 =	sshll.u32 s4, $0x6;
	s5 =	sshll.u32 s1, $0x5;
	[tilespmem:$0x1FFC0] =	vst v4;
	v4 =	vimm.s32 $0x0  }
0x1a: {  	s19 =	simm.s32 $0x68;
	s1 =	ssub.s32 $0x2, s1;
	s4 =	sor.u32 s5, s4;
	v4 =	vsel vm13, $0xFFFFFFFF, v4  }
.Ltmp0:
0x1b: {  	s8 =	sshrl.u32 s1, $0x1;
	vm14 =	vmmov $0x3fff;
	s6 =	sshrl.u32 s4, $0x3;
	[tilespmem:$0x1FFD0] =	vst v4;
	v4 =	vimm.s32 $0x0;
	(pc) =	sbr.rel .LBB2_1-.Ltmp0, $4  }
0x1c: {  	s7 =	sadd.s32 $0xDC0400, s0;
	s30 =	ssub.s32 s1, s8;
	s9 =	smul.u32 $0x18700, s6;
	v4 =	vsel vm14, $0xFFFFFFFF, v4  }
0x1d: {  	s5 =	sadd.s32 $0x1800, s0;
	s6 =	sadd.s32 $0xC39800, s0;
	s0 =	smax.u32 s30, $0x1;
	vm15 =	vmmov $0x7fff;
	[tilespmem:$0x1FFE0] =	vst v4;
	v4 =	vimm.s32 $0x0  }
0x1e: {  	v0 =	vimm.s32 $0x0;
	s20 =	simm.s32 $0x1A100;
	[dreg:$0x4] =	wrdreg s0;
	s31 =	sadd.s32 s5, s9;
	v4 =	vsel vm15, $0xFFFFFFFF, v4  }
0x1f: {  	v1 =	vimm.s32 $0x1;
	v2 =	vlaneseq.u32;
	v3 =	vimm.s32 $0xFFFFFFFF;
	s21 =	simm.s32 $0x60;
	s1 =	simm.s32 $0x0;
	[dreg:$0x3] =	wrdreg s31;
	[tilespmem:$0x1FFF0] =	vst v4  }
.LBB2_31:
0x20: {  	s1 =	rddreg [dreg:$0x5]  }
0x21: {  	s0 =	rddreg [dreg:$0x4];
	s1 =	sadd.s32 $0x1, s1  }
0x22: {  	p0 =	sne.s32 s1, s0  }
.Ltmp1:
0x23: {  	_ = 	snop;
	(pc) =	sbr.rel @!p0 .LBB2_32-.Ltmp1, $1  }
0x24: {  	_ =	sdelay $0x3  }
.LBB2_1:
.Ltmp2:
0x25: {  	(pc) =	sbr.rel .LBB2_2-.Ltmp2, $4  }
0x26: {  	_ = 	snop  }
0x27: {  	[dreg:$0x5] =	wrdreg s1  }
0x28: {  	s0 =	rddreg [dreg:$0x3];
	s23 =	simm.s32 $0x0  }
0x29: {  	[tilespmem:s3], [sflag:$0x2] =	stream.strided.gather [hbm4b:s0+s10], $0x18700, s11, s10, $0x38;
	[tilespmem:$0x1D500] =	vst v63  }
.LBB2_23:
0x2a: {  	s9 =	simm.s32 $0x19700;
	s29 =	simm.s32 $0x0  }
.LBB2_29:
0x2b: {  	s22 =	sadd.s32 @p1 $0x10, s29  }
0x2c: {  	s1 =	smov.u32 @p1 s22  }
0x2d: {  	v7 =	vor.u32 s1, v2  }
0x2e: {  	vm1 =	vlt.s32 v5, $0xC8;
	s1 =	sadd.s32 @p1 $0x10, s9;
	vm0 =	vlt.s32 v7, v4  }
0x2f: {  	vm2 =	vlt.s32 v5, $0x68;
	v4 =	vld [tilespmem:s8+$0x0];
	s0 =	smov.u32 @p1 s1;
	vm1 =	vmand vm0, vm1  }
0x30: {  	vm3 =	vgt.s32 v5, $0x67;
	v63 =	vld [tilespmem:s0+$0x0];
	vm0 =	vmand vm0, vm2  }
0x31: {  	vm14 =	vmand vm3, vm1  }
0x32: {  	v8 =	vadd.s32 $0xFFFFFF98, v5;
	_ =	sdelay $0x1  }
0x33: {  	vm15 =	veq.s32 v4, $0x0;
	v4 =	vadd.s32 $0x1, v6  }
0x34: {  	v4 =	vsel vm15, $0x0, v4;
	[tilespmem:v5+s15+$0x0] =	vst.idx.msk vm1, v63  }
0x35: {  	[tilespmem:v5+s16+$0x0] =	vst.idx.msk vm0, v4  }
0x36: {  	[tilespmem:v8+s17+$0x0] =	vst.idx.msk vm14, v4  }
.LBB2_30:
0x37: {  	s0 =	sshll.u32 s24, $0x5  }
0x38: {  	s1 =	sadd.s32 s2, s25;
	s0 =	sand.u32 $0x7F00, s0  }
0x39: {  	s0 =	sadd.s32 s0, s1  }
0x3a: {  	[hbm4b:s0+s10] =	stream.strided.scatter [tilespmem:s15], [sflag:$0x3], $0x100, s11, s10, $0x38;
	[tilespmem:$0x1D500] =	vst v63  }
0x3b: {  	_ =	swait.ge [sflag:s18], $0x100  }
0x3c: {  	[sflag:s18] =	ssyncset.done $0x0  }
0x3d: {  	s31 =	smul.u32 $0x6400, s24;
	[sflag:s18] =	ssyncadd.s32 $0xFFFFFF00  }
0x3e: {  	[tilespmem:s20], [sflag:$0x1] =	stream.indirect.gather [hbm4b:s6+s19], $0x80, s16, s19, $0xb8;
	[tilespmem:$0x1D500] =	vst v63  }
0x3f: {  	_ =	swait.ge [sflag:s14], $0x3400  }
0x40: {  	s0 =	sshrl.u32 s31, $0x3;
	[sflag:s14] =	ssyncset.done $0x0  }
0x41: {  	s0 =	sadd.s32 s7, s0;
	[sflag:s14] =	ssyncadd.s32 $0xFFFFCC00  }
0x42: {  	[hbm4b:s0+s3] =	stream.linear.scatter [tilespmem:s20], [sflag:$0x3], $0x3400, $0x38;
	[tilespmem:$0x1D500] =	vst v63  }
0x43: {  	_ =	swait.ge [sflag:s18], $0x3400  }
0x44: {  	[sflag:s18] =	ssyncset.done $0x0  }
0x45: {  	[sflag:s18] =	ssyncadd.s32 $0xFFFFCC00  }
0x46: {  	[tilespmem:s20], [sflag:$0x1] =	stream.indirect.gather [hbm4b:s6+s21], $0x80, s17, s21, $0xb8;
	[tilespmem:$0x1D500] =	vst v63  }
0x47: {  	s23 =	sadd.s32 $0x1, s23;
	_ =	swait.ge [sflag:s14], $0x3000  }
0x48: {  	p0 =	sne.s32 s23, $0x20;
	[sflag:s14] =	ssyncset.done $0x0  }
.Ltmp3:
0x49: {  	s0 =	sadd.s32 $0x680, s0;
	[sflag:s14] =	ssyncadd.s32 $0xFFFFD000;
	(pc) =	sbr.rel @!p0 .LBB2_31-.Ltmp3, $4  }
0x4a: {  	[hbm4b:s0+s3] =	stream.linear.scatter [tilespmem:s20], [sflag:$0x3], $0x3000, $0x38;
	[tilespmem:$0x1D500] =	vst v63  }
0x4b: {  	_ =	swait.ge [sflag:s18], $0x3000  }
0x4c: {  	[sflag:s18] =	ssyncset.done $0x0  }
0x4d: {  	[sflag:s18] =	ssyncadd.s32 $0xFFFFD000  }
.LBB2_2:
0x4e: {  	s0 =	simm.s32 $0x18740  }
0x4f: {  	[tilespmem:s0+$0xFFFFFFC0] =	vst v0  }
0x50: {  	[tilespmem:s0+$0x30] =	vst v0  }
0x51: {  	[tilespmem:s0+$0x20] =	vst v0  }
0x52: {  	[tilespmem:s0+$0x10] =	vst v0  }
0x53: {  	[tilespmem:s0+$0x0] =	vst v0  }
0x54: {  	[tilespmem:s0+$0xFFFFFFF0] =	vst v0  }
0x55: {  	s1 =	simm.s32 $0x0;
	[tilespmem:s0+$0xFFFFFFE0] =	vst v0  }
.LBB2_3:
0x56: {  	s1 =	sadd.s32 $0x8, s1;
	[tilespmem:s0+$0xFFFFFFD0] =	vst v0;
	s0 =	sadd.s32 $0x80, s0  }
0x57: {  	[tilespmem:s0+$0xFFFFFFC0] =	vst v0;
	p0 =	slt.u32 s1, $0xF8  }
0x58: {  	[tilespmem:s0+$0x30] =	vst v0  }
.Ltmp4:
0x59: {  	[tilespmem:s0+$0x20] =	vst v0;
	(pc) =	sbr.rel @p0 .LBB2_3-.Ltmp4, $4  }
0x5a: {  	[tilespmem:s0+$0x10] =	vst v0  }
0x5b: {  	[tilespmem:s0+$0x0] =	vst v0  }
0x5c: {  	[tilespmem:s0+$0xFFFFFFF0] =	vst v0  }
0x5d: {  	[tilespmem:s0+$0xFFFFFFE0] =	vst v0  }
0x5e: {  	[tilespmem:s0+$0xFFFFFFD0] =	vst v0  }
0x5f: {  	_ =	swait.ge [sflag:s12], $0x18700  }
0x60: {  	[sflag:s12] =	ssyncset.done $0x0  }
0x61: {  	s31 =	simm.s32 $0x40;
	[sflag:s12] =	ssyncadd.s32 $0xFFFE7900  }
0x62: {  	v4 =	vld [tilespmem:s31+$0x30]  }
0x63: {  	v5 =	vld [tilespmem:s31+$0xFFFFFFD0]  }
0x64: {  	v6 =	vld [tilespmem:s31+$0xFFFFFFE0]  }
0x65: {  	v7 =	vld [tilespmem:s31+$0xFFFFFFF0]  }
0x66: {  	v8 =	vld [tilespmem:s31+$0x0]  }
0x67: {  	v4 =	vshrl.u32 v4, $0x13  }
0x68: {  	v5 =	vshrl.u32 v5, $0x13;
	v4 =	vand.u32 $0xFFF, v4  }
0x69: {  	v9 =	vld [tilespmem:s31+$0x10];
	v6 =	vshrl.u32 v6, $0x13;
	v5 =	vand.u32 $0xFFF, v5  }
0x6a: {  	v10 =	vld [tilespmem:s31+$0x20];
	v7 =	vshrl.u32 v7, $0x13;
	v6 =	vand.u32 $0xFFF, v6  }
0x6b: {  	v11 =	vld [tilespmem:s31+$0xFFFFFFC0];
	v8 =	vshrl.u32 v8, $0x13;
	v7 =	vand.u32 $0xFFF, v7  }
0x6c: {  	v8 =	vand.u32 $0xFFF, v8  }
0x6d: {  	[tilespmem:v4+s13+$0x0] =	vst.idx.add.s32.msk $0xffff, v1  }
0x6e: {  	[tilespmem:v5+s13+$0x0] =	vst.idx.add.s32.msk $0xffff, v1  }
0x6f: {  	[tilespmem:v6+s13+$0x0] =	vst.idx.add.s32.msk $0xffff, v1  }
0x70: {  	v4 =	vshrl.u32 v9, $0x13;
	v5 =	vshrl.u32 v10, $0x13;
	v6 =	vshrl.u32 v11, $0x13;
	[tilespmem:v7+s13+$0x0] =	vst.idx.add.s32.msk $0xffff, v1  }
0x71: {  	s0 =	simm.s32 $0x0;
	s1 =	simm.s32 $0xC0;
	[tilespmem:v8+s13+$0x0] =	vst.idx.add.s32.msk $0xffff, v1;
	v4 =	vand.u32 $0xFFF, v4;
	v5 =	vand.u32 $0xFFF, v5;
	v6 =	vand.u32 $0xFFF, v6  }
.LBB2_5:
0x72: {  	v7 =	vld [tilespmem:s1+$0x30];
	s0 =	sadd.s32 $0x8, s0  }
0x73: {  	v8 =	vld [tilespmem:s1+$0xFFFFFFD0];
	p0 =	slt.u32 s0, $0x1860  }
0x74: {  	v9 =	vld [tilespmem:s1+$0xFFFFFFE0]  }
0x75: {  	v10 =	vld [tilespmem:s1+$0xFFFFFFF0]  }
0x76: {  	v11 =	vld [tilespmem:s1+$0x0]  }
0x77: {  	v12 =	vld [tilespmem:s1+$0x10];
	v7 =	vshrl.u32 v7, $0x13  }
0x78: {  	v8 =	vshrl.u32 v8, $0x13;
	v13 =	vld [tilespmem:s1+$0x20];
	v7 =	vand.u32 $0xFFF, v7  }
0x79: {  	v14 =	vld [tilespmem:s1+$0xFFFFFFC0];
	v8 =	vand.u32 $0xFFF, v8;
	v9 =	vshrl.u32 v9, $0x13  }
0x7a: {  	v9 =	vand.u32 $0xFFF, v9;
	v10 =	vshrl.u32 v10, $0x13;
	[tilespmem:v6+s13+$0x0] =	vst.idx.add.s32.msk $0xffff, v1  }
0x7b: {  	v10 =	vand.u32 $0xFFF, v10;
	v6 =	vshrl.u32 v11, $0x13;
	[tilespmem:v4+s13+$0x0] =	vst.idx.add.s32.msk $0xffff, v1  }
0x7c: {  	v11 =	vand.u32 $0xFFF, v6;
	v4 =	vshrl.u32 v12, $0x13;
	[tilespmem:v5+s13+$0x0] =	vst.idx.add.s32.msk $0xffff, v1  }
.Ltmp5:
0x7d: {  	s8 =	simm.s32 $0x0;
	v4 =	vand.u32 $0xFFF, v4;
	v5 =	vshrl.u32 v13, $0x13;
	[tilespmem:v7+s13+$0x0] =	vst.idx.add.s32.msk $0xffff, v1;
	(pc) =	sbr.rel @p0 .LBB2_5-.Ltmp5, $4  }
0x7e: {  	v6 =	vshrl.u32 v14, $0x13;
	[tilespmem:v8+s13+$0x0] =	vst.idx.add.s32.msk $0xffff, v1;
	v5 =	vand.u32 $0xFFF, v5  }
0x7f: {  	v6 =	vand.u32 $0xFFF, v6;
	[tilespmem:v9+s13+$0x0] =	vst.idx.add.s32.msk $0xffff, v1  }
0x80: {  	[tilespmem:v10+s13+$0x0] =	vst.idx.add.s32.msk $0xffff, v1  }
0x81: {  	s1 =	sadd.s32 $0x80, s1;
	[tilespmem:v11+s13+$0x0] =	vst.idx.add.s32.msk $0xffff, v1  }
0x82: {  	_ =	sdelay $0x3  }
0x83: {  	[tilespmem:v6+s13+$0x0] =	vst.idx.add.s32.msk $0xffff, v1  }
0x84: {  	[tilespmem:v4+s13+$0x0] =	vst.idx.add.s32.msk $0xffff, v1  }
0x85: {  	[tilespmem:v5+s13+$0x0] =	vst.idx.add.s32.msk $0xffff, v1;
	s0 =	simm.s32 $0x0  }
.LBB2_7:
0x86: {  	s1 =	sshra.s32 s0, $0x2  }
0x87: {  	v4 =	vld [tilespmem:s1+$0x18680];
	_ =	sdelay $0x4  }
0x88: {  	v4 =	vshrl.u32 v4, $0x13  }
0x89: {  	p0 =	sne.s32 s0, $0x40;
	v4 =	vand.u32 $0xFFF, v4  }
.Ltmp6:
0x8a: {  	_ = 	snop;
	(pc) =	sbr.rel @p0 .LBB2_7-.Ltmp6, $3  }
0x8b: {  	_ =	sdelay $0x1  }
0x8c: {  	s0 =	sadd.s32 $0x40, s0  }
0x8d: {  	s26 =	simm.s32 $0x196F0;
	s25 =	simm.s32 $0xFFF;
	s1 =	simm.s32 $0x107;
	[tilespmem:v4+s13+$0x0] =	vst.idx.add.s32.msk $0xffff, v1  }
.LBB2_8:
0x8e: {  	v4 =	vld [tilespmem:s26+$0xFFFFFF90]  }
0x8f: {  	v5 =	vld [tilespmem:s26+$0xFFFFFFA0]  }
0x90: {  	v6 =	vld [tilespmem:s26+$0xFFFFFFB0]  }
0x91: {  	v7 =	vld [tilespmem:s26+$0xFFFFFFC0]  }
0x92: {  	v8 =	vld [tilespmem:s26+$0xFFFFFFD0]  }
0x93: {  	v9 =	vld [tilespmem:s26+$0xFFFFFFE0]  }
0x94: {  	v4 =	vadd.s32 v4, v5;
	v5 =	vld [tilespmem:s26+$0xFFFFFFF0]  }
0x95: {  	v63 =	vld [tilespmem:s26+$0x0];
	v4 =	vadd.s32 v6, v4  }
0x96: {  	v4 =	vadd.s32 v7, v4  }
0x97: {  	v4 =	vadd.s32 v8, v4  }
0x98: {  	v4 =	vadd.s32 v9, v4  }
0x99: {  	v4 =	vadd.s32 v5, v4  }
0x9a: {  	v4 =	vadd.s32 v63, v4  }
0x9b: {  	(xrf0) =	vadd.scan.msk.s32 $0xffff, v4;
	_ =	sdelay $0x5  }
0x9c: {  	v4, _, _ =	vpop (xrf0)  }
0x9d: {  	(v2sf) =	vpush v4, $0xF;
	_ =	sdelay $0xe  }
0x9e: {  	s24 =	smov.u32 s8;
	s31 =	spop (v2sf)  }
0x9f: {  	p0 =	seq.s32 s1, $0xF;
	s8 =	sadd.s32 s24, s31  }
0xa0: {  	p1 =	slt.s32 @!p0 s8, $0xC8  }
0xa1: {  	p0 =	por p0, !p1  }
.Ltmp7:
0xa2: {  	_ = 	snop;
	(pc) =	sbr.rel @!p0 .LBB2_8-.Ltmp7, $3  }
0xa3: {  	_ =	sdelay $0x1  }
0xa4: {  	s0 =	smov.u32 s26;
	s9 =	smov.u32 s25  }
0xa5: {  	s1 =	sadd.s32 $0xFFFFFFF8, s1;
	s25 =	sadd.s32 $0xFFFFFF80, s25;
	s26 =	sadd.s32 $0xFFFFFF80, s26  }
0xa6: {  	s8 =	sadd.s32 $0xFFFFFFF9, s1  }
0xa7: {  	p0 =	sge.s32 s1, s8  }
.Ltmp8:
0xa8: {  	_ = 	snop;
	(pc) =	sbr.rel @!p0 .LBB2_10-.Ltmp8, $2  }
0xa9: {  	_ =	sdelay $0x2  }
0xaa: {  	s26 =	simm.s32 $0x0;
	s28 =	simm.s32 $0x0;
	s25 =	simm.s32 $0x0  }
.LBB2_24:
0xab: {  	v4 =	vld [tilespmem:s0+$0x0];
	_ =	sdelay $0x1  }
0xac: {  	v5 =	vmul.u32 $0xFFFFFFFF, v2;
	_ =	sdelay $0x1  }
0xad: {  	v5 =	vadd.s32 $0xF, v5  }
0xae: {  	v5 =	vperm.xlane v4, v5;
	_ =	sdelay $0x1  }
0xaf: {  	(xrf0) =	vadd.scan.msk.s32 $0xffff, v5  }
0xb0: {  	(xrf0) =	vadd.scan.msk.s32 $0xffff, v4;
	_ =	sdelay $0x4  }
0xb1: {  	v4, _, _ =	vpop (xrf0)  }
0xb2: {  	v5, _, _ =	vpop (xrf0)  }
0xb3: {  	(v2sf) =	vpush v5, $0xF;
	_ =	sdelay $0x1  }
0xb4: {  	v4 =	vadd.s32 s24, v4  }
0xb5: {  	vm0 =	vgt.s32 v4, $0xC7  }
0xb6: {  	v4 =	vmctz.xlane vm0;
	_ =	sdelay $0x1  }
0xb7: {  	(v2sf) =	vpush v4, $0x0;
	_ =	sdelay $0x8  }
0xb8: {  	s28 =	spop (v2sf)  }
0xb9: {  	p0 =	sle.s32 s1, s8;
	s24 =	sadd.s32 s24, s28  }
0xba: {  	p2 =	slt.s32 @!p0 s24, $0xC8  }
0xbb: {  	p2 =	por p0, !p2  }
.Ltmp9:
0xbc: {  	_ = 	snop;
	(pc) =	sbr.rel @!p2 .LBB2_24-.Ltmp9, $4  }
0xbd: {  	_ = 	snop  }
0xbe: {  	s31 =	spop (v2sf)  }
0xbf: {  	s1 =	sadd.s32 $0xFFFFFFFF, s1;
	p1 =	sgt.s32 s24, $0xC7;
	s28 =	ssub.s32 s9, s31  }
0xc0: {  	s0 =	sadd.s32 $0xFFFFFFF0, s0;
	s9 =	sadd.s32 $0xFFFFFFF0, s9;
	s25 =	smov.u32 @p1 s28  }
0xc1: {  	s25 =	smov.u32 @p0 s25  }
0xc2: {  	s28 =	smov.u32 s25  }
.LBB2_10:
0xc3: {  	s8 =	simm.s32 $0x20  }
0xc4: {  	v10 =	vld [tilespmem:s8+$0xFFFFFFF0]  }
0xc5: {  	v15 =	vld [tilespmem:s8+$0xFFFFFFE0];
	_ =	sdelay $0x1  }
0xc6: {  	v14 =	vld [tilespmem:s8+$0x0];
	_ =	sdelay $0x1  }
0xc7: {  	v5 =	vshrl.u32 v10, $0x13  }
0xc8: {  	v4 =	vmov s28;
	v6 =	vshrl.u32 v15, $0x13;
	v5 =	vand.u32 $0xFFF, v5  }
0xc9: {  	v6 =	vand.u32 $0xFFF, v6;
	vm0 =	vge.s32 v5, v4  }
0xca: {  	vm1 =	vge.s32 v6, v4;
	v5 =	vshrl.u32 v14, $0x13;
	v6 =	vmpcnt.ones.xlane vm0  }
0xcb: {  	v11 =	vld [tilespmem:s8+$0x10];
	v8 =	vmpcnt.ones.xlane vm1;
	v5 =	vand.u32 $0xFFF, v5  }
0xcc: {  	s9 =	simm.s32 $0x60;
	vm2 =	vge.s32 v5, v4;
	(v2sf) =	vpush v6, $0x0  }
0xcd: {  	v7 =	vld [tilespmem:s9+$0xFFFFFFF0];
	v5 =	vmpcnt.ones.xlane vm2;
	(v2sf) =	vpush v8, $0x0  }
0xce: {  	v12 =	vld [tilespmem:s9+$0xFFFFFFE0]  }
0xcf: {  	(v2sf) =	vpush v5, $0x0  }
0xd0: {  	v9 =	vld [tilespmem:s9+$0x0];
	v5 =	vshrl.u32 v11, $0x13  }
0xd1: {  	v20 =	vor.u32 s26, v2;
	v5 =	vand.u32 $0xFFF, v5  }
0xd2: {  	vm3 =	vmmov vm0;
	vm0 =	vge.s32 v5, v4;
	v5 =	vshrl.u32 v7, $0x13  }
0xd3: {  	vm4 =	vmmov vm2;
	v6 =	vshrl.u32 v12, $0x13;
	v8 =	vand.u32 $0xFFF, v5  }
0xd4: {  	v6 =	vand.u32 $0xFFF, v6;
	v13 =	vmpcnt.ones.xlane vm0;
	vm5 =	vge.s32 v8, v4  }
0xd5: {  	s0 =	sshll.u32 s23, $0x4;
	vm2 =	vge.s32 v6, v4;
	v6 =	vshrl.u32 v9, $0x13;
	v5 =	vld [tilespmem:s9+$0x10];
	v16 =	vmpcnt.ones.xlane vm5  }
0xd6: {  	s25 =	sand.u32 $0x70, s0;
	s0 =	simm.s32 $0xA0;
	v17 =	vmpcnt.ones.xlane vm2;
	v6 =	vand.u32 $0xFFF, v6;
	(v2sf) =	vpush v13, $0x0  }
0xd7: {  	vm1 =	vmmov vm1;
	vm6 =	vge.s32 v6, v4;
	v8 =	vld [tilespmem:s0+$0xFFFFFFE0];
	(v2sf) =	vpush v16, $0x0  }
0xd8: {  	vm7 =	vmmov vm3;
	v13 =	vld [tilespmem:s0+$0xFFFFFFF0];
	v16 =	vmpcnt.ones.xlane vm6;
	(v2sf) =	vpush v17, $0x0  }
0xd9: {  	vm8 =	vmmov vm1;
	vm7 =	vmmov vm7;
	vm4 =	vmmov vm4;
	v6 =	vld [tilespmem:s0+$0x0]  }
0xda: {  	vm2 =	vmmov vm2;
	v17 =	vshrl.u32 v5, $0x13;
	(v2sf) =	vpush v16, $0x0  }
0xdb: {  	s24 =	sor.u32 s4, s23;
	s29 =	simm.s32 $0x8;
	vm0 =	vmmov vm0;
	vm1 =	vmmov vm6;
	v17 =	vand.u32 $0xFFF, v17;
	s1 =	spop (v2sf)  }
0xdc: {  	p0 =	por $0x1, $0x1;
	s28 =	simm.s32 $0x30;
	vm15 =	vmmov vm5;
	vm3 =	vge.s32 v17, v4;
	v17 =	vshrl.u32 v8, $0x13;
	s8 =	spop (v2sf)  }
0xdd: {  	s22 =	simm.s32 $0x20;
	s9 =	simm.s32 $0x0;
	v18 =	vshrl.u32 v13, $0x13;
	v16 =	vmpcnt.ones.xlane vm3;
	v17 =	vand.u32 $0xFFF, v17;
	s30 =	sadd.s32 $0x0, s8  }
0xde: {  	s9 =	simm.s32 @!p0 $0x1F0;
	vm5 =	vge.s32 v17, v4;
	v17 =	vand.u32 $0xFFF, v18;
	v18 =	vshrl.u32 v6, $0x13;
	s31 =	spop (v2sf);
	s1 =	sadd.s32 s30, s1  }
0xdf: {  	[tilespmem:s9+$0x19700] =	vst.msk vm8, v15;
	v15 =	vld [tilespmem:s0+$0x10];
	v19 =	vmpcnt.ones.xlane vm5;
	vm6 =	vge.s32 v17, v4;
	v17 =	vor.u32 s22, v2;
	s22 =	simm.s32 $0x10;
	p0 =	slt.s32 s1, $0x1F0;
	s8 =	sadd.s32 s1, s31  }
0xe0: {  	[tilespmem:s9+$0x19B00] =	vst.msk vm8, v20;
	v21 =	vand.u32 $0xFFF, v18;
	v20 =	vmpcnt.ones.xlane vm6;
	v18 =	vor.u32 s22, v2;
	p2 =	slt.s32 s30, $0x1F0;
	s1 =	simm.s32 @!p0 $0x1F0;
	p1 =	slt.s32 s8, $0x1F0  }
.LBB2_11:
0xe1: {  	s29 =	sadd.s32 $0x4, s29;
	s0 =	sadd.s32 $0x40, s0;
	(v2sf) =	vpush v16, $0x0;
	s26 =	sadd.s32 $0x40, s26;
	vm9 =	vmmov vm0;
	vm0 =	vmmov vm3  }
0xe2: {  	vm10 =	vge.s32 v21, v4;
	vm8 =	vmmov vm2;
	s22 =	smov.u32 s8;
	v22 =	vld [tilespmem:s0+$0xFFFFFFE0];
	p0 =	slt.u32 s29, $0x1864;
	(v2sf) =	vpush v20, $0x0;
	s9 =	sadd.s32 $0x30, s26  }
0xe3: {  	s30 =	simm.s32 @!p2 $0x1F0;
	vm2 =	vmmov vm5;
	v16 =	vmpcnt.ones.xlane vm10;
	s22 =	simm.s32 @!p1 $0x1F0;
	v20 =	vld [tilespmem:s0+$0xFFFFFFF0];
	(v2sf) =	vpush v19, $0x0;
	[tilespmem:s1+$0x19700] =	vst.msk vm4, v14;
	v14 =	vmovc v9;
	v9 =	vmovc v6  }
0xe4: {  	vm5 =	vmmov vm15;
	vm15 =	vmmov vm6;
	v19 =	vshrl.u32 v15, $0x13;
	v6 =	vld [tilespmem:s0+$0x0];
	[tilespmem:s30+$0x19700] =	vst.msk vm7, v10;
	v10 =	vmovc v7;
	v7 =	vmovc v13  }
0xe5: {  	v13 =	vand.u32 $0xFFF, v19;
	v21 =	vld [tilespmem:s0+$0x10];
	(v2sf) =	vpush v16, $0x0;
	[tilespmem:s1+$0x19B00] =	vst.msk vm4, v17;
	s1 =	spop (v2sf);
	vm4 =	vmmov vm1  }
0xe6: {  	v19 =	vor.u32 s28, v2;
	s28 =	smov.u32 s9;
	vm3 =	vge.s32 v13, v4;
	vm1 =	vmmov vm10;
	s31 =	spop (v2sf);
	[tilespmem:s30+$0x19B00] =	vst.msk vm7, v18;
	s8 =	sadd.s32 s8, s1  }
.Ltmp10:
0xe7: {  	v16 =	vmpcnt.ones.xlane vm3;
	vm7 =	vmmov vm5;
	v17 =	vshrl.u32 v22, $0x13;
	p1 =	slt.s32 s8, $0x1F0;
	s1 =	spop (v2sf);
	[tilespmem:s22+$0x19700] =	vst.msk vm9, v11;
	v11 =	vmovc v5;
	v5 =	vmovc v15;
	(pc) =	sbr.rel @p0 .LBB2_11-.Ltmp10, $4  }
0xe8: {  	v18 =	vor.u32 s26, v2;
	v24 =	vand.u32 $0xFFF, v17;
	v17 =	vshrl.u32 v20, $0x13;
	s30 =	sadd.s32 s8, s1;
	s8 =	simm.s32 @!p1 $0x1F0;
	[tilespmem:s22+$0x19B00] =	vst.msk vm9, v19;
	v13 =	vmovc v20  }
0xe9: {  	s9 =	sadd.s32 $0x20, s26;
	vm5 =	vge.s32 v24, v4;
	v20 =	vand.u32 $0xFFF, v17;
	v23 =	vshrl.u32 v6, $0x13;
	[tilespmem:s8+$0x19700] =	vst.msk vm8, v12;
	s1 =	sadd.s32 s30, s31;
	s22 =	spop (v2sf);
	v12 =	vmovc v8;
	v8 =	vmovc v22  }
0xea: {  	s31 =	sadd.s32 $0x10, s26;
	v17 =	vor.u32 s9, v2;
	v19 =	vmpcnt.ones.xlane vm5;
	vm6 =	vge.s32 v20, v4;
	[tilespmem:s8+$0x19B00] =	vst.msk vm8, v18;
	p1 =	slt.s32 s1, $0x1F0;
	s8 =	sadd.s32 s1, s22;
	v15 =	vmovc v21  }
0xeb: {  	p2 =	slt.s32 s30, $0x1F0;
	v21 =	vand.u32 $0xFFF, v23;
	v18 =	vor.u32 s31, v2;
	v20 =	vmpcnt.ones.xlane vm6;
	s1 =	simm.s32 @!p1 $0x1F0;
	p1 =	slt.s32 s8, $0x1F0  }
0xec: {  	(v2sf) =	vpush v16, $0x0  }
0xed: {  	(v2sf) =	vpush v20, $0x0  }
0xee: {  	vm9 =	vge.s32 v21, v4;
	(v2sf) =	vpush v19, $0x0  }
0xef: {  	v59 =	vshrl.u32 v15, $0x13;
	v58 =	vmpcnt.ones.xlane vm9  }
0xf0: {  	v19 =	vand.u32 $0xFFF, v59  }
0xf1: {  	[tilespmem:s1+$0x19700] =	vst.msk vm4, v14;
	(v2sf) =	vpush v58, $0x0;
	vm8 =	vge.s32 v19, v4  }
0xf2: {  	s30 =	simm.s32 @!p2 $0x1F0;
	[tilespmem:s1+$0x19B00] =	vst.msk vm4, v17;
	v60 =	vmpcnt.ones.xlane vm8  }
0xf3: {  	s1 =	smov.u32 s8;
	[tilespmem:s30+$0x19700] =	vst.msk vm7, v10;
	s0 =	spop (v2sf)  }
0xf4: {  	vm0 =	vmmov vm0;
	s1 =	simm.s32 @!p1 $0x1F0;
	[tilespmem:s30+$0x19B00] =	vst.msk vm7, v18;
	s9 =	spop (v2sf);
	s0 =	sadd.s32 s8, s0;
	(v2sf) =	vpush v60, $0x0  }
0xf5: {  	v61 =	vor.u32 s28, v2;
	[tilespmem:s1+$0x19700] =	vst.msk vm0, v11;
	s29 =	spop (v2sf);
	p0 =	slt.s32 s0, $0x1F0  }
0xf6: {  	s22 =	sadd.s32 $0x40, s26;
	vm2 =	vmmov vm2;
	[tilespmem:s1+$0x19B00] =	vst.msk vm0, v61;
	s8 =	sadd.s32 s0, s29;
	s0 =	simm.s32 @!p0 $0x1F0  }
0xf7: {  	v62 =	vor.u32 s22, v2;
	vm4 =	vmmov vm15;
	s1 =	sadd.s32 s8, s9;
	[tilespmem:s0+$0x19700] =	vst.msk vm2, v12;
	p1 =	slt.s32 s8, $0x1F0  }
0xf8: {  	vm0 =	vmmov vm4;
	s30 =	spop (v2sf);
	p0 =	slt.s32 s1, $0x1F0;
	[tilespmem:s0+$0x19B00] =	vst.msk vm2, v62;
	s8 =	simm.s32 @!p1 $0x1F0  }
0xf9: {  	vm1 =	vmmov vm1;
	s26 =	sadd.s32 $0x10, s22;
	s9 =	sadd.s32 s1, s30;
	s1 =	simm.s32 @!p0 $0x1F0;
	[tilespmem:s8+$0x19700] =	vst.msk vm0, v7  }
0xfa: {  	s31 =	sadd.s32 $0x20, s22;
	v7 =	vor.u32 s26, v2;
	[tilespmem:s1+$0x19700] =	vst.msk vm1, v9  }
0xfb: {  	v63 =	vor.u32 s31, v2;
	vm7 =	vmmov vm3;
	s30 =	sadd.s32 $0x30, s22;
	p0 =	slt.s32 s9, $0x1F0;
	[tilespmem:s8+$0x19B00] =	vst.msk vm0, v7;
	s28 =	spop (v2sf)  }
0xfc: {  	vm10 =	vmmov vm7;
	[tilespmem:s1+$0x19B00] =	vst.msk vm1, v63;
	s29 =	spop (v2sf);
	s0 =	sadd.s32 s9, s28;
	s9 =	simm.s32 @!p0 $0x1F0  }
0xfd: {  	vm11 =	vmmov vm5;
	v7 =	vor.u32 s30, v2;
	s31 =	spop (v2sf);
	p0 =	slt.s32 s0, $0x1F0;
	[tilespmem:s9+$0x19700] =	vst.msk vm10, v5  }
0xfe: {  	vm12 =	vmmov vm6;
	s22 =	sadd.s32 $0x40, s22;
	vm0 =	vmmov vm11;
	s8 =	sadd.s32 s0, s31;
	s0 =	simm.s32 @!p0 $0x1F0;
	[tilespmem:s9+$0x19B00] =	vst.msk vm10, v7  }
0xff: {  	vm1 =	vmmov vm12;
	v5 =	vor.u32 s22, v2;
	s1 =	sadd.s32 s8, s29;
	[tilespmem:s0+$0x19700] =	vst.msk vm0, v8;
	p1 =	slt.s32 s8, $0x1F0  }
0x100: {  	vm13 =	vmmov vm9;
	vm14 =	vmmov vm1;
	s26 =	spop (v2sf);
	p0 =	slt.s32 s1, $0x1F0;
	[tilespmem:s0+$0x19B00] =	vst.msk vm0, v5;
	s8 =	simm.s32 @!p1 $0x1F0  }
0x101: {  	vm2 =	vmmov vm13;
	s28 =	sadd.s32 $0x20, s22;
	s9 =	sadd.s32 s1, s26;
	s1 =	simm.s32 @!p0 $0x1F0;
	[tilespmem:s8+$0x19700] =	vst.msk vm14, v13  }
0x102: {  	s29 =	sadd.s32 $0x10, s22;
	v5 =	vor.u32 s28, v2;
	[tilespmem:s1+$0x19700] =	vst.msk vm2, v6  }
0x103: {  	vm15 =	vmmov vm8;
	s30 =	spop (v2sf);
	p0 =	slt.s32 s9, $0x1F0;
	v6 =	vor.u32 s29, v2;
	[tilespmem:s1+$0x19B00] =	vst.msk vm2, v5  }
0x104: {  	vm1 =	vmmov vm15;
	s31 =	sadd.s32 $0x30, s22;
	s0 =	sadd.s32 s9, s30;
	s9 =	simm.s32 @!p0 $0x1F0;
	[tilespmem:s8+$0x19B00] =	vst.msk vm14, v6  }
0x105: {  	v5 =	vor.u32 s31, v2;
	[tilespmem:s9+$0x19700] =	vst.msk vm1, v15  }
0x106: {  	s1 =	simm.s32 $0x18680;
	s8 =	simm.s32 $0x18680;
	[tilespmem:s9+$0x19B00] =	vst.msk vm1, v5  }
.LBB2_13:
0x107: {  	v5 =	vld [tilespmem:s1+$0x0];
	_ =	sdelay $0x4  }
0x108: {  	v6 =	vshrl.u32 v5, $0x13  }
0x109: {  	v6 =	vand.u32 $0xFFF, v6  }
0x10a: {  	vm0 =	vge.s32 v6, v4  }
0x10b: {  	v6 =	vmpcnt.ones.xlane vm0;
	_ =	sdelay $0x1  }
0x10c: {  	(v2sf) =	vpush v6, $0x0;
	_ =	sdelay $0xd  }
0x10d: {  	s9 =	smov.u32 s0  }
0x10e: {  	p0 =	slt.s32 s9, $0x1F0;
	s31 =	spop (v2sf)  }
0x10f: {  	s0 =	sadd.s32 s9, s31;
	s9 =	simm.s32 @!p0 $0x1F0;
	p0 =	sne.s32 s8, $0x18690  }
.Ltmp11:
0x110: {  	_ = 	snop;
	(pc) =	sbr.rel @p0 .LBB2_13-.Ltmp11, $3  }
0x111: {  	_ =	sdelay $0x1  }
0x112: {  	[tilespmem:s9+$0x19700] =	vst.msk vm0, v5;
	v5 =	vor.u32 s8, v2  }
0x113: {  	s1 =	sadd.s32 $0x10, s1;
	s8 =	sadd.s32 $0x10, s8;
	[tilespmem:s9+$0x19B00] =	vst.msk vm0, v5  }
0x114: {  	p0 =	seq.s32 s23, $0x1F  }
0x115: {  	s1 =	sadd.s32 @!p0 $0x1, s24  }
0x116: {  	s8 =	sshrl.u32 @!p0 s1, $0x3  }
0x117: {  	s1 =	sshll.u32 @!p0 s1, $0x7;
	s8 =	smul.u32 @!p0 $0xC3800, s8  }
0x118: {  	s1 =	sand.u32 @!p0 $0x380, s1  }
0x119: {  	s1 =	sor.u32 @!p0 s1, s8  }
0x11a: {  	s31 =	simm.s32 $0x19740;
	s9 =	simm.s32 @!p0 $0x400;
	s1 =	sshrl.u32 @!p0 s1, $0x3  }
0x11b: {  	s22 =	simm.s32 @!p0 $0x0;
	s8 =	simm.s32 @!p0 $0x80;
	s1 =	sadd.s32 @!p0 s5, s1  }
0x11c: {  	[tilespmem:s22], [sflag:$0x2] =	stream.strided.gather @!p0 [hbm4b:s1+s8], $0x18700, s9, s8, $0x38;
	[tilespmem:$0x1D500] =	vst v63  }
0x11d: {  	v6 =	vld [tilespmem:s31+$0x30]  }
0x11e: {  	v7 =	vld [tilespmem:s31+$0xFFFFFFD0]  }
0x11f: {  	v9 =	vld [tilespmem:s31+$0xFFFFFFE0]  }
0x120: {  	v8 =	vld [tilespmem:s31+$0xFFFFFFF0]  }
0x121: {  	v5 =	vld [tilespmem:s31+$0x0]  }
0x122: {  	s1 =	simm.s32 $0x19940;
	v4 =	vld [tilespmem:s31+$0x10];
	v10 =	vand.u32 $0x7FFFFFFF, v6  }
0x123: {  	s26 =	smov.u32 s0;
	p0 =	slt.s32 s0, $0x200;
	v11 =	vand.u32 $0x7FFFFFFF, v7;
	v6 =	vld [tilespmem:s31+$0x20];
	[tilespmem:s1+$0x30] =	vst v10  }
0x124: {  	s8 =	simm.s32 $0x0;
	s9 =	simm.s32 $0x197C0;
	s26 =	simm.s32 @!p0 $0x200;
	v7 =	vld [tilespmem:s31+$0xFFFFFFC0];
	v9 =	vand.u32 $0x7FFFFFFF, v9;
	[tilespmem:s1+$0xFFFFFFD0] =	vst v11  }
.LBB2_15:
0x125: {  	v10 =	vld [tilespmem:s9+$0x30];
	s8 =	sadd.s32 $0x8, s8;
	[tilespmem:s1+$0xFFFFFFE0] =	vst v9;
	v8 =	vand.u32 $0x7FFFFFFF, v8  }
0x126: {  	v9 =	vld [tilespmem:s9+$0xFFFFFFD0];
	p0 =	slt.u32 s8, $0x18;
	[tilespmem:s1+$0xFFFFFFF0] =	vst v8;
	v5 =	vand.u32 $0x7FFFFFFF, v5  }
0x127: {  	v11 =	vld [tilespmem:s9+$0xFFFFFFE0];
	[tilespmem:s1+$0x0] =	vst v5;
	v4 =	vand.u32 $0x7FFFFFFF, v4  }
.Ltmp12:
0x128: {  	v8 =	vld [tilespmem:s9+$0xFFFFFFF0];
	[tilespmem:s1+$0x10] =	vst v4;
	v4 =	vand.u32 $0x7FFFFFFF, v6;
	(pc) =	sbr.rel @p0 .LBB2_15-.Ltmp12, $4  }
0x129: {  	v5 =	vld [tilespmem:s9+$0x0];
	v6 =	vand.u32 $0x7FFFFFFF, v7;
	[tilespmem:s1+$0x20] =	vst v4  }
0x12a: {  	v4 =	vld [tilespmem:s9+$0x10];
	v7 =	vand.u32 $0x7FFFFFFF, v10;
	[tilespmem:s1+$0xFFFFFFC0] =	vst v6;
	s1 =	sadd.s32 $0x80, s1  }
0x12b: {  	v9 =	vand.u32 $0x7FFFFFFF, v9;
	v6 =	vld [tilespmem:s9+$0x20];
	[tilespmem:s1+$0x30] =	vst v7  }
0x12c: {  	v7 =	vld [tilespmem:s9+$0xFFFFFFC0];
	[tilespmem:s1+$0xFFFFFFD0] =	vst v9;
	v9 =	vand.u32 $0x7FFFFFFF, v11;
	s9 =	sadd.s32 $0x80, s9  }
0x12d: {  	s8 =	sadd.s32 $0xF, s26  }
0x12e: {  	s9 =	sand.u32 $0xF, s8  }
0x12f: {  	p1 =	slt.s32 s0, $0xFFFFFFF2;
	s31 =	sshra.s32 s8, $0x1F;
	p0 =	sne.s32 s9, $0x0  }
0x130: {  	s9 =	sshrl.u32 s31, $0x1C;
	p0 =	por !p1, !p0  }
0x131: {  	s8 =	sadd.s32 s9, s8;
	s9 =	simm.s32 $0x1;
	p0 =	por !p0, !p0  }
0x132: {  	s8 =	sshra.s32 s8, $0x4;
	s9 =	simm.s32 @!p0 $0x0  }
0x133: {  	[tilespmem:s1+$0xFFFFFFE0] =	vst v9;
	v8 =	vand.u32 $0x7FFFFFFF, v8;
	p0 =	slt.s32 s0, $0x1F0;
	s28 =	ssub.s32 s8, s9  }
0x134: {  	[tilespmem:s1+$0xFFFFFFF0] =	vst v8;
	v5 =	vand.u32 $0x7FFFFFFF, v5;
	s0 =	simm.s32 @!p0 $0x1F0;
	p0 =	sgt.s32 s28, $0x0  }
.Ltmp13:
0x135: {  	[tilespmem:s1+$0x0] =	vst v5;
	v4 =	vand.u32 $0x7FFFFFFF, v4;
	(pc) =	sbr.rel @!p0 .LBB2_30-.Ltmp13, $4  }
0x136: {  	[tilespmem:s1+$0x10] =	vst v4;
	v4 =	vand.u32 $0x7FFFFFFF, v6  }
0x137: {  	v5 =	vand.u32 $0x7FFFFFFF, v7;
	[tilespmem:s1+$0x20] =	vst v4  }
0x138: {  	[tilespmem:s1+$0xFFFFFFC0] =	vst v5  }
0x139: {  	s29 =	simm.s32 $0x0;
	s30 =	simm.s32 $0x0;
	[tilespmem:s0+$0x19900] =	vst v3  }
.LBB2_17:
0x13a: {  	s31 =	sshll.u32 s30, $0x4  }
0x13b: {  	v6 =	vld [tilespmem:s31+$0x19900];
	_ =	sdelay $0x1  }
0x13c: {  	s0 =	simm.s32 $0x19900;
	v25 =	vor.u32 s29, v2;
	v4 =	vimm.s32 $0x0;
	s1 =	sor.u32 $0x1, s31;
	s8 =	sor.u32 $0x2, s31  }
0x13d: {  	v5 =	vld [tilespmem:s0+$0x0];
	v8 =	vmov s31;
	s9 =	sor.u32 $0x3, s31;
	s22 =	sor.u32 $0x7, s31;
	v10 =	vmov s1;
	s1 =	sor.u32 $0x4, s31;
	v12 =	vmov s8  }
0x13e: {  	v14 =	vmov s9;
	v19 =	vmov s22;
	v16 =	vmov s1  }
0x13f: {  	s9 =	sor.u32 $0x5, s31;
	vm2 =	vlt.s32 v25, v19;
	v7 =	vbroadcast v6, $0x0;
	v9 =	vbroadcast v6, $0x1  }
0x140: {  	s22 =	sor.u32 $0x6, s31;
	v20 =	vmov s9;
	v11 =	vbroadcast v6, $0x2;
	v13 =	vbroadcast v6, $0x3  }
0x141: {  	v22 =	vmov s22;
	v15 =	vbroadcast v6, $0x4;
	v18 =	vbroadcast v6, $0x7  }
0x142: {  	v17 =	vbroadcast v6, $0x5;
	v21 =	vbroadcast v6, $0x6;
	vm0 =	vgt.s32 v5, v7  }
0x143: {  	vm1 =	veq.s32 v5, v15;
	vm3 =	veq.s32 v5, v18;
	v27 =	vsel vm0, $0x1, v0  }
0x144: {  	vm0 =	vgt.s32 v5, v11;
	vm2 =	vmand vm2, vm3;
	vm3 =	veq.s32 v5, v9  }
0x145: {  	v30 =	vsel vm0, $0x1, v0;
	vm0 =	vlt.s32 v25, v16;
	v28 =	vsel vm2, $0x1, v0  }
0x146: {  	vm2 =	vlt.s32 v25, v14;
	v29 =	vadd.s32 v27, v4;
	v27 =	vimm.s32 $0x0  }
0x147: {  	vm0 =	vmand vm0, vm1;
	vm1 =	vlt.s32 v25, v10;
	v30 =	vadd.s32 v30, v4  }
0x148: {  	vm1 =	vmand vm1, vm3;
	vm3 =	vgt.s32 v5, v15;
	v24 =	vsel vm0, $0x1, v0  }
0x149: {  	vm0 =	vgt.s32 v5, v13;
	v23 =	vsel vm3, $0x1, v0;
	vm3 =	vgt.s32 v5, v18  }
0x14a: {  	v26 =	vsel vm1, $0x1, v0;
	vm1 =	vgt.s32 v5, v17;
	v32 =	vsel vm0, $0x1, v0  }
0x14b: {  	vm0 =	vlt.s32 v25, v8;
	v33 =	vsel vm1, $0x1, v0;
	vm1 =	veq.s32 v5, v13  }
0x14c: {  	v31 =	vsel vm3, $0x1, v0;
	vm3 =	veq.s32 v5, v7;
	vm1 =	vmand vm2, vm1  }
0x14d: {  	vm2 =	vgt.s32 v5, v9;
	vm4 =	vmand vm0, vm3;
	vm0 =	veq.s32 v5, v21  }
0x14e: {  	p0 =	sne.s32 s28, $0x1;
	vm3 =	veq.s32 v5, v11;
	v31 =	vadd.s32 v31, v4;
	v33 =	vadd.s32 v33, v4  }
.Ltmp14:
0x14f: {  	v36 =	vsel vm2, $0x1, v0;
	vm2 =	vlt.s32 v25, v20;
	v37 =	vsel vm1, $0x1, v0;
	(pc) =	sbr.rel @!p0 .LBB2_19-.Ltmp14, $4  }
0x150: {  	vm1 =	veq.s32 v5, v17;
	v34 =	vsel vm4, $0x1, v0;
	vm4 =	vlt.s32 v25, v12  }
0x151: {  	vm2 =	vmand vm2, vm1;
	vm1 =	vlt.s32 v25, v22;
	v25 =	vimm.s32 $0x0  }
0x152: {  	vm1 =	vmand vm1, vm0;
	vm0 =	vgt.s32 v5, v21;
	v5 =	vadd.s32 v32, v4  }
0x153: {  	s8 =	simm.s32 $0x19910;
	s1 =	sadd.s32 $0xFFFFFFFF, s28;
	s9 =	simm.s32 $0x0;
	v32 =	vadd.s32 v36, v4;
	v35 =	vsel vm0, $0x1, v0;
	v5 =	vadd.s32 v37, v5  }
.LBB2_18:
0x154: {  	v29 =	vadd.s32 v34, v29;
	vm0 =	vmand vm4, vm3  }
0x155: {  	v27 =	vadd.s32 v35, v27;
	v56 =	vsel vm2, $0x1, v0;
	v37 =	vsel vm1, $0x1, v0  }
0x156: {  	v36 =	vld [tilespmem:s8+$0x0];
	v32 =	vadd.s32 v26, v32;
	v23 =	vadd.s32 v23, v25;
	v28 =	vadd.s32 v28, v31  }
0x157: {  	s9 =	sadd.s32 $0x10, s9;
	v55 =	vsel vm0, $0x1, v0;
	v33 =	vadd.s32 v56, v33;
	v27 =	vadd.s32 v37, v27  }
0x158: {  	v57 =	vor.u32 s9, v2;
	v25 =	vadd.s32 v24, v23;
	v23 =	vimm.s32 $0x0  }
0x159: {  	v30 =	vadd.s32 v55, v30;
	vm11 =	vlt.s32 v57, v19;
	vm2 =	vlt.s32 v57, v8  }
0x15a: {  	vm13 =	vlt.s32 v57, v16;
	vm6 =	vlt.s32 v57, v20;
	vm7 =	vlt.s32 v57, v22  }
0x15b: {  	vm0 =	vgt.s32 v36, v7;
	vm1 =	veq.s32 v36, v7;
	vm4 =	veq.s32 v36, v9  }
0x15c: {  	vm9 =	vgt.s32 v36, v11;
	vm5 =	vgt.s32 v36, v13;
	vm8 =	veq.s32 v36, v13  }
0x15d: {  	vm10 =	veq.s32 v36, v15;
	vm15 =	vgt.s32 v36, v17;
	vm12 =	vgt.s32 v36, v15  }
0x15e: {  	vm3 =	veq.s32 v36, v11;
	vm14 =	veq.s32 v36, v18;
	v23 =	vsel vm1, $0xFFFFFFFF, v23  }
0x15f: {  	vm1 =	veq.s32 v36, v21;
	vm11 =	vmand vm11, vm14;
	vm10 =	vmand vm13, vm10  }
0x160: {  	vm13 =	vgt.s32 v36, v18;
	v58 =	vsel vm15, $0x1, v0;
	v59 =	vsel vm5, $0x1, v0  }
0x161: {  	[tilespmem:$0x1FEF0] =	vst v23;
	v23 =	vimm.s32 $0x0;
	v31 =	vsel vm13, $0x1, v0;
	v24 =	vsel vm10, $0x1, v0  }
0x162: {  	v5 =	vadd.s32 v59, v5;
	v33 =	vadd.s32 v58, v33;
	v23 =	vsel vm1, $0xFFFFFFFF, v23  }
0x163: {  	vm1 =	veq.s32 v36, v17;
	v31 =	vadd.s32 v31, v28;
	[tilespmem:$0x1FF00] =	vst v23;
	v23 =	vsel vm0, $0x1, v0  }
0x164: {  	v28 =	vsel vm11, $0x1, v0;
	v62 =	vld [tilespmem:$0x1FEF0];
	vm0 =	vlt.s32 v57, v10;
	v29 =	vadd.s32 v23, v29  }
0x165: {  	v23 =	vsel vm9, $0x1, v0;
	vm9 =	vlt.s32 v57, v14;
	vm0 =	vmand vm0, vm4;
	v63 =	vld [tilespmem:$0x1FF00]  }
0x166: {  	p1 =	sne.s32 s1, $0x1;
	vm4 =	vlt.s32 v57, v12;
	v30 =	vadd.s32 v23, v30;
	v23 =	vsel vm12, $0x1, v0  }
.Ltmp15:
0x167: {  	v26 =	vsel vm0, $0x1, v0;
	vm0 =	vgt.s32 v36, v9;
	vm8 =	vmand vm9, vm8;
	(pc) =	sbr.rel @p1 .LBB2_18-.Ltmp15, $4  }
0x168: {  	v60 =	vsel vm0, $0x1, v0;
	v61 =	vsel vm8, $0x1, v0;
	vm0 =	vgt.s32 v36, v21  }
0x169: {  	v32 =	vadd.s32 v60, v32;
	v5 =	vadd.s32 v61, v5;
	vm5 =	vnez.u8 v62  }
0x16a: {  	vm5 =	vmand vm2, vm5;
	vm2 =	vmand vm6, vm1;
	vm1 =	vnez.u8 v63  }
0x16b: {  	s1 =	sadd.s32 $0xFFFFFFFF, s1;
	s8 =	sadd.s32 $0x10, s8;
	v35 =	vsel vm0, $0x1, v0;
	v34 =	vsel vm5, $0x1, v0;
	vm1 =	vmand vm7, vm1  }
.LBB2_19:
0x16c: {  	vm0 =	vmand vm4, vm3  }
0x16d: {  	v9 =	vadd.s32 v34, v29;
	v7 =	vadd.s32 v35, v27;
	v10 =	vsel vm2, $0x1, v0  }
0x16e: {  	v12 =	vsel vm1, $0x1, v0;
	v14 =	vbroadcast v6, $0x8;
	v16 =	vbroadcast v6, $0x9  }
0x16f: {  	v13 =	vadd.s32 v26, v32;
	v18 =	vbroadcast v6, $0xA;
	v19 =	vbroadcast v6, $0xB  }
0x170: {  	s8 =	sor.u32 $0x8, s31;
	s1 =	sor.u32 $0x9, s31;
	v21 =	vbroadcast v6, $0xC;
	v32 =	vimm.s32 $0x0;
	v8 =	vsel vm0, $0x1, v0  }
0x171: {  	v29 =	vld [tilespmem:s0+$0x0];
	s9 =	sor.u32 $0xB, s31;
	s0 =	simm.s32 $0x0;
	v10 =	vadd.s32 v10, v33;
	v15 =	vmov s8;
	v17 =	vmov s1  }
0x172: {  	v20 =	vmov s9;
	v62 =	vor.u32 s0, v2;
	v11 =	vadd.s32 v8, v30  }
0x173: {  	s8 =	sor.u32 $0xC, s31;
	v8 =	vadd.s32 v12, v7;
	v12 =	vadd.s32 v23, v25;
	v7 =	vadd.s32 v28, v31  }
0x174: {  	s22 =	sor.u32 $0xF, s31;
	v22 =	vmov s8;
	v23 =	vbroadcast v6, $0xF;
	v25 =	vbroadcast v6, $0xD  }
0x175: {  	s9 =	sor.u32 $0xE, s31;
	s8 =	sor.u32 $0xD, s31;
	v6 =	vbroadcast v6, $0xE;
	v12 =	vadd.s32 v24, v12;
	v24 =	vmov s22  }
0x176: {  	v27 =	vmov s9;
	v26 =	vmov s8;
	s22 =	sor.u32 $0xA, s31;
	vm2 =	vlt.s32 v62, v24  }
0x177: {  	v33 =	vmov s22;
	vm0 =	vgt.s32 v29, v14;
	vm1 =	veq.s32 v29, v21  }
0x178: {  	vm3 =	veq.s32 v29, v23;
	vm4 =	veq.s32 v29, v18;
	v63 =	vsel vm0, $0x1, v0  }
0x179: {  	vm0 =	vgt.s32 v29, v18;
	vm2 =	vmand vm2, vm3;
	vm3 =	veq.s32 v29, v16  }
0x17a: {  	v37 =	vsel vm0, $0x1, v0;
	vm0 =	vlt.s32 v62, v22;
	v28 =	vsel vm2, $0x1, v0  }
0x17b: {  	vm2 =	vlt.s32 v62, v20;
	vm0 =	vmand vm0, vm1;
	vm1 =	vlt.s32 v62, v17  }
0x17c: {  	v36 =	vadd.s32 v63, v4;
	v37 =	vadd.s32 v37, v4;
	vm1 =	vmand vm1, vm3  }
0x17d: {  	vm3 =	vgt.s32 v29, v21;
	v31 =	vsel vm0, $0x1, v0;
	vm0 =	vgt.s32 v29, v19  }
0x17e: {  	v30 =	vsel vm3, $0x1, v0;
	vm3 =	vgt.s32 v29, v23;
	v35 =	vsel vm1, $0x1, v0  }
0x17f: {  	vm1 =	vgt.s32 v29, v25;
	v39 =	vsel vm0, $0x1, v0;
	vm0 =	vlt.s32 v62, v15  }
0x180: {  	v38 =	vsel vm3, $0x1, v0;
	v42 =	vsel vm1, $0x1, v0;
	vm1 =	veq.s32 v29, v19  }
0x181: {  	vm3 =	veq.s32 v29, v14;
	vm1 =	vmand vm2, vm1;
	vm2 =	vgt.s32 v29, v16  }
0x182: {  	vm0 =	vmand vm0, vm3;
	vm3 =	veq.s32 v29, v6;
	v43 =	vsel vm2, $0x1, v0  }
.Ltmp16:
0x183: {  	vm2 =	vlt.s32 v62, v26;
	v44 =	vsel vm1, $0x1, v0;
	vm1 =	veq.s32 v29, v25;
	(pc) =	sbr.rel @!p0 .LBB2_21-.Ltmp16, $4  }
0x184: {  	v34 =	vadd.s32 v38, v4;
	vm2 =	vmand vm2, vm1;
	vm1 =	vlt.s32 v62, v27  }
0x185: {  	v38 =	vadd.s32 v42, v4;
	v41 =	vsel vm0, $0x1, v0;
	vm1 =	vmand vm1, vm3  }
0x186: {  	vm3 =	vgt.s32 v29, v6;
	v29 =	vadd.s32 v39, v4;
	v39 =	vadd.s32 v43, v4  }
0x187: {  	s1 =	sadd.s32 $0xFFFFFFFF, s28;
	s8 =	simm.s32 $0x19910;
	v40 =	vsel vm3, $0x1, v0;
	vm3 =	vlt.s32 v62, v33;
	v29 =	vadd.s32 v44, v29  }
.LBB2_20:
0x188: {  	v36 =	vadd.s32 v41, v36;
	vm0 =	vmand vm3, vm4  }
0x189: {  	v4 =	vadd.s32 v40, v4;
	v55 =	vsel vm2, $0x1, v0;
	v43 =	vsel vm1, $0x1, v0  }
0x18a: {  	v42 =	vld [tilespmem:s8+$0x0];
	v39 =	vadd.s32 v35, v39;
	v30 =	vadd.s32 v30, v32;
	v28 =	vadd.s32 v28, v34  }
0x18b: {  	s0 =	sadd.s32 $0x10, s0;
	v54 =	vsel vm0, $0x1, v0;
	v38 =	vadd.s32 v55, v38;
	v4 =	vadd.s32 v43, v4  }
0x18c: {  	v56 =	vor.u32 s0, v2;
	v32 =	vadd.s32 v31, v30;
	v30 =	vimm.s32 $0x0  }
0x18d: {  	v37 =	vadd.s32 v54, v37;
	vm12 =	vlt.s32 v56, v24;
	vm2 =	vlt.s32 v56, v15  }
0x18e: {  	vm14 =	vlt.s32 v56, v22;
	vm6 =	vlt.s32 v56, v26;
	vm7 =	vlt.s32 v56, v27  }
0x18f: {  	vm0 =	vgt.s32 v42, v14;
	vm1 =	veq.s32 v42, v14;
	vm3 =	veq.s32 v42, v16  }
0x190: {  	vm9 =	vgt.s32 v42, v18;
	vm5 =	vgt.s32 v42, v19;
	vm8 =	veq.s32 v42, v19  }
0x191: {  	vm10 =	veq.s32 v42, v21;
	vm11 =	vgt.s32 v42, v25;
	vm13 =	vgt.s32 v42, v21  }
0x192: {  	vm4 =	veq.s32 v42, v18;
	vm15 =	veq.s32 v42, v23;
	v30 =	vsel vm1, $0xFFFFFFFF, v30  }
0x193: {  	vm1 =	veq.s32 v42, v6;
	vm12 =	vmand vm12, vm15;
	vm10 =	vmand vm14, vm10  }
0x194: {  	vm14 =	vgt.s32 v42, v23;
	v58 =	vsel vm11, $0x1, v0;
	v59 =	vsel vm5, $0x1, v0  }
0x195: {  	[tilespmem:$0x1FED0] =	vst v30;
	v30 =	vimm.s32 $0x0;
	v57 =	vsel vm14, $0x1, v0;
	v31 =	vsel vm10, $0x1, v0  }
0x196: {  	v29 =	vadd.s32 v59, v29;
	v38 =	vadd.s32 v58, v38;
	v30 =	vsel vm1, $0xFFFFFFFF, v30  }
0x197: {  	vm1 =	veq.s32 v42, v25;
	v34 =	vadd.s32 v57, v28;
	[tilespmem:$0x1FEE0] =	vst v30;
	v30 =	vsel vm0, $0x1, v0  }
0x198: {  	v28 =	vsel vm12, $0x1, v0;
	v62 =	vld [tilespmem:$0x1FED0];
	vm0 =	vlt.s32 v56, v17;
	v36 =	vadd.s32 v30, v36  }
0x199: {  	v30 =	vsel vm9, $0x1, v0;
	vm9 =	vlt.s32 v56, v20;
	vm0 =	vmand vm0, vm3;
	v63 =	vld [tilespmem:$0x1FEE0]  }
0x19a: {  	p1 =	sne.s32 s1, $0x1;
	vm3 =	vlt.s32 v56, v33;
	v37 =	vadd.s32 v30, v37;
	v30 =	vsel vm13, $0x1, v0  }
.Ltmp17:
0x19b: {  	v35 =	vsel vm0, $0x1, v0;
	vm0 =	vgt.s32 v42, v16;
	vm8 =	vmand vm9, vm8;
	(pc) =	sbr.rel @p1 .LBB2_20-.Ltmp17, $4  }
0x19c: {  	v60 =	vsel vm0, $0x1, v0;
	v61 =	vsel vm8, $0x1, v0;
	vm0 =	vgt.s32 v42, v6  }
0x19d: {  	v39 =	vadd.s32 v60, v39;
	v29 =	vadd.s32 v61, v29;
	vm5 =	vnez.u8 v62  }
0x19e: {  	vm5 =	vmand vm2, vm5;
	vm2 =	vmand vm6, vm1;
	vm1 =	vnez.u8 v63  }
0x19f: {  	s1 =	sadd.s32 $0xFFFFFFFF, s1;
	s8 =	sadd.s32 $0x10, s8;
	v40 =	vsel vm0, $0x1, v0;
	v41 =	vsel vm5, $0x1, v0;
	vm1 =	vmand vm7, vm1  }
.LBB2_21:
0x1a0: {  	(xrf0) =	vadd.scan.msk.s32 $0xffff, v9  }
0x1a1: {  	(xrf0) =	vadd.scan.msk.s32 $0xffff, v13  }
0x1a2: {  	(xrf0) =	vadd.scan.msk.s32 $0xffff, v11  }
0x1a3: {  	(xrf0) =	vadd.scan.msk.s32 $0xffff, v5  }
0x1a4: {  	(xrf0) =	vadd.scan.msk.s32 $0xffff, v12  }
0x1a5: {  	(xrf0) =	vadd.scan.msk.s32 $0xffff, v10  }
0x1a6: {  	v6, _, _ =	vpop (xrf0);
	(xrf0) =	vadd.scan.msk.s32 $0xffff, v8  }
0x1a7: {  	vm0 =	vmand vm3, vm4;
	v21 =	vadd.s32 v41, v36;
	v22, _, _ =	vpop (xrf0);
	(xrf0) =	vadd.scan.msk.s32 $0xffff, v7  }
0x1a8: {  	v23 =	vadd.s32 v35, v39;
	v27 =	vadd.s32 v30, v32;
	v30 =	vld [tilespmem:$0x1FF10];
	v5 =	vsel vm0, $0x1, v0;
	v24, _, _ =	vpop (xrf0);
	(xrf0) =	vadd.scan.msk.s32 $0xffff, v21  }
0x1a9: {  	v35 =	vld [tilespmem:$0x1FF20];
	v5 =	vadd.s32 v5, v37;
	v26, _, _ =	vpop (xrf0);
	(xrf0) =	vadd.scan.msk.s32 $0xffff, v23  }
0x1aa: {  	v39 =	vld [tilespmem:$0x1FF30];
	v33, _, _ =	vpop (xrf0);
	(xrf0) =	vadd.scan.msk.s32 $0xffff, v5  }
0x1ab: {  	v5 =	vadd.s32 v31, v27;
	v37, _, _ =	vpop (xrf0);
	(xrf0) =	vadd.scan.msk.s32 $0xffff, v29  }
0x1ac: {  	v19 =	vsel vm2, $0x1, v0;
	v20 =	vsel vm1, $0x1, v0;
	v4 =	vadd.s32 v40, v4;
	v40, _, _ =	vpop (xrf0);
	(xrf0) =	vadd.scan.msk.s32 $0xffff, v5;
	v5 =	vld [tilespmem:$0x1FF40]  }
0x1ad: {  	v43 =	vld [tilespmem:$0x1FF50];
	v4 =	vadd.s32 v20, v4;
	v6 =	vbroadcast v6, $0xF;
	v11 =	vbroadcast v22, $0xF  }
0x1ae: {  	v45 =	vld [tilespmem:$0x1FF60];
	vm13 =	vnez.u8 v30;
	vm14 =	vnez.u8 v35;
	v25 =	vbroadcast v24, $0xF  }
0x1af: {  	v49 =	vld [tilespmem:$0x1FF70];
	vm15 =	vnez.u8 v39;
	v6 =	vsel vm13, v6, v11;
	v32 =	vbroadcast v26, $0xF  }
0x1b0: {  	v50 =	vld [tilespmem:$0x1FF80];
	v8 =	vadd.s32 v19, v38;
	v6 =	vsel vm14, v6, v25;
	v36 =	vbroadcast v33, $0xF  }
0x1b1: {  	v54 =	vld [tilespmem:$0x1FF90];
	v6 =	vsel vm15, v6, v32;
	v10 =	vbroadcast v37, $0xF;
	vm4 =	vnez.u8 v5  }
0x1b2: {  	v56 =	vld [tilespmem:$0x1FFA0];
	vm5 =	vnez.u8 v43;
	v41 =	vbroadcast v40, $0xF;
	v42, _, _ =	vpop (xrf0);
	(xrf0) =	vadd.scan.msk.s32 $0xffff, v8;
	v5 =	vsel vm4, v6, v36  }
0x1b3: {  	v59 =	vld [tilespmem:$0x1FFB0];
	vm6 =	vnez.u8 v45;
	v7 =	vbroadcast v42, $0xF;
	v44, _, _ =	vpop (xrf0);
	v5 =	vsel vm5, v5, v10  }
0x1b4: {  	v60 =	vld [tilespmem:$0x1FFC0];
	vm7 =	vnez.u8 v49;
	(xrf0) =	vadd.scan.msk.s32 $0xffff, v4;
	v4, _, _ =	vpop (xrf0);
	v46 =	vbroadcast v44, $0xF;
	v5 =	vsel vm6, v5, v41  }
0x1b5: {  	v62 =	vld [tilespmem:$0x1FFD0];
	vm8 =	vnez.u8 v50;
	v47, _, _ =	vpop (xrf0);
	v4 =	vbroadcast v4, $0xF;
	v5 =	vsel vm7, v5, v7  }
0x1b6: {  	vm9 =	vnez.u8 v54;
	v51 =	vbroadcast v47, $0xF;
	v52, _, _ =	vpop (xrf0);
	v5 =	vsel vm8, v5, v46  }
0x1b7: {  	vm10 =	vnez.u8 v56;
	v53, _, _ =	vpop (xrf0);
	v4 =	vsel vm9, v5, v4;
	v5 =	vbroadcast v52, $0xF  }
0x1b8: {  	vm11 =	vnez.u8 v59;
	v55, _, _ =	vpop (xrf0);
	v57 =	vbroadcast v53, $0xF;
	v4 =	vsel vm10, v4, v51  }
0x1b9: {  	vm12 =	vnez.u8 v60;
	v4 =	vsel vm11, v4, v5;
	v5 =	vbroadcast v55, $0xF  }
0x1ba: {  	v48 =	vadd.s32 v28, v34;
	vm13 =	vnez.u8 v62;
	v4 =	vsel vm12, v4, v57  }
0x1bb: {  	(xrf0) =	vadd.scan.msk.s32 $0xffff, v48;
	v4 =	vsel vm13, v4, v5;
	v5 =	vld [tilespmem:$0x1FFE0]  }
0x1bc: {  	v63 =	vld [tilespmem:$0x1FFF0]  }
0x1bd: {  	s30 =	sadd.s32 $0x1, s30  }
0x1be: {  	p1 =	seq.s32 s30, s28;
	v58, _, _ =	vpop (xrf0)  }
.Ltmp18:
0x1bf: {  	v61 =	vbroadcast v58, $0xF;
	(pc) =	sbr.rel @!p1 .LBB2_17-.Ltmp18, $4  }
0x1c0: {  	vm14 =	vnez.u8 v5  }
0x1c1: {  	vm15 =	vnez.u8 v63;
	v5, _, _ =	vpop (xrf0);
	v4 =	vsel vm14, v4, v61  }
0x1c2: {  	v4 =	vsel vm15, v4, v5  }
0x1c3: {  	[tilespmem:s31+$0x19D00] =	vst v4  }
.Ltmp19:
0x1c4: {  	(pc) =	sbr.rel @!p0 .LBB2_23-.Ltmp19, $4  }
0x1c5: {  	_ = 	snop  }
0x1c6: {  	s9 =	simm.s32 $0x19D00  }
0x1c7: {  	s8 =	simm.s32 $0x19900;
	s0 =	simm.s32 $0x19700;
	s31 =	simm.s32 $0x19B00;
	v5 =	vld [tilespmem:s9+$0x0]  }
0x1c8: {  	v4 =	vmov s26;
	s1 =	simm.s32 $0x0;
	p1 =	por $0x0, $0x0;
	v6 =	vld [tilespmem:s31+$0x0];
	s9 =	sadd.s32 $0xFFFFFFFF, s28  }
0x1c9: {  	_ =	sdelay $0x1  }
0x1ca: {  	v7 =	vor.u32 s1, v2  }
0x1cb: {  	vm0 =	vlt.s32 v7, v4;
	vm1 =	vlt.s32 v5, $0xC8  }
0x1cc: {  	v7 =	vld [tilespmem:s8+$0x0];
	vm2 =	vlt.s32 v5, $0x68;
	vm1 =	vmand vm0, vm1  }
0x1cd: {  	v8 =	vld [tilespmem:s0+$0x0];
	vm3 =	vgt.s32 v5, $0x67;
	vm0 =	vmand vm0, vm2  }
0x1ce: {  	vm14 =	vmand vm3, vm1  }
0x1cf: {  	v9 =	vadd.s32 $0xFFFFFF98, v5;
	_ =	sdelay $0x1  }
0x1d0: {  	p0 =	sne.s32 s9, $0x1;
	v6 =	vadd.s32 $0x1, v6;
	vm15 =	veq.s32 v7, $0x0  }
.Ltmp20:
0x1d1: {  	v6 =	vsel vm15, $0x0, v6;
	[tilespmem:v5+s15+$0x0] =	vst.idx.msk vm1, v8;
	(pc) =	sbr.rel @!p0 .LBB2_27-.Ltmp20, $4  }
0x1d2: {  	[tilespmem:v5+s16+$0x0] =	vst.idx.msk vm0, v6  }
0x1d3: {  	s26 =	simm.s32 $0x19D10;
	[tilespmem:v9+s17+$0x0] =	vst.idx.msk vm14, v6  }
0x1d4: {  	s28 =	simm.s32 $0x19B10;
	s30 =	sadd.s32 $0xFFFFFFFF, s9;
	p1 =	por $0x1, $0x1;
	v5 =	vld [tilespmem:s26+$0x0]  }
0x1d5: {  	s9 =	simm.s32 $0x19700;
	s29 =	simm.s32 $0x0;
	s8 =	simm.s32 $0x19910;
	v6 =	vld [tilespmem:s28+$0x0]  }
.LBB2_28:
0x1d6: {  	p0 =	sne.s32 s30, $0x1;
	v7 =	vld [tilespmem:s8+$0x0];
	s9 =	sadd.s32 $0x10, s9;
	s29 =	sadd.s32 $0x10, s29  }
0x1d7: {  	v8 =	vld [tilespmem:s9+$0x0];
	v9 =	vor.u32 s29, v2  }
0x1d8: {  	vm0 =	vlt.s32 v9, v4  }
0x1d9: {  	vm1 =	vlt.s32 v5, $0xC8;
	vm2 =	vgt.s32 v5, $0x67;
	v9 =	vadd.s32 $0xFFFFFF98, v5  }
0x1da: {  	vm3 =	vlt.s32 v5, $0x68;
	vm1 =	vmand vm0, vm1  }
0x1db: {  	vm0 =	vmand vm0, vm3;
	vm2 =	vmand vm2, vm1;
	_ =	sdelay $0x3  }
0x1dc: {  	v6 =	vadd.s32 $0x1, v6;
	vm3 =	veq.s32 v7, $0x0  }
.Ltmp21:
0x1dd: {  	v6 =	vsel vm3, $0x0, v6;
	[tilespmem:v5+s15+$0x0] =	vst.idx.msk vm1, v8;
	(pc) =	sbr.rel @p0 .LBB2_28-.Ltmp21, $4  }
0x1de: {  	[tilespmem:v5+s16+$0x0] =	vst.idx.msk vm0, v6  }
0x1df: {  	s26 =	sadd.s32 $0x10, s26;
	[tilespmem:v9+s17+$0x0] =	vst.idx.msk vm2, v6  }
0x1e0: {  	s28 =	sadd.s32 $0x10, s28;
	v5 =	vld [tilespmem:s26+$0x0]  }
0x1e1: {  	s30 =	sadd.s32 $0xFFFFFFFF, s30;
	s8 =	sadd.s32 $0x10, s8;
	v6 =	vld [tilespmem:s28+$0x0]  }
.Ltmp22:
0x1e2: {  	_ = 	snop;
	(pc) =	sbr.rel .LBB2_29-.Ltmp22, $1  }
0x1e3: {  	_ =	sdelay $0x3  }
.LBB2_27:
.Ltmp23:
0x1e4: {  	(pc) =	sbr.rel .LBB2_29-.Ltmp23, $2  }
0x1e5: {  	_ =	sdelay $0x2  }
0x1e6: {  	s9 =	simm.s32 $0x19700;
	s29 =	simm.s32 $0x0  }
.LBB2_32:
0x1e7: {  	_ =	sfence.sel $0x180000  }
0x1e8: {  	[bflag:$0x0] =	sbarrier.arrive $0xFFFF  }
0x1e9: {  	_ =	strace $0x90000047  }
0x1ea: {  	s0 =	stileid.u32;
	[bflag:$0x2] =	sbarrier.arrive $0xFFFF  }
0x1eb: {  	p0 =	sne.s32 s0, $0x0;
	s0 =	rddreg [dreg:$0x2]  }
0x1ec: {  	s0 =	sadd.s32 @!p0 $0x100000, s0  }
0x1ed: {  	[sflag:s0] =	ssyncadd.tile.s32 @!p0 $0x1;
	_ =	shalt  }
.Lfunc_end2:
_tile_overlayer_lowered:
.L_overlay_start_2:
0x1ee: {  	(tag) =	ssettag $0x2  }
0x1ef: {  	s0 =	rddreg [dreg:$0x0];
	s2 =	stileid.u32  }
0x1f0: {  	s1 =	rddreg [dreg:$0x1];
	p0 =	sne.s32 s2, $0x0  }
0x1f1: {  	s3 =	rddreg [dreg:$0x2];
	[bflag:$0x3] =	sbarrier.arrive $0xFFFF;
	s2 =	simm.s32 @!p0 $0x1C03  }
0x1f2: {  	[timem:s3], [sflag:s2] =	dma.local @!p0 [hbm:s0], s1  }
0x1f3: {  	s0 =	simm.s32 @!p0 $0x3  }
0x1f4: {  	_ =	swait.ge @!p0 [sflag:s0], s1  }
0x1f5: {  	s1 =	ssub.s32 @!p0 $0x0, s1;
	[sflag:s0] =	ssyncset.done @!p0 $0x0  }
0x1f6: {  	[sflag:s0] =	ssyncadd.s32 @!p0 s1  }
0x1f7: {  	[bflag:$0x3] =	sbarrier.arrive $0xFFFF  }
0x1f8: {  	_ =	shalt  }

</sc_bundles>
